<compile_context>
chip_gen: v7x
topology: tpu7x:2x2x1
jax: 0.10.2.dev20260603
libtpu: 0.0.44.dev20260713+nightly
codegen_flags: <defaults>
</compile_context>

<pallas_src>
import dataclasses
import functools

import jax
import jax.numpy as jnp
from jax import lax
from jax.experimental import pallas as pl
from jax.experimental.pallas import tpu as pltpu
from jax.experimental.pallas import tpu_sc as plsc

N = 10000
D = 128
H = 64
C = 2
E = 320000
EPS = 1e-5

NC = 2
NS = 16
NW = NC * NS
CHUNK = 128
EPT = 10240
E_PAD = NW * EPT
NCHUNK = EPT // CHUNK
ROWS_PER_SUB = 632
N_PAD = NS * ROWS_PER_SUB
CW = 16
NBUF = 2

BN_ROWS = 1000


def _seg_sum_sc(values_pad, src_t, dst_t, z_acc):
  mesh = plsc.VectorSubcoreMesh(core_axis_name="c", subcore_axis_name="s")

  out_type = jax.ShapeDtypeStruct((NC, N_PAD, H), jnp.float32)
  scratch = [
      pltpu.VMEM((NCHUNK, CHUNK), jnp.int32),
      pltpu.VMEM((NCHUNK, CHUNK), jnp.int32),
      pltpu.VMEM((NBUF, CHUNK, H), jnp.float32),
      pltpu.SemaphoreType.DMA((NBUF,)),
      pltpu.VMEM_SHARED((N_PAD, H), jnp.float32),
      pltpu.VMEM_SHARED((N_PAD, H), jnp.float32),
  ]

  def body(vals_hbm, src_hbm, dst_hbm, zacc_hbm, out_hbm,
           srcv, dstv, rows, gsem, tab, acc):
    cid = lax.axis_index("c")
    sid = lax.axis_index("s")
    wid = cid * NS + sid
    rstart = sid * ROWS_PER_SUB
    rsl = pl.ds(rstart, ROWS_PER_SUB)

    pltpu.sync_copy(src_hbm.at[wid], srcv)
    pltpu.sync_copy(dst_hbm.at[wid], dstv)

    pltpu.sync_copy(vals_hbm.at[rsl], tab.at[rsl])
    pltpu.sync_copy(zacc_hbm.at[rsl], acc.at[rsl])
    plsc.subcore_barrier()

    def gather_start(c, b):
      pltpu.async_copy(tab.at[srcv.at[c]], rows.at[b], gsem.at[b])

    def gather_wait(c, b):
      pltpu.make_async_copy(tab.at[srcv.at[c]], rows.at[b],
                            gsem.at[b]).wait()

    for b in range(NBUF):
      gather_start(b, b)

    @pl.loop(0, NCHUNK, step=NBUF)
    def _(c0):
      for b in range(NBUF):
        c = c0 + b
        gather_wait(c, b)
        pltpu.sync_copy(rows.at[b], acc.at[dstv.at[c]], add=True)

        @pl.when(c + NBUF < NCHUNK)
        def _():
          gather_start(c + NBUF, b)

    plsc.subcore_barrier()

    pltpu.sync_copy(acc.at[rsl], out_hbm.at[cid, rsl])

  cp = pltpu.CompilerParams(use_tc_tiling_on_sc=False)
  k = pl.kernel(body, out_type=out_type, mesh=mesh,
                scratch_types=scratch, compiler_params=cp)
  return k(values_pad, src_t, dst_t, z_acc)


def _hist_sc(dst_t):
  mesh = plsc.VectorSubcoreMesh(core_axis_name="c", subcore_axis_name="s")

  scratch = [
      pltpu.VMEM((NCHUNK, CHUNK), jnp.int32),
      pltpu.VMEM((N_PAD,), jnp.float32),
  ]

  def body(dst_hbm, cnt_hbm, dstv, hist):
    cid = lax.axis_index("c")
    sid = lax.axis_index("s")
    wid = cid * NS + sid
    pltpu.sync_copy(dst_hbm.at[wid], dstv)

    zero16 = jnp.zeros((16,), jnp.float32)

    @pl.loop(0, N_PAD, step=16)
    def _(r):
      hist[pl.ds(r, 16)] = zero16

    ones16 = jnp.full((16,), 1.0, jnp.float32)

    @pl.loop(0, NCHUNK)
    def _(c):
      for j in range(CHUNK // 16):
        d16 = dstv[c, pl.ds(j * 16, 16)]
        plsc.addupdate_scatter(hist, [d16], ones16)

    pltpu.sync_copy(hist, cnt_hbm.at[wid])

  cp = pltpu.CompilerParams(use_tc_tiling_on_sc=False)
  if "needs_layout_passes" in pltpu.CompilerParams.__dataclass_fields__:
    cp = dataclasses.replace(cp, needs_layout_passes=False)
  k = pl.kernel(body, out_type=jax.ShapeDtypeStruct((NW, N_PAD), jnp.float32),
                mesh=mesh, scratch_types=scratch, compiler_params=cp)
  return k(dst_t)


def _dot(a, b):
  return jax.lax.dot(a, b, precision=lax.Precision.HIGHEST)


def _pre_tc(x, w_l, w_r):
  d_in = x.shape[1]

  def body(x_ref, wl_ref, wr_ref, a_ref, b_ref):
    xv = x_ref[...]
    a_ref[...] = _dot(xv, wl_ref[...])
    b_ref[...] = _dot(xv, wr_ref[...])

  return pl.pallas_call(
      body,
      grid=(N // BN_ROWS,),
      in_specs=[
          pl.BlockSpec((BN_ROWS, d_in), lambda i: (i, 0)),
          pl.BlockSpec((d_in, H), lambda i: (0, 0)),
          pl.BlockSpec((d_in, H), lambda i: (0, 0)),
      ],
      out_specs=[
          pl.BlockSpec((BN_ROWS, H), lambda i: (i, 0)),
          pl.BlockSpec((BN_ROWS, H), lambda i: (i, 0)),
      ],
      out_shape=[jax.ShapeDtypeStruct((N_PAD, H), jnp.float32),
                 jax.ShapeDtypeStruct((N, H), jnp.float32)],
  )(x, w_l, w_r)


def _mid_tc(aggp, cntp, b_side, h_prev, bvec, svec, tvec, wl_n, wr_n, resid):

  def body(*refs):
    if resid:
      (a0, a1, cp, bs, hp, bv, sv, tv, wl, wr, h_ref, a_ref, b_ref) = refs
    else:
      (a0, a1, cp, bs, bv, sv, tv, wl, wr, h_ref, a_ref, b_ref) = refs
    cnt = jnp.maximum(jnp.sum(cp[...], axis=1, keepdims=True), 1.0)
    mean = (a0[0] + a1[0]) / cnt
    y = (mean + bs[...] + bv[...]) * sv[...] + tv[...]
    h = jnp.maximum(y, 0.0)
    if resid:
      h = h + hp[...]
    h_ref[...] = h
    a_ref[...] = _dot(h, wl[...])
    b_ref[...] = _dot(h, wr[...])

  blk3h = pl.BlockSpec((1, BN_ROWS, H), lambda i: (0, i, 0))
  blk3h1 = pl.BlockSpec((1, BN_ROWS, H), lambda i: (1, i, 0))
  blkc = pl.BlockSpec((BN_ROWS, NW), lambda i: (i, 0))
  blkh = pl.BlockSpec((BN_ROWS, H), lambda i: (i, 0))
  blkv = pl.BlockSpec((1, H), lambda i: (0, 0))
  blkw = pl.BlockSpec((H, H), lambda i: (0, 0))

  in_specs = [blk3h, blk3h1, blkc, blkh]
  args = [aggp, aggp, cntp, b_side]
  if resid:
    in_specs.append(blkh)
    args.append(h_prev)
  in_specs += [blkv, blkv, blkv, blkw, blkw]
  args += [bvec, svec, tvec, wl_n, wr_n]

  return pl.pallas_call(
      body,
      grid=(N // BN_ROWS,),
      in_specs=in_specs,
      out_specs=[blkh, blkh, blkh],
      out_shape=[jax.ShapeDtypeStruct((N, H), jnp.float32),
                 jax.ShapeDtypeStruct((N_PAD, H), jnp.float32),
                 jax.ShapeDtypeStruct((N, H), jnp.float32)],
  )(*args)


def _fin_tc(aggp, cntp, b_side, h_prev, bvec, svec, tvec, wc, bc):

  def body(a0, a1, cp, bs, hp, bv, sv, tv, wc_ref, bc_ref, o_ref):
    cnt = jnp.maximum(jnp.sum(cp[...], axis=1, keepdims=True), 1.0)
    mean = (a0[0] + a1[0]) / cnt
    y = (mean + bs[...] + bv[...]) * sv[...] + tv[...]
    h = jnp.maximum(y, 0.0) + hp[...]
    logits = _dot(h, wc_ref[...]) + bc_ref[...]
    m = jnp.max(logits, axis=1, keepdims=True)
    lse = m + jnp.log(jnp.sum(jnp.exp(logits - m), axis=1, keepdims=True))
    o_ref[...] = logits - lse

  blk3h = pl.BlockSpec((1, BN_ROWS, H), lambda i: (0, i, 0))
  blk3h1 = pl.BlockSpec((1, BN_ROWS, H), lambda i: (1, i, 0))
  blkc = pl.BlockSpec((BN_ROWS, NW), lambda i: (i, 0))
  blkh = pl.BlockSpec((BN_ROWS, H), lambda i: (i, 0))
  blkv = pl.BlockSpec((1, H), lambda i: (0, 0))

  return pl.pallas_call(
      body,
      grid=(N // BN_ROWS,),
      in_specs=[
          blk3h, blk3h1, blkc, blkh, blkh,
          blkv, blkv, blkv,
          pl.BlockSpec((H, C), lambda i: (0, 0)),
          pl.BlockSpec((1, C), lambda i: (0, 0)),
      ],
      out_specs=pl.BlockSpec((BN_ROWS, C), lambda i: (i, 0)),
      out_shape=jax.ShapeDtypeStruct((N, C), jnp.float32),
  )(aggp, aggp, cntp, b_side, h_prev, bvec, svec, tvec, wc, bc)


def kernel(x, edge_index, params):
  src = edge_index[0].astype(jnp.int32)
  dst = edge_index[1].astype(jnp.int32)
  pad = E_PAD - E
  src_t = jnp.concatenate([src, jnp.zeros((pad,), jnp.int32)]).reshape(
      NW, NCHUNK, CHUNK)
  dst_t = jnp.concatenate([dst, jnp.full((pad,), N, jnp.int32)]).reshape(
      NW, NCHUNK, CHUNK)
  z_acc = jnp.zeros((N_PAD, H), jnp.float32)

  k = 1.0 / jnp.sqrt(jnp.float32(1.0 + EPS))
  row = lambda v: v.reshape(1, -1)
  sv = [row(params[f'g{l}'] * k) for l in range(3)]
  tv = [row(params[f'bt{l}']) for l in range(3)]
  bv = [row(params[f'b{l}']) for l in range(3)]

  cntp = _hist_sc(dst_t).T

  a0, b0 = _pre_tc(x, params['W0_l'], params['W0_r'])
  aggp = _seg_sum_sc(a0, src_t, dst_t, z_acc)
  h1, a1, b1 = _mid_tc(aggp, cntp, b0, None, bv[0], sv[0], tv[0],
                       params['W1_l'], params['W1_r'], resid=False)
  aggp1 = _seg_sum_sc(a1, src_t, dst_t, z_acc)
  h2, a2, b2 = _mid_tc(aggp1, cntp, b1, h1, bv[1], sv[1], tv[1],
                       params['W2_l'], params['W2_r'], resid=True)
  aggp2 = _seg_sum_sc(a2, src_t, dst_t, z_acc)
  return _fin_tc(aggp2, cntp, b2, h2, bv[2], sv[2], tv[2],
                 params['Wc'], row(params['bc']))

# --- scband reference (transcript-rebuilt; emitter-appended) ---
"""Pipeline reference for scband-graph-sage-aml-32246614458737 (READ-ONLY COPY).

The authoritative reference and input builder live on the scoring server;
editing this copy changes nothing except your own understanding.
"""

import jax, jax.numpy as jnp
import numpy as np

N = 10000
E = 320000
D = 128
H = 64
C = 2
EPS = 1e-5


def setup_inputs(seed: int = 0) -> dict:
    key = jax.random.key(seed)
    ks = jax.random.split(key, 16)
    x = jax.random.normal(ks[0], (N, D), dtype=jnp.float32)
    edge_index = jax.random.randint(ks[1], (2, E), 0, N).astype(jnp.int64)
    s = 0.05
    params = {
        'W0_l': jax.random.normal(ks[2], (D, H), dtype=jnp.float32) * s,
        'b0':   jnp.zeros((H,), dtype=jnp.float32),
        'W0_r': jax.random.normal(ks[3], (D, H), dtype=jnp.float32) * s,
        'g0':   jnp.ones((H,), dtype=jnp.float32),
        'bt0':  jnp.zeros((H,), dtype=jnp.float32),
        'W1_l': jax.random.normal(ks[4], (H, H), dtype=jnp.float32) * s,
        'b1':   jnp.zeros((H,), dtype=jnp.float32),
        'W1_r': jax.random.normal(ks[5], (H, H), dtype=jnp.float32) * s,
        'g1':   jnp.ones((H,), dtype=jnp.float32),
        'bt1':  jnp.zeros((H,), dtype=jnp.float32),
        'W2_l': jax.random.normal(ks[6], (H, H), dtype=jnp.float32) * s,
        'b2':   jnp.zeros((H,), dtype=jnp.float32),
        'W2_r': jax.random.normal(ks[7], (H, H), dtype=jnp.float32) * s,
        'g2':   jnp.ones((H,), dtype=jnp.float32),
        'bt2':  jnp.zeros((H,), dtype=jnp.float32),
        'Wc':   jax.random.normal(ks[8], (H, C), dtype=jnp.float32) * s,
        'bc':   jnp.zeros((C,), dtype=jnp.float32),
    }
    return {'x': x, 'edge_index': edge_index, 'params': params}


def _sage_conv(h, src, dst, W_l, b_l, W_r):
    # PyG SAGEConv (aggr='mean'): out = lin_l(mean_{j in N(i)} x_j) + lin_r(x_i)
    msgs = h[src]
    summed = jax.ops.segment_sum(msgs, dst, num_segments=N)
    cnt = jax.ops.segment_sum(jnp.ones((msgs.shape[0],), h.dtype), dst, num_segments=N)
    mean = summed / jnp.clip(cnt, 1.0, None)[:, None]
    return mean @ W_l + b_l + h @ W_r


def _batch_norm_eval(h, gamma, beta):
    # eval-mode BatchNorm1d at init: running_mean=0, running_var=1
    return (h / jnp.sqrt(1.0 + EPS)) * gamma + beta


def reference(x, edge_index, params):
    src = edge_index[0]
    dst = edge_index[1]
    h = x
    layers = [('W0_l', 'b0', 'W0_r', 'g0', 'bt0'),
              ('W1_l', 'b1', 'W1_r', 'g1', 'bt1'),
              ('W2_l', 'b2', 'W2_r', 'g2', 'bt2')]
    for wl, b, wr, g, bt in layers:
        prev = h
        h2 = _sage_conv(h, src, dst, params[wl], params[b], params[wr])
        h2 = _batch_norm_eval(h2, params[g], params[bt])
        h2 = jax.nn.relu(h2)
        if h2.shape == prev.shape:
            h2 = h2 + prev
        # dropout identity in eval mode
        h = h2
    logits = h @ params['Wc'] + params['bc']
    return jax.nn.log_softmax(logits, axis=1)

if __name__ == "__main__":
    import jax
    _d = setup_inputs()
    print(jax.jit(kernel)(*tuple(_d.values())))

</pallas_src>

<mosaic_0001>
#map = affine_map<(d0, d1) -> (0, 0)>
#map1 = affine_map<(d0, d1) -> (0, 0, 0)>
module attributes {stable_mosaic.version = 14 : i64} {
  func.func @body(%arg0: i32, %arg1: i32, %arg2: memref<10112x64xf32, #tpu.memory_space<hbm>>, %arg3: memref<32x80x128xi32, #tpu.memory_space<hbm>>, %arg4: memref<32x80x128xi32, #tpu.memory_space<hbm>>, %arg5: memref<10112x64xf32, #tpu.memory_space<hbm>>, %arg6: memref<2x10112x64xf32, #tpu.memory_space<hbm>>, %arg7: memref<80x128xi32, #tpu.memory_space<vmem>>, %arg8: memref<80x128xi32, #tpu.memory_space<vmem>>, %arg9: memref<2x128x64xf32, #tpu.memory_space<vmem>>, %arg10: memref<2x!tpu.dma_semaphore, #tpu.memory_space<semaphore_mem>>, %arg11: memref<10112x64xf32, #tpu.memory_space<vmem_shared>>, %arg12: memref<10112x64xf32, #tpu.memory_space<vmem_shared>>) attributes {dimension_semantics = [#tpu.dimension_semantics<core_parallel>, #tpu.dimension_semantics<subcore_parallel>], iteration_bounds = array<i64: 2, 16>, scalar_prefetch = 0 : i64, scratch_operands = 6 : i64, tpu.core_type = #tpu.core_type<sc_vector_subcore>, window_params = [{transform_indices = #map}, {transform_indices = #map1}, {transform_indices = #map1}, {transform_indices = #map}, {transform_indices = #map1}]} {
    %mul3A = arith.constant 16 : i32
    %mul3A_0 = arith.muli %arg0, %mul3A : i32
    %add3A = arith.addi %mul3A_0, %arg1 : i32
    %mul3A_1 = arith.constant 632 : i32
    %mul3A_2 = arith.muli %arg1, %mul3A_1 : i32
    "tpu.region"() ({
      %run_scoped3A = tpu.sem_alloc : memref<!tpu.dma_semaphore, #tpu.memory_space<semaphore_mem>>
      %dma_start3A_37 = arith.constant 0 : i32
      %dma_start3A_38 = arith.constant 0 : i32
      %dma_start3A_39 = tpu.memref_slice %arg3[%add3A, %dma_start3A_37, %dma_start3A_38] : memref<32x80x128xi32, #tpu.memory_space<hbm>> -> memref<1x80x128xi32, #tpu.memory_space<hbm>>
      %dma_start3A_40 = tpu.memref_squeeze %dma_start3A_39 : memref<1x80x128xi32, #tpu.memory_space<hbm>> -> memref<80x128xi32, #tpu.memory_space<hbm>>
      %dma_start3A_41 = arith.constant 0 : i32
      %dma_start3A_42 = arith.constant 0 : i32
      %dma_start3A_43 = tpu.memref_slice %arg3[%add3A, %dma_start3A_41, %dma_start3A_42] : memref<32x80x128xi32, #tpu.memory_space<hbm>> -> memref<1x80x128xi32, #tpu.memory_space<hbm>>
      %dma_start3A_44 = tpu.memref_squeeze %dma_start3A_43 : memref<1x80x128xi32, #tpu.memory_space<hbm>> -> memref<80x128xi32, #tpu.memory_space<hbm>>
      tpu.enqueue_dma source(%dma_start3A_44 : memref<80x128xi32, #tpu.memory_space<hbm>>) target(%arg7 : memref<80x128xi32, #tpu.memory_space<vmem>>) target_semaphore(%run_scoped3A : memref<!tpu.dma_semaphore, #tpu.memory_space<semaphore_mem>>)
      %dma_wait3A = arith.constant 0 : i32
      %dma_wait3A_45 = arith.constant 0 : i32
      %dma_wait3A_46 = tpu.memref_slice %arg3[%add3A, %dma_wait3A, %dma_wait3A_45] : memref<32x80x128xi32, #tpu.memory_space<hbm>> -> memref<1x80x128xi32, #tpu.memory_space<hbm>>
      %dma_wait3A_47 = tpu.memref_squeeze %dma_wait3A_46 : memref<1x80x128xi32, #tpu.memory_space<hbm>> -> memref<80x128xi32, #tpu.memory_space<hbm>>
      %dma_wait3A_48 = arith.constant 0 : i32
      %dma_wait3A_49 = arith.constant 0 : i32
      %dma_wait3A_50 = tpu.memref_slice %arg3[%add3A, %dma_wait3A_48, %dma_wait3A_49] : memref<32x80x128xi32, #tpu.memory_space<hbm>> -> memref<1x80x128xi32, #tpu.memory_space<hbm>>
      %dma_wait3A_51 = tpu.memref_squeeze %dma_wait3A_50 : memref<1x80x128xi32, #tpu.memory_space<hbm>> -> memref<80x128xi32, #tpu.memory_space<hbm>>
      tpu.wait_dma2 semaphore(%run_scoped3A : memref<!tpu.dma_semaphore, #tpu.memory_space<semaphore_mem>>) src(%dma_wait3A_51 : memref<80x128xi32, #tpu.memory_space<hbm>>) dst(%arg7 : memref<80x128xi32, #tpu.memory_space<vmem>>)
      tpu.yield
    }) : () -> ()
    "tpu.region"() ({
      %run_scoped3A = tpu.sem_alloc : memref<!tpu.dma_semaphore, #tpu.memory_space<semaphore_mem>>
      %dma_start3A_37 = arith.constant 0 : i32
      %dma_start3A_38 = arith.constant 0 : i32
      %dma_start3A_39 = tpu.memref_slice %arg4[%add3A, %dma_start3A_37, %dma_start3A_38] : memref<32x80x128xi32, #tpu.memory_space<hbm>> -> memref<1x80x128xi32, #tpu.memory_space<hbm>>
      %dma_start3A_40 = tpu.memref_squeeze %dma_start3A_39 : memref<1x80x128xi32, #tpu.memory_space<hbm>> -> memref<80x128xi32, #tpu.memory_space<hbm>>
      %dma_start3A_41 = arith.constant 0 : i32
      %dma_start3A_42 = arith.constant 0 : i32
      %dma_start3A_43 = tpu.memref_slice %arg4[%add3A, %dma_start3A_41, %dma_start3A_42] : memref<32x80x128xi32, #tpu.memory_space<hbm>> -> memref<1x80x128xi32, #tpu.memory_space<hbm>>
      %dma_start3A_44 = tpu.memref_squeeze %dma_start3A_43 : memref<1x80x128xi32, #tpu.memory_space<hbm>> -> memref<80x128xi32, #tpu.memory_space<hbm>>
      tpu.enqueue_dma source(%dma_start3A_44 : memref<80x128xi32, #tpu.memory_space<hbm>>) target(%arg8 : memref<80x128xi32, #tpu.memory_space<vmem>>) target_semaphore(%run_scoped3A : memref<!tpu.dma_semaphore, #tpu.memory_space<semaphore_mem>>)
      %dma_wait3A = arith.constant 0 : i32
      %dma_wait3A_45 = arith.constant 0 : i32
      %dma_wait3A_46 = tpu.memref_slice %arg4[%add3A, %dma_wait3A, %dma_wait3A_45] : memref<32x80x128xi32, #tpu.memory_space<hbm>> -> memref<1x80x128xi32, #tpu.memory_space<hbm>>
      %dma_wait3A_47 = tpu.memref_squeeze %dma_wait3A_46 : memref<1x80x128xi32, #tpu.memory_space<hbm>> -> memref<80x128xi32, #tpu.memory_space<hbm>>
      %dma_wait3A_48 = arith.constant 0 : i32
      %dma_wait3A_49 = arith.constant 0 : i32
      %dma_wait3A_50 = tpu.memref_slice %arg4[%add3A, %dma_wait3A_48, %dma_wait3A_49] : memref<32x80x128xi32, #tpu.memory_space<hbm>> -> memref<1x80x128xi32, #tpu.memory_space<hbm>>
      %dma_wait3A_51 = tpu.memref_squeeze %dma_wait3A_50 : memref<1x80x128xi32, #tpu.memory_space<hbm>> -> memref<80x128xi32, #tpu.memory_space<hbm>>
      tpu.wait_dma2 semaphore(%run_scoped3A : memref<!tpu.dma_semaphore, #tpu.memory_space<semaphore_mem>>) src(%dma_wait3A_51 : memref<80x128xi32, #tpu.memory_space<hbm>>) dst(%arg8 : memref<80x128xi32, #tpu.memory_space<vmem>>)
      tpu.yield
    }) : () -> ()
    "tpu.region"() ({
      %run_scoped3A = tpu.sem_alloc : memref<!tpu.dma_semaphore, #tpu.memory_space<semaphore_mem>>
      %dma_start3A_37 = arith.constant 0 : i32
      %dma_start3A_38 = tpu.memref_slice %arg11[%mul3A_2, %dma_start3A_37] : memref<10112x64xf32, #tpu.memory_space<vmem_shared>> -> memref<632x64xf32, #tpu.memory_space<vmem_shared>>
      %dma_start3A_39 = arith.constant 0 : i32
      %dma_start3A_40 = tpu.memref_slice %arg2[%mul3A_2, %dma_start3A_39] : memref<10112x64xf32, #tpu.memory_space<hbm>> -> memref<632x64xf32, #tpu.memory_space<hbm>>
      tpu.enqueue_dma source(%dma_start3A_40 : memref<632x64xf32, #tpu.memory_space<hbm>>) target(%dma_start3A_38 : memref<632x64xf32, #tpu.memory_space<vmem_shared>>) target_semaphore(%run_scoped3A : memref<!tpu.dma_semaphore, #tpu.memory_space<semaphore_mem>>)
      %dma_wait3A = arith.constant 0 : i32
      %dma_wait3A_41 = tpu.memref_slice %arg11[%mul3A_2, %dma_wait3A] : memref<10112x64xf32, #tpu.memory_space<vmem_shared>> -> memref<632x64xf32, #tpu.memory_space<vmem_shared>>
      %dma_wait3A_42 = arith.constant 0 : i32
      %dma_wait3A_43 = tpu.memref_slice %arg2[%mul3A_2, %dma_wait3A_42] : memref<10112x64xf32, #tpu.memory_space<hbm>> -> memref<632x64xf32, #tpu.memory_space<hbm>>
      tpu.wait_dma2 semaphore(%run_scoped3A : memref<!tpu.dma_semaphore, #tpu.memory_space<semaphore_mem>>) src(%dma_wait3A_43 : memref<632x64xf32, #tpu.memory_space<hbm>>) dst(%dma_wait3A_41 : memref<632x64xf32, #tpu.memory_space<vmem_shared>>)
      tpu.yield
    }) : () -> ()
    "tpu.region"() ({
      %run_scoped3A = tpu.sem_alloc : memref<!tpu.dma_semaphore, #tpu.memory_space<semaphore_mem>>
      %dma_start3A_37 = arith.constant 0 : i32
      %dma_start3A_38 = tpu.memref_slice %arg12[%mul3A_2, %dma_start3A_37] : memref<10112x64xf32, #tpu.memory_space<vmem_shared>> -> memref<632x64xf32, #tpu.memory_space<vmem_shared>>
      %dma_start3A_39 = arith.constant 0 : i32
      %dma_start3A_40 = tpu.memref_slice %arg5[%mul3A_2, %dma_start3A_39] : memref<10112x64xf32, #tpu.memory_space<hbm>> -> memref<632x64xf32, #tpu.memory_space<hbm>>
      tpu.enqueue_dma source(%dma_start3A_40 : memref<632x64xf32, #tpu.memory_space<hbm>>) target(%dma_start3A_38 : memref<632x64xf32, #tpu.memory_space<vmem_shared>>) target_semaphore(%run_scoped3A : memref<!tpu.dma_semaphore, #tpu.memory_space<semaphore_mem>>)
      %dma_wait3A = arith.constant 0 : i32
      %dma_wait3A_41 = tpu.memref_slice %arg12[%mul3A_2, %dma_wait3A] : memref<10112x64xf32, #tpu.memory_space<vmem_shared>> -> memref<632x64xf32, #tpu.memory_space<vmem_shared>>
      %dma_wait3A_42 = arith.constant 0 : i32
      %dma_wait3A_43 = tpu.memref_slice %arg5[%mul3A_2, %dma_wait3A_42] : memref<10112x64xf32, #tpu.memory_space<hbm>> -> memref<632x64xf32, #tpu.memory_space<hbm>>
      tpu.wait_dma2 semaphore(%run_scoped3A : memref<!tpu.dma_semaphore, #tpu.memory_space<semaphore_mem>>) src(%dma_wait3A_43 : memref<632x64xf32, #tpu.memory_space<hbm>>) dst(%dma_wait3A_41 : memref<632x64xf32, #tpu.memory_space<vmem_shared>>)
      tpu.yield
    }) : () -> ()
    %barrier3A = arith.constant 0 : index
    tpu.barrier barrier_id(%barrier3A)
    %dma_start3A = arith.constant 0 : i32
    %dma_start3A_3 = arith.constant 0 : i32
    %dma_start3A_4 = arith.constant 0 : i32
    %dma_start3A_5 = arith.constant 0 : i32
    %dma_start3A_6 = arith.constant 0 : i32
    %dma_start3A_7 = tpu.memref_slice %arg9[%dma_start3A_3, %dma_start3A_5, %dma_start3A_6] : memref<2x128x64xf32, #tpu.memory_space<vmem>> -> memref<1x128x64xf32, #tpu.memory_space<vmem>>
    %dma_start3A_8 = tpu.memref_squeeze %dma_start3A_7 : memref<1x128x64xf32, #tpu.memory_space<vmem>> -> memref<128x64xf32, #tpu.memory_space<vmem>>
    %dma_start3A_9 = arith.constant 0 : i32
    %dma_start3A_10 = tpu.memref_slice %arg7[%dma_start3A, %dma_start3A_9] : memref<80x128xi32, #tpu.memory_space<vmem>> -> memref<1x128xi32, #tpu.memory_space<vmem>>
    %dma_start3A_11 = tpu.memref_squeeze %dma_start3A_10 : memref<1x128xi32, #tpu.memory_space<vmem>> -> memref<128xi32, #tpu.memory_space<vmem>>
    %dma_start3A_12 = arith.constant 0 : i32
    %dma_start3A_13 = arith.constant 0 : i32
    %dma_start3A_14 = tpu.memref_slice %arg11[%dma_start3A_12, %dma_start3A_13] : memref<10112x64xf32, #tpu.memory_space<vmem_shared>> -> memref<10112x64xf32, #tpu.memory_space<vmem_shared>>
    %dma_start3A_15 = tpu.memref_slice %arg10[%dma_start3A_4] : memref<2x!tpu.dma_semaphore, #tpu.memory_space<semaphore_mem>> -> memref<1x!tpu.dma_semaphore, #tpu.memory_space<semaphore_mem>>
    %dma_start3A_16 = tpu.memref_squeeze %dma_start3A_15 : memref<1x!tpu.dma_semaphore, #tpu.memory_space<semaphore_mem>> -> memref<!tpu.dma_semaphore, #tpu.memory_space<semaphore_mem>>
    tpu.enqueue_indirect_dma source(%dma_start3A_14 : memref<10112x64xf32, #tpu.memory_space<vmem_shared>>) target(%dma_start3A_8 : memref<128x64xf32, #tpu.memory_space<vmem>>) offsets(%dma_start3A_11 : memref<128xi32, #tpu.memory_space<vmem>>) semaphore(%dma_start3A_16 : memref<!tpu.dma_semaphore, #tpu.memory_space<semaphore_mem>>)
    %dma_start3A_17 = arith.constant 1 : i32
    %dma_start3A_18 = arith.constant 1 : i32
    %dma_start3A_19 = arith.constant 1 : i32
    %dma_start3A_20 = arith.constant 0 : i32
    %dma_start3A_21 = arith.constant 0 : i32
    %dma_start3A_22 = tpu.memref_slice %arg9[%dma_start3A_18, %dma_start3A_20, %dma_start3A_21] : memref<2x128x64xf32, #tpu.memory_space<vmem>> -> memref<1x128x64xf32, #tpu.memory_space<vmem>>
    %dma_start3A_23 = tpu.memref_squeeze %dma_start3A_22 : memref<1x128x64xf32, #tpu.memory_space<vmem>> -> memref<128x64xf32, #tpu.memory_space<vmem>>
    %dma_start3A_24 = arith.constant 0 : i32
    %dma_start3A_25 = tpu.memref_slice %arg7[%dma_start3A_17, %dma_start3A_24] : memref<80x128xi32, #tpu.memory_space<vmem>> -> memref<1x128xi32, #tpu.memory_space<vmem>>
    %dma_start3A_26 = tpu.memref_squeeze %dma_start3A_25 : memref<1x128xi32, #tpu.memory_space<vmem>> -> memref<128xi32, #tpu.memory_space<vmem>>
    %dma_start3A_27 = arith.constant 0 : i32
    %dma_start3A_28 = arith.constant 0 : i32
    %dma_start3A_29 = tpu.memref_slice %arg11[%dma_start3A_27, %dma_start3A_28] : memref<10112x64xf32, #tpu.memory_space<vmem_shared>> -> memref<10112x64xf32, #tpu.memory_space<vmem_shared>>
    %dma_start3A_30 = tpu.memref_slice %arg10[%dma_start3A_19] : memref<2x!tpu.dma_semaphore, #tpu.memory_space<semaphore_mem>> -> memref<1x!tpu.dma_semaphore, #tpu.memory_space<semaphore_mem>>
    %dma_start3A_31 = tpu.memref_squeeze %dma_start3A_30 : memref<1x!tpu.dma_semaphore, #tpu.memory_space<semaphore_mem>> -> memref<!tpu.dma_semaphore, #tpu.memory_space<semaphore_mem>>
    tpu.enqueue_indirect_dma source(%dma_start3A_29 : memref<10112x64xf32, #tpu.memory_space<vmem_shared>>) target(%dma_start3A_23 : memref<128x64xf32, #tpu.memory_space<vmem>>) offsets(%dma_start3A_26 : memref<128xi32, #tpu.memory_space<vmem>>) semaphore(%dma_start3A_31 : memref<!tpu.dma_semaphore, #tpu.memory_space<semaphore_mem>>)
    %scan3A = arith.constant 0 : i32
    %scan3A_32 = arith.constant 40 : i32
    %scan3A_33 = arith.addi %scan3A, %scan3A_32 : i32
    %scan3A_34 = arith.constant 1 : i32
    scf.for %scan3A_37 = %scan3A to %scan3A_33 step %scan3A_34  : i32 {
      %mul3A_38 = arith.constant 2 : i32
      %mul3A_39 = arith.muli %scan3A_37, %mul3A_38 : i32
      %add3A_40 = arith.constant 0 : i32
      %add3A_41 = arith.addi %add3A_40, %mul3A_39 : i32
      %add3A_42 = arith.constant 0 : i32
      %add3A_43 = arith.addi %add3A_41, %add3A_42 : i32
      %dma_wait3A = arith.constant 0 : i32
      %dma_wait3A_44 = arith.constant 0 : i32
      %dma_wait3A_45 = arith.constant 0 : i32
      %dma_wait3A_46 = arith.constant 0 : i32
      %dma_wait3A_47 = tpu.memref_slice %arg9[%dma_wait3A, %dma_wait3A_45, %dma_wait3A_46] : memref<2x128x64xf32, #tpu.memory_space<vmem>> -> memref<1x128x64xf32, #tpu.memory_space<vmem>>
      %dma_wait3A_48 = tpu.memref_squeeze %dma_wait3A_47 : memref<1x128x64xf32, #tpu.memory_space<vmem>> -> memref<128x64xf32, #tpu.memory_space<vmem>>
      %dma_wait3A_49 = arith.constant 0 : i32
      %dma_wait3A_50 = tpu.memref_slice %arg7[%add3A_43, %dma_wait3A_49] : memref<80x128xi32, #tpu.memory_space<vmem>> -> memref<1x128xi32, #tpu.memory_space<vmem>>
      %dma_wait3A_51 = tpu.memref_squeeze %dma_wait3A_50 : memref<1x128xi32, #tpu.memory_space<vmem>> -> memref<128xi32, #tpu.memory_space<vmem>>
      %dma_wait3A_52 = arith.constant 0 : i32
      %dma_wait3A_53 = arith.constant 0 : i32
      %dma_wait3A_54 = tpu.memref_slice %arg11[%dma_wait3A_52, %dma_wait3A_53] : memref<10112x64xf32, #tpu.memory_space<vmem_shared>> -> memref<10112x64xf32, #tpu.memory_space<vmem_shared>>
      %dma_wait3A_55 = tpu.memref_slice %arg10[%dma_wait3A_44] : memref<2x!tpu.dma_semaphore, #tpu.memory_space<semaphore_mem>> -> memref<1x!tpu.dma_semaphore, #tpu.memory_space<semaphore_mem>>
      %dma_wait3A_56 = tpu.memref_squeeze %dma_wait3A_55 : memref<1x!tpu.dma_semaphore, #tpu.memory_space<semaphore_mem>> -> memref<!tpu.dma_semaphore, #tpu.memory_space<semaphore_mem>>
      tpu.wait_indirect_dma semaphore(%dma_wait3A_56 : memref<!tpu.dma_semaphore, #tpu.memory_space<semaphore_mem>>) src(%dma_wait3A_54 : memref<10112x64xf32, #tpu.memory_space<vmem_shared>>) dst(%dma_wait3A_48 : memref<128x64xf32, #tpu.memory_space<vmem>>)
      %run_scoped3A = arith.constant 0 : i32
      "tpu.region"() ({
        %run_scoped3A_85 = tpu.sem_alloc : memref<!tpu.dma_semaphore, #tpu.memory_space<semaphore_mem>>
        %dma_start3A_86 = arith.constant 0 : i32
        %dma_start3A_87 = arith.constant 0 : i32
        %dma_start3A_88 = tpu.memref_slice %arg9[%run_scoped3A, %dma_start3A_86, %dma_start3A_87] : memref<2x128x64xf32, #tpu.memory_space<vmem>> -> memref<1x128x64xf32, #tpu.memory_space<vmem>>
        %dma_start3A_89 = tpu.memref_squeeze %dma_start3A_88 : memref<1x128x64xf32, #tpu.memory_space<vmem>> -> memref<128x64xf32, #tpu.memory_space<vmem>>
        %dma_start3A_90 = arith.constant 0 : i32
        %dma_start3A_91 = tpu.memref_slice %arg8[%add3A_43, %dma_start3A_90] : memref<80x128xi32, #tpu.memory_space<vmem>> -> memref<1x128xi32, #tpu.memory_space<vmem>>
        %dma_start3A_92 = tpu.memref_squeeze %dma_start3A_91 : memref<1x128xi32, #tpu.memory_space<vmem>> -> memref<128xi32, #tpu.memory_space<vmem>>
        %dma_start3A_93 = arith.constant 0 : i32
        %dma_start3A_94 = arith.constant 0 : i32
        %dma_start3A_95 = tpu.memref_slice %arg12[%dma_start3A_93, %dma_start3A_94] : memref<10112x64xf32, #tpu.memory_space<vmem_shared>> -> memref<10112x64xf32, #tpu.memory_space<vmem_shared>>
        tpu.enqueue_indirect_dma source(%dma_start3A_89 : memref<128x64xf32, #tpu.memory_space<vmem>>) target(%dma_start3A_95 : memref<10112x64xf32, #tpu.memory_space<vmem_shared>>) offsets(%dma_start3A_92 : memref<128xi32, #tpu.memory_space<vmem>>) semaphore(%run_scoped3A_85 : memref<!tpu.dma_semaphore, #tpu.memory_space<semaphore_mem>>) {add = true}
        %dma_wait3A_96 = arith.constant 0 : i32
        %dma_wait3A_97 = arith.constant 0 : i32
        %dma_wait3A_98 = tpu.memref_slice %arg9[%run_scoped3A, %dma_wait3A_96, %dma_wait3A_97] : memref<2x128x64xf32, #tpu.memory_space<vmem>> -> memref<1x128x64xf32, #tpu.memory_space<vmem>>
        %dma_wait3A_99 = tpu.memref_squeeze %dma_wait3A_98 : memref<1x128x64xf32, #tpu.memory_space<vmem>> -> memref<128x64xf32, #tpu.memory_space<vmem>>
        %dma_wait3A_100 = arith.constant 0 : i32
        %dma_wait3A_101 = tpu.memref_slice %arg8[%add3A_43, %dma_wait3A_100] : memref<80x128xi32, #tpu.memory_space<vmem>> -> memref<1x128xi32, #tpu.memory_space<vmem>>
        %dma_wait3A_102 = tpu.memref_squeeze %dma_wait3A_101 : memref<1x128xi32, #tpu.memory_space<vmem>> -> memref<128xi32, #tpu.memory_space<vmem>>
        %dma_wait3A_103 = arith.constant 0 : i32
        %dma_wait3A_104 = arith.constant 0 : i32
        %dma_wait3A_105 = tpu.memref_slice %arg12[%dma_wait3A_103, %dma_wait3A_104] : memref<10112x64xf32, #tpu.memory_space<vmem_shared>> -> memref<10112x64xf32, #tpu.memory_space<vmem_shared>>
        tpu.wait_indirect_dma semaphore(%run_scoped3A_85 : memref<!tpu.dma_semaphore, #tpu.memory_space<semaphore_mem>>) src(%dma_wait3A_99 : memref<128x64xf32, #tpu.memory_space<vmem>>) dst(%dma_wait3A_105 : memref<10112x64xf32, #tpu.memory_space<vmem_shared>>)
        tpu.yield
      }) : () -> ()
      %add3A_57 = arith.constant 2 : i32
      %add3A_58 = arith.addi %add3A_43, %add3A_57 : i32
      %lt3A = arith.constant 80 : i32
      %lt3A_59 = arith.cmpi slt, %add3A_58, %lt3A : i32
      %convert_element_type3A = arith.extui %lt3A_59 : i1 to i32
      %cond3A = arith.constant 0 : i32
      %cond3A_60 = arith.cmpi ne, %convert_element_type3A, %cond3A : i32
      scf.if %cond3A_60 {
        %add3A_85 = arith.constant 2 : i32
        %add3A_86 = arith.addi %add3A_43, %add3A_85 : i32
        %dma_start3A_87 = arith.constant 0 : i32
        %dma_start3A_88 = arith.constant 0 : i32
        %dma_start3A_89 = arith.constant 0 : i32
        %dma_start3A_90 = arith.constant 0 : i32
        %dma_start3A_91 = tpu.memref_slice %arg9[%dma_start3A_87, %dma_start3A_89, %dma_start3A_90] : memref<2x128x64xf32, #tpu.memory_space<vmem>> -> memref<1x128x64xf32, #tpu.memory_space<vmem>>
        %dma_start3A_92 = tpu.memref_squeeze %dma_start3A_91 : memref<1x128x64xf32, #tpu.memory_space<vmem>> -> memref<128x64xf32, #tpu.memory_space<vmem>>
        %dma_start3A_93 = arith.constant 0 : i32
        %dma_start3A_94 = tpu.memref_slice %arg7[%add3A_86, %dma_start3A_93] : memref<80x128xi32, #tpu.memory_space<vmem>> -> memref<1x128xi32, #tpu.memory_space<vmem>>
        %dma_start3A_95 = tpu.memref_squeeze %dma_start3A_94 : memref<1x128xi32, #tpu.memory_space<vmem>> -> memref<128xi32, #tpu.memory_space<vmem>>
        %dma_start3A_96 = arith.constant 0 : i32
        %dma_start3A_97 = arith.constant 0 : i32
        %dma_start3A_98 = tpu.memref_slice %arg11[%dma_start3A_96, %dma_start3A_97] : memref<10112x64xf32, #tpu.memory_space<vmem_shared>> -> memref<10112x64xf32, #tpu.memory_space<vmem_shared>>
        %dma_start3A_99 = tpu.memref_slice %arg10[%dma_start3A_88] : memref<2x!tpu.dma_semaphore, #tpu.memory_space<semaphore_mem>> -> memref<1x!tpu.dma_semaphore, #tpu.memory_space<semaphore_mem>>
        %dma_start3A_100 = tpu.memref_squeeze %dma_start3A_99 : memref<1x!tpu.dma_semaphore, #tpu.memory_space<semaphore_mem>> -> memref<!tpu.dma_semaphore, #tpu.memory_space<semaphore_mem>>
        tpu.enqueue_indirect_dma source(%dma_start3A_98 : memref<10112x64xf32, #tpu.memory_space<vmem_shared>>) target(%dma_start3A_92 : memref<128x64xf32, #tpu.memory_space<vmem>>) offsets(%dma_start3A_95 : memref<128xi32, #tpu.memory_space<vmem>>) semaphore(%dma_start3A_100 : memref<!tpu.dma_semaphore, #tpu.memory_space<semaphore_mem>>)
      } else {
      }
      %add3A_61 = arith.constant 1 : i32
      %add3A_62 = arith.addi %add3A_41, %add3A_61 : i32
      %dma_wait3A_63 = arith.constant 1 : i32
      %dma_wait3A_64 = arith.constant 1 : i32
      %dma_wait3A_65 = arith.constant 0 : i32
      %dma_wait3A_66 = arith.constant 0 : i32
      %dma_wait3A_67 = tpu.memref_slice %arg9[%dma_wait3A_63, %dma_wait3A_65, %dma_wait3A_66] : memref<2x128x64xf32, #tpu.memory_space<vmem>> -> memref<1x128x64xf32, #tpu.memory_space<vmem>>
      %dma_wait3A_68 = tpu.memref_squeeze %dma_wait3A_67 : memref<1x128x64xf32, #tpu.memory_space<vmem>> -> memref<128x64xf32, #tpu.memory_space<vmem>>
      %dma_wait3A_69 = arith.constant 0 : i32
      %dma_wait3A_70 = tpu.memref_slice %arg7[%add3A_62, %dma_wait3A_69] : memref<80x128xi32, #tpu.memory_space<vmem>> -> memref<1x128xi32, #tpu.memory_space<vmem>>
      %dma_wait3A_71 = tpu.memref_squeeze %dma_wait3A_70 : memref<1x128xi32, #tpu.memory_space<vmem>> -> memref<128xi32, #tpu.memory_space<vmem>>
      %dma_wait3A_72 = arith.constant 0 : i32
      %dma_wait3A_73 = arith.constant 0 : i32
      %dma_wait3A_74 = tpu.memref_slice %arg11[%dma_wait3A_72, %dma_wait3A_73] : memref<10112x64xf32, #tpu.memory_space<vmem_shared>> -> memref<10112x64xf32, #tpu.memory_space<vmem_shared>>
      %dma_wait3A_75 = tpu.memref_slice %arg10[%dma_wait3A_64] : memref<2x!tpu.dma_semaphore, #tpu.memory_space<semaphore_mem>> -> memref<1x!tpu.dma_semaphore, #tpu.memory_space<semaphore_mem>>
      %dma_wait3A_76 = tpu.memref_squeeze %dma_wait3A_75 : memref<1x!tpu.dma_semaphore, #tpu.memory_space<semaphore_mem>> -> memref<!tpu.dma_semaphore, #tpu.memory_space<semaphore_mem>>
      tpu.wait_indirect_dma semaphore(%dma_wait3A_76 : memref<!tpu.dma_semaphore, #tpu.memory_space<semaphore_mem>>) src(%dma_wait3A_74 : memref<10112x64xf32, #tpu.memory_space<vmem_shared>>) dst(%dma_wait3A_68 : memref<128x64xf32, #tpu.memory_space<vmem>>)
      %run_scoped3A_77 = arith.constant 1 : i32
      "tpu.region"() ({
        %run_scoped3A_85 = tpu.sem_alloc : memref<!tpu.dma_semaphore, #tpu.memory_space<semaphore_mem>>
        %dma_start3A_86 = arith.constant 0 : i32
        %dma_start3A_87 = arith.constant 0 : i32
        %dma_start3A_88 = tpu.memref_slice %arg9[%run_scoped3A_77, %dma_start3A_86, %dma_start3A_87] : memref<2x128x64xf32, #tpu.memory_space<vmem>> -> memref<1x128x64xf32, #tpu.memory_space<vmem>>
        %dma_start3A_89 = tpu.memref_squeeze %dma_start3A_88 : memref<1x128x64xf32, #tpu.memory_space<vmem>> -> memref<128x64xf32, #tpu.memory_space<vmem>>
        %dma_start3A_90 = arith.constant 0 : i32
        %dma_start3A_91 = tpu.memref_slice %arg8[%add3A_62, %dma_start3A_90] : memref<80x128xi32, #tpu.memory_space<vmem>> -> memref<1x128xi32, #tpu.memory_space<vmem>>
        %dma_start3A_92 = tpu.memref_squeeze %dma_start3A_91 : memref<1x128xi32, #tpu.memory_space<vmem>> -> memref<128xi32, #tpu.memory_space<vmem>>
        %dma_start3A_93 = arith.constant 0 : i32
        %dma_start3A_94 = arith.constant 0 : i32
        %dma_start3A_95 = tpu.memref_slice %arg12[%dma_start3A_93, %dma_start3A_94] : memref<10112x64xf32, #tpu.memory_space<vmem_shared>> -> memref<10112x64xf32, #tpu.memory_space<vmem_shared>>
        tpu.enqueue_indirect_dma source(%dma_start3A_89 : memref<128x64xf32, #tpu.memory_space<vmem>>) target(%dma_start3A_95 : memref<10112x64xf32, #tpu.memory_space<vmem_shared>>) offsets(%dma_start3A_92 : memref<128xi32, #tpu.memory_space<vmem>>) semaphore(%run_scoped3A_85 : memref<!tpu.dma_semaphore, #tpu.memory_space<semaphore_mem>>) {add = true}
        %dma_wait3A_96 = arith.constant 0 : i32
        %dma_wait3A_97 = arith.constant 0 : i32
        %dma_wait3A_98 = tpu.memref_slice %arg9[%run_scoped3A_77, %dma_wait3A_96, %dma_wait3A_97] : memref<2x128x64xf32, #tpu.memory_space<vmem>> -> memref<1x128x64xf32, #tpu.memory_space<vmem>>
        %dma_wait3A_99 = tpu.memref_squeeze %dma_wait3A_98 : memref<1x128x64xf32, #tpu.memory_space<vmem>> -> memref<128x64xf32, #tpu.memory_space<vmem>>
        %dma_wait3A_100 = arith.constant 0 : i32
        %dma_wait3A_101 = tpu.memref_slice %arg8[%add3A_62, %dma_wait3A_100] : memref<80x128xi32, #tpu.memory_space<vmem>> -> memref<1x128xi32, #tpu.memory_space<vmem>>
        %dma_wait3A_102 = tpu.memref_squeeze %dma_wait3A_101 : memref<1x128xi32, #tpu.memory_space<vmem>> -> memref<128xi32, #tpu.memory_space<vmem>>
        %dma_wait3A_103 = arith.constant 0 : i32
        %dma_wait3A_104 = arith.constant 0 : i32
        %dma_wait3A_105 = tpu.memref_slice %arg12[%dma_wait3A_103, %dma_wait3A_104] : memref<10112x64xf32, #tpu.memory_space<vmem_shared>> -> memref<10112x64xf32, #tpu.memory_space<vmem_shared>>
        tpu.wait_indirect_dma semaphore(%run_scoped3A_85 : memref<!tpu.dma_semaphore, #tpu.memory_space<semaphore_mem>>) src(%dma_wait3A_99 : memref<128x64xf32, #tpu.memory_space<vmem>>) dst(%dma_wait3A_105 : memref<10112x64xf32, #tpu.memory_space<vmem_shared>>)
        tpu.yield
      }) : () -> ()
      %add3A_78 = arith.constant 2 : i32
      %add3A_79 = arith.addi %add3A_62, %add3A_78 : i32
      %lt3A_80 = arith.constant 80 : i32
      %lt3A_81 = arith.cmpi slt, %add3A_79, %lt3A_80 : i32
      %convert_element_type3A_82 = arith.extui %lt3A_81 : i1 to i32
      %cond3A_83 = arith.constant 0 : i32
      %cond3A_84 = arith.cmpi ne, %convert_element_type3A_82, %cond3A_83 : i32
      scf.if %cond3A_84 {
        %add3A_85 = arith.constant 2 : i32
        %add3A_86 = arith.addi %add3A_62, %add3A_85 : i32
        %dma_start3A_87 = arith.constant 1 : i32
        %dma_start3A_88 = arith.constant 1 : i32
        %dma_start3A_89 = arith.constant 0 : i32
        %dma_start3A_90 = arith.constant 0 : i32
        %dma_start3A_91 = tpu.memref_slice %arg9[%dma_start3A_87, %dma_start3A_89, %dma_start3A_90] : memref<2x128x64xf32, #tpu.memory_space<vmem>> -> memref<1x128x64xf32, #tpu.memory_space<vmem>>
        %dma_start3A_92 = tpu.memref_squeeze %dma_start3A_91 : memref<1x128x64xf32, #tpu.memory_space<vmem>> -> memref<128x64xf32, #tpu.memory_space<vmem>>
        %dma_start3A_93 = arith.constant 0 : i32
        %dma_start3A_94 = tpu.memref_slice %arg7[%add3A_86, %dma_start3A_93] : memref<80x128xi32, #tpu.memory_space<vmem>> -> memref<1x128xi32, #tpu.memory_space<vmem>>
        %dma_start3A_95 = tpu.memref_squeeze %dma_start3A_94 : memref<1x128xi32, #tpu.memory_space<vmem>> -> memref<128xi32, #tpu.memory_space<vmem>>
        %dma_start3A_96 = arith.constant 0 : i32
        %dma_start3A_97 = arith.constant 0 : i32
        %dma_start3A_98 = tpu.memref_slice %arg11[%dma_start3A_96, %dma_start3A_97] : memref<10112x64xf32, #tpu.memory_space<vmem_shared>> -> memref<10112x64xf32, #tpu.memory_space<vmem_shared>>
        %dma_start3A_99 = tpu.memref_slice %arg10[%dma_start3A_88] : memref<2x!tpu.dma_semaphore, #tpu.memory_space<semaphore_mem>> -> memref<1x!tpu.dma_semaphore, #tpu.memory_space<semaphore_mem>>
        %dma_start3A_100 = tpu.memref_squeeze %dma_start3A_99 : memref<1x!tpu.dma_semaphore, #tpu.memory_space<semaphore_mem>> -> memref<!tpu.dma_semaphore, #tpu.memory_space<semaphore_mem>>
        tpu.enqueue_indirect_dma source(%dma_start3A_98 : memref<10112x64xf32, #tpu.memory_space<vmem_shared>>) target(%dma_start3A_92 : memref<128x64xf32, #tpu.memory_space<vmem>>) offsets(%dma_start3A_95 : memref<128xi32, #tpu.memory_space<vmem>>) semaphore(%dma_start3A_100 : memref<!tpu.dma_semaphore, #tpu.memory_space<semaphore_mem>>)
      } else {
      }
    }
    %scan3A_35 = arith.constant 40 : i32
    %barrier3A_36 = arith.constant 0 : index
    tpu.barrier barrier_id(%barrier3A_36)
    "tpu.region"() ({
      %run_scoped3A = tpu.sem_alloc : memref<!tpu.dma_semaphore, #tpu.memory_space<semaphore_mem>>
      %dma_start3A_37 = arith.constant 0 : i32
      %dma_start3A_38 = tpu.memref_slice %arg6[%arg0, %mul3A_2, %dma_start3A_37] : memref<2x10112x64xf32, #tpu.memory_space<hbm>> -> memref<1x632x64xf32, #tpu.memory_space<hbm>>
      %dma_start3A_39 = tpu.memref_squeeze %dma_start3A_38 : memref<1x632x64xf32, #tpu.memory_space<hbm>> -> memref<632x64xf32, #tpu.memory_space<hbm>>
      %dma_start3A_40 = arith.constant 0 : i32
      %dma_start3A_41 = tpu.memref_slice %arg12[%mul3A_2, %dma_start3A_40] : memref<10112x64xf32, #tpu.memory_space<vmem_shared>> -> memref<632x64xf32, #tpu.memory_space<vmem_shared>>
      tpu.enqueue_dma source(%dma_start3A_41 : memref<632x64xf32, #tpu.memory_space<vmem_shared>>) target(%dma_start3A_39 : memref<632x64xf32, #tpu.memory_space<hbm>>) target_semaphore(%run_scoped3A : memref<!tpu.dma_semaphore, #tpu.memory_space<semaphore_mem>>)
      %dma_wait3A = arith.constant 0 : i32
      %dma_wait3A_42 = tpu.memref_slice %arg6[%arg0, %mul3A_2, %dma_wait3A] : memref<2x10112x64xf32, #tpu.memory_space<hbm>> -> memref<1x632x64xf32, #tpu.memory_space<hbm>>
      %dma_wait3A_43 = tpu.memref_squeeze %dma_wait3A_42 : memref<1x632x64xf32, #tpu.memory_space<hbm>> -> memref<632x64xf32, #tpu.memory_space<hbm>>
      %dma_wait3A_44 = arith.constant 0 : i32
      %dma_wait3A_45 = tpu.memref_slice %arg12[%mul3A_2, %dma_wait3A_44] : memref<10112x64xf32, #tpu.memory_space<vmem_shared>> -> memref<632x64xf32, #tpu.memory_space<vmem_shared>>
      tpu.wait_dma2 semaphore(%run_scoped3A : memref<!tpu.dma_semaphore, #tpu.memory_space<semaphore_mem>>) src(%dma_wait3A_45 : memref<632x64xf32, #tpu.memory_space<vmem_shared>>) dst(%dma_wait3A_43 : memref<632x64xf32, #tpu.memory_space<hbm>>)
      tpu.yield
    }) : () -> ()
    return
  }
}

#map = affine_map<(d0, d1) -> (0, 0)>
#map1 = affine_map<(d0, d1) -> (0, 0, 0)>
module attributes {stable_mosaic.version = 14 : i64} {
  func.func @body(%arg0: i32, %arg1: i32, %arg2: memref<10112x64xf32, #tpu.memory_space<hbm>>, %arg3: memref<32x80x128xi32, #tpu.memory_space<hbm>>, %arg4: memref<32x80x128xi32, #tpu.memory_space<hbm>>, %arg5: memref<10112x64xf32, #tpu.memory_space<hbm>>, %arg6: memref<2x10112x64xf32, #tpu.memory_space<hbm>>, %arg7: memref<80x128xi32, #tpu.memory_space<vmem>>, %arg8: memref<80x128xi32, #tpu.memory_space<vmem>>, %arg9: memref<2x128x64xf32, #tpu.memory_space<vmem>>, %arg10: memref<2x!tpu.dma_semaphore, #tpu.memory_space<semaphore_mem>>, %arg11: memref<10112x64xf32, #tpu.memory_space<vmem_shared>>, %arg12: memref<10112x64xf32, #tpu.memory_space<vmem_shared>>) attributes {dimension_semantics = [#tpu.dimension_semantics<core_parallel>, #tpu.dimension_semantics<subcore_parallel>], iteration_bounds = array<i64: 2, 16>, scalar_prefetch = 0 : i64, scratch_operands = 6 : i64, tpu.core_type = #tpu.core_type<sc_vector_subcore>, window_params = [{transform_indices = #map}, {transform_indices = #map1}, {transform_indices = #map1}, {transform_indices = #map}, {transform_indices = #map1}]} {
    %mul3A = arith.constant 16 : i32
    %mul3A_0 = arith.muli %arg0, %mul3A : i32
    %add3A = arith.addi %mul3A_0, %arg1 : i32
    %mul3A_1 = arith.constant 632 : i32
    %mul3A_2 = arith.muli %arg1, %mul3A_1 : i32
    "tpu.region"() ({
      %run_scoped3A = tpu.sem_alloc : memref<!tpu.dma_semaphore, #tpu.memory_space<semaphore_mem>>
      %dma_start3A_37 = arith.constant 0 : i32
      %dma_start3A_38 = arith.constant 0 : i32
      %dma_start3A_39 = tpu.memref_slice %arg3[%add3A, %dma_start3A_37, %dma_start3A_38] : memref<32x80x128xi32, #tpu.memory_space<hbm>> -> memref<1x80x128xi32, #tpu.memory_space<hbm>>
      %dma_start3A_40 = tpu.memref_squeeze %dma_start3A_39 : memref<1x80x128xi32, #tpu.memory_space<hbm>> -> memref<80x128xi32, #tpu.memory_space<hbm>>
      %dma_start3A_41 = arith.constant 0 : i32
      %dma_start3A_42 = arith.constant 0 : i32
      %dma_start3A_43 = tpu.memref_slice %arg3[%add3A, %dma_start3A_41, %dma_start3A_42] : memref<32x80x128xi32, #tpu.memory_space<hbm>> -> memref<1x80x128xi32, #tpu.memory_space<hbm>>
      %dma_start3A_44 = tpu.memref_squeeze %dma_start3A_43 : memref<1x80x128xi32, #tpu.memory_space<hbm>> -> memref<80x128xi32, #tpu.memory_space<hbm>>
      tpu.enqueue_dma source(%dma_start3A_44 : memref<80x128xi32, #tpu.memory_space<hbm>>) target(%arg7 : memref<80x128xi32, #tpu.memory_space<vmem>>) target_semaphore(%run_scoped3A : memref<!tpu.dma_semaphore, #tpu.memory_space<semaphore_mem>>)
      %dma_wait3A = arith.constant 0 : i32
      %dma_wait3A_45 = arith.constant 0 : i32
      %dma_wait3A_46 = tpu.memref_slice %arg3[%add3A, %dma_wait3A, %dma_wait3A_45] : memref<32x80x128xi32, #tpu.memory_space<hbm>> -> memref<1x80x128xi32, #tpu.memory_space<hbm>>
      %dma_wait3A_47 = tpu.memref_squeeze %dma_wait3A_46 : memref<1x80x128xi32, #tpu.memory_space<hbm>> -> memref<80x128xi32, #tpu.memory_space<hbm>>
      %dma_wait3A_48 = arith.constant 0 : i32
      %dma_wait3A_49 = arith.constant 0 : i32
      %dma_wait3A_50 = tpu.memref_slice %arg3[%add3A, %dma_wait3A_48, %dma_wait3A_49] : memref<32x80x128xi32, #tpu.memory_space<hbm>> -> memref<1x80x128xi32, #tpu.memory_space<hbm>>
      %dma_wait3A_51 = tpu.memref_squeeze %dma_wait3A_50 : memref<1x80x128xi32, #tpu.memory_space<hbm>> -> memref<80x128xi32, #tpu.memory_space<hbm>>
      tpu.wait_dma2 semaphore(%run_scoped3A : memref<!tpu.dma_semaphore, #tpu.memory_space<semaphore_mem>>) src(%dma_wait3A_51 : memref<80x128xi32, #tpu.memory_space<hbm>>) dst(%arg7 : memref<80x128xi32, #tpu.memory_space<vmem>>)
      tpu.yield
    }) : () -> ()
    "tpu.region"() ({
      %run_scoped3A = tpu.sem_alloc : memref<!tpu.dma_semaphore, #tpu.memory_space<semaphore_mem>>
      %dma_start3A_37 = arith.constant 0 : i32
      %dma_start3A_38 = arith.constant 0 : i32
      %dma_start3A_39 = tpu.memref_slice %arg4[%add3A, %dma_start3A_37, %dma_start3A_38] : memref<32x80x128xi32, #tpu.memory_space<hbm>> -> memref<1x80x128xi32, #tpu.memory_space<hbm>>
      %dma_start3A_40 = tpu.memref_squeeze %dma_start3A_39 : memref<1x80x128xi32, #tpu.memory_space<hbm>> -> memref<80x128xi32, #tpu.memory_space<hbm>>
      %dma_start3A_41 = arith.constant 0 : i32
      %dma_start3A_42 = arith.constant 0 : i32
      %dma_start3A_43 = tpu.memref_slice %arg4[%add3A, %dma_start3A_41, %dma_start3A_42] : memref<32x80x128xi32, #tpu.memory_space<hbm>> -> memref<1x80x128xi32, #tpu.memory_space<hbm>>
      %dma_start3A_44 = tpu.memref_squeeze %dma_start3A_43 : memref<1x80x128xi32, #tpu.memory_space<hbm>> -> memref<80x128xi32, #tpu.memory_space<hbm>>
      tpu.enqueue_dma source(%dma_start3A_44 : memref<80x128xi32, #tpu.memory_space<hbm>>) target(%arg8 : memref<80x128xi32, #tpu.memory_space<vmem>>) target_semaphore(%run_scoped3A : memref<!tpu.dma_semaphore, #tpu.memory_space<semaphore_mem>>)
      %dma_wait3A = arith.constant 0 : i32
      %dma_wait3A_45 = arith.constant 0 : i32
      %dma_wait3A_46 = tpu.memref_slice %arg4[%add3A, %dma_wait3A, %dma_wait3A_45] : memref<32x80x128xi32, #tpu.memory_space<hbm>> -> memref<1x80x128xi32, #tpu.memory_space<hbm>>
      %dma_wait3A_47 = tpu.memref_squeeze %dma_wait3A_46 : memref<1x80x128xi32, #tpu.memory_space<hbm>> -> memref<80x128xi32, #tpu.memory_space<hbm>>
      %dma_wait3A_48 = arith.constant 0 : i32
      %dma_wait3A_49 = arith.constant 0 : i32
      %dma_wait3A_50 = tpu.memref_slice %arg4[%add3A, %dma_wait3A_48, %dma_wait3A_49] : memref<32x80x128xi32, #tpu.memory_space<hbm>> -> memref<1x80x128xi32, #tpu.memory_space<hbm>>
      %dma_wait3A_51 = tpu.memref_squeeze %dma_wait3A_50 : memref<1x80x128xi32, #tpu.memory_space<hbm>> -> memref<80x128xi32, #tpu.memory_space<hbm>>
      tpu.wait_dma2 semaphore(%run_scoped3A : memref<!tpu.dma_semaphore, #tpu.memory_space<semaphore_mem>>) src(%dma_wait3A_51 : memref<80x128xi32, #tpu.memory_space<hbm>>) dst(%arg8 : memref<80x128xi32, #tpu.memory_space<vmem>>)
      tpu.yield
    }) : () -> ()
    "tpu.region"() ({
      %run_scoped3A = tpu.sem_alloc : memref<!tpu.dma_semaphore, #tpu.memory_space<semaphore_mem>>
      %dma_start3A_37 = arith.constant 0 : i32
      %dma_start3A_38 = tpu.memref_slice %arg11[%mul3A_2, %dma_start3A_37] : memref<10112x64xf32, #tpu.memory_space<vmem_shared>> -> memref<632x64xf32, #tpu.memory_space<vmem_shared>>
      %dma_start3A_39 = arith.constant 0 : i32
      %dma_start3A_40 = tpu.memref_slice %arg2[%mul3A_2, %dma_start3A_39] : memref<10112x64xf32, #tpu.memory_space<hbm>> -> memref<632x64xf32, #tpu.memory_space<hbm>>
      tpu.enqueue_dma source(%dma_start3A_40 : memref<632x64xf32, #tpu.memory_space<hbm>>) target(%dma_start3A_38 : memref<632x64xf32, #tpu.memory_space<vmem_shared>>) target_semaphore(%run_scoped3A : memref<!tpu.dma_semaphore, #tpu.memory_space<semaphore_mem>>)
      %dma_wait3A = arith.constant 0 : i32
      %dma_wait3A_41 = tpu.memref_slice %arg11[%mul3A_2, %dma_wait3A] : memref<10112x64xf32, #tpu.memory_space<vmem_shared>> -> memref<632x64xf32, #tpu.memory_space<vmem_shared>>
      %dma_wait3A_42 = arith.constant 0 : i32
      %dma_wait3A_43 = tpu.memref_slice %arg2[%mul3A_2, %dma_wait3A_42] : memref<10112x64xf32, #tpu.memory_space<hbm>> -> memref<632x64xf32, #tpu.memory_space<hbm>>
      tpu.wait_dma2 semaphore(%run_scoped3A : memref<!tpu.dma_semaphore, #tpu.memory_space<semaphore_mem>>) src(%dma_wait3A_43 : memref<632x64xf32, #tpu.memory_space<hbm>>) dst(%dma_wait3A_41 : memref<632x64xf32, #tpu.memory_space<vmem_shared>>)
      tpu.yield
    }) : () -> ()
    "tpu.region"() ({
      %run_scoped3A = tpu.sem_alloc : memref<!tpu.dma_semaphore, #tpu.memory_space<semaphore_mem>>
      %dma_start3A_37 = arith.constant 0 : i32
      %dma_start3A_38 = tpu.memref_slice %arg12[%mul3A_2, %dma_start3A_37] : memref<10112x64xf32, #tpu.memory_space<vmem_shared>> -> memref<632x64xf32, #tpu.memory_space<vmem_shared>>
      %dma_start3A_39 = arith.constant 0 : i32
      %dma_start3A_40 = tpu.memref_slice %arg5[%mul3A_2, %dma_start3A_39] : memref<10112x64xf32, #tpu.memory_space<hbm>> -> memref<632x64xf32, #tpu.memory_space<hbm>>
      tpu.enqueue_dma source(%dma_start3A_40 : memref<632x64xf32, #tpu.memory_space<hbm>>) target(%dma_start3A_38 : memref<632x64xf32, #tpu.memory_space<vmem_shared>>) target_semaphore(%run_scoped3A : memref<!tpu.dma_semaphore, #tpu.memory_space<semaphore_mem>>)
      %dma_wait3A = arith.constant 0 : i32
      %dma_wait3A_41 = tpu.memref_slice %arg12[%mul3A_2, %dma_wait3A] : memref<10112x64xf32, #tpu.memory_space<vmem_shared>> -> memref<632x64xf32, #tpu.memory_space<vmem_shared>>
      %dma_wait3A_42 = arith.constant 0 : i32
      %dma_wait3A_43 = tpu.memref_slice %arg5[%mul3A_2, %dma_wait3A_42] : memref<10112x64xf32, #tpu.memory_space<hbm>> -> memref<632x64xf32, #tpu.memory_space<hbm>>
      tpu.wait_dma2 semaphore(%run_scoped3A : memref<!tpu.dma_semaphore, #tpu.memory_space<semaphore_mem>>) src(%dma_wait3A_43 : memref<632x64xf32, #tpu.memory_space<hbm>>) dst(%dma_wait3A_41 : memref<632x64xf32, #tpu.memory_space<vmem_shared>>)
      tpu.yield
    }) : () -> ()
    %barrier3A = arith.constant 0 : index
    tpu.barrier barrier_id(%barrier3A)
    %dma_start3A = arith.constant 0 : i32
    %dma_start3A_3 = arith.constant 0 : i32
    %dma_start3A_4 = arith.constant 0 : i32
    %dma_start3A_5 = arith.constant 0 : i32
    %dma_start3A_6 = arith.constant 0 : i32
    %dma_start3A_7 = tpu.memref_slice %arg9[%dma_start3A_3, %dma_start3A_5, %dma_start3A_6] : memref<2x128x64xf32, #tpu.memory_space<vmem>> -> memref<1x128x64xf32, #tpu.memory_space<vmem>>
    %dma_start3A_8 = tpu.memref_squeeze %dma_start3A_7 : memref<1x128x64xf32, #tpu.memory_space<vmem>> -> memref<128x64xf32, #tpu.memory_space<vmem>>
    %dma_start3A_9 = arith.constant 0 : i32
    %dma_start3A_10 = tpu.memref_slice %arg7[%dma_start3A, %dma_start3A_9] : memref<80x128xi32, #tpu.memory_space<vmem>> -> memref<1x128xi32, #tpu.memory_space<vmem>>
    %dma_start3A_11 = tpu.memref_squeeze %dma_start3A_10 : memref<1x128xi32, #tpu.memory_space<vmem>> -> memref<128xi32, #tpu.memory_space<vmem>>
    %dma_start3A_12 = arith.constant 0 : i32
    %dma_start3A_13 = arith.constant 0 : i32
    %dma_start3A_14 = tpu.memref_slice %arg11[%dma_start3A_12, %dma_start3A_13] : memref<10112x64xf32, #tpu.memory_space<vmem_shared>> -> memref<10112x64xf32, #tpu.memory_space<vmem_shared>>
    %dma_start3A_15 = tpu.memref_slice %arg10[%dma_start3A_4] : memref<2x!tpu.dma_semaphore, #tpu.memory_space<semaphore_mem>> -> memref<1x!tpu.dma_semaphore, #tpu.memory_space<semaphore_mem>>
    %dma_start3A_16 = tpu.memref_squeeze %dma_start3A_15 : memref<1x!tpu.dma_semaphore, #tpu.memory_space<semaphore_mem>> -> memref<!tpu.dma_semaphore, #tpu.memory_space<semaphore_mem>>
    tpu.enqueue_indirect_dma source(%dma_start3A_14 : memref<10112x64xf32, #tpu.memory_space<vmem_shared>>) target(%dma_start3A_8 : memref<128x64xf32, #tpu.memory_space<vmem>>) offsets(%dma_start3A_11 : memref<128xi32, #tpu.memory_space<vmem>>) semaphore(%dma_start3A_16 : memref<!tpu.dma_semaphore, #tpu.memory_space<semaphore_mem>>)
    %dma_start3A_17 = arith.constant 1 : i32
    %dma_start3A_18 = arith.constant 1 : i32
    %dma_start3A_19 = arith.constant 1 : i32
    %dma_start3A_20 = arith.constant 0 : i32
    %dma_start3A_21 = arith.constant 0 : i32
    %dma_start3A_22 = tpu.memref_slice %arg9[%dma_start3A_18, %dma_start3A_20, %dma_start3A_21] : memref<2x128x64xf32, #tpu.memory_space<vmem>> -> memref<1x128x64xf32, #tpu.memory_space<vmem>>
    %dma_start3A_23 = tpu.memref_squeeze %dma_start3A_22 : memref<1x128x64xf32, #tpu.memory_space<vmem>> -> memref<128x64xf32, #tpu.memory_space<vmem>>
    %dma_start3A_24 = arith.constant 0 : i32
    %dma_start3A_25 = tpu.memref_slice %arg7[%dma_start3A_17, %dma_start3A_24] : memref<80x128xi32, #tpu.memory_space<vmem>> -> memref<1x128xi32, #tpu.memory_space<vmem>>
    %dma_start3A_26 = tpu.memref_squeeze %dma_start3A_25 : memref<1x128xi32, #tpu.memory_space<vmem>> -> memref<128xi32, #tpu.memory_space<vmem>>
    %dma_start3A_27 = arith.constant 0 : i32
    %dma_start3A_28 = arith.constant 0 : i32
    %dma_start3A_29 = tpu.memref_slice %arg11[%dma_start3A_27, %dma_start3A_28] : memref<10112x64xf32, #tpu.memory_space<vmem_shared>> -> memref<10112x64xf32, #tpu.memory_space<vmem_shared>>
    %dma_start3A_30 = tpu.memref_slice %arg10[%dma_start3A_19] : memref<2x!tpu.dma_semaphore, #tpu.memory_space<semaphore_mem>> -> memref<1x!tpu.dma_semaphore, #tpu.memory_space<semaphore_mem>>
    %dma_start3A_31 = tpu.memref_squeeze %dma_start3A_30 : memref<1x!tpu.dma_semaphore, #tpu.memory_space<semaphore_mem>> -> memref<!tpu.dma_semaphore, #tpu.memory_space<semaphore_mem>>
    tpu.enqueue_indirect_dma source(%dma_start3A_29 : memref<10112x64xf32, #tpu.memory_space<vmem_shared>>) target(%dma_start3A_23 : memref<128x64xf32, #tpu.memory_space<vmem>>) offsets(%dma_start3A_26 : memref<128xi32, #tpu.memory_space<vmem>>) semaphore(%dma_start3A_31 : memref<!tpu.dma_semaphore, #tpu.memory_space<semaphore_mem>>)
    %scan3A = arith.constant 0 : i32
    %scan3A_32 = arith.constant 40 : i32
    %scan3A_33 = arith.addi %scan3A, %scan3A_32 : i32
    %scan3A_34 = arith.constant 1 : i32
    scf.for %scan3A_37 = %scan3A to %scan3A_33 step %scan3A_34  : i32 {
      %mul3A_38 = arith.constant 2 : i32
      %mul3A_39 = arith.muli %scan3A_37, %mul3A_38 : i32
      %add3A_40 = arith.constant 0 : i32
      %add3A_41 = arith.addi %add3A_40, %mul3A_39 : i32
      %add3A_42 = arith.constant 0 : i32
      %add3A_43 = arith.addi %add3A_41, %add3A_42 : i32
      %dma_wait3A = arith.constant 0 : i32
      %dma_wait3A_44 = arith.constant 0 : i32
      %dma_wait3A_45 = arith.constant 0 : i32
      %dma_wait3A_46 = arith.constant 0 : i32
      %dma_wait3A_47 = tpu.memref_slice %arg9[%dma_wait3A, %dma_wait3A_45, %dma_wait3A_46] : memref<2x128x64xf32, #tpu.memory_space<vmem>> -> memref<1x128x64xf32, #tpu.memory_space<vmem>>
      %dma_wait3A_48 = tpu.memref_squeeze %dma_wait3A_47 : memref<1x128x64xf32, #tpu.memory_space<vmem>> -> memref<128x64xf32, #tpu.memory_space<vmem>>
      %dma_wait3A_49 = arith.constant 0 : i32
      %dma_wait3A_50 = tpu.memref_slice %arg7[%add3A_43, %dma_wait3A_49] : memref<80x128xi32, #tpu.memory_space<vmem>> -> memref<1x128xi32, #tpu.memory_space<vmem>>
      %dma_wait3A_51 = tpu.memref_squeeze %dma_wait3A_50 : memref<1x128xi32, #tpu.memory_space<vmem>> -> memref<128xi32, #tpu.memory_space<vmem>>
      %dma_wait3A_52 = arith.constant 0 : i32
      %dma_wait3A_53 = arith.constant 0 : i32
      %dma_wait3A_54 = tpu.memref_slice %arg11[%dma_wait3A_52, %dma_wait3A_53] : memref<10112x64xf32, #tpu.memory_space<vmem_shared>> -> memref<10112x64xf32, #tpu.memory_space<vmem_shared>>
      %dma_wait3A_55 = tpu.memref_slice %arg10[%dma_wait3A_44] : memref<2x!tpu.dma_semaphore, #tpu.memory_space<semaphore_mem>> -> memref<1x!tpu.dma_semaphore, #tpu.memory_space<semaphore_mem>>
      %dma_wait3A_56 = tpu.memref_squeeze %dma_wait3A_55 : memref<1x!tpu.dma_semaphore, #tpu.memory_space<semaphore_mem>> -> memref<!tpu.dma_semaphore, #tpu.memory_space<semaphore_mem>>
      tpu.wait_indirect_dma semaphore(%dma_wait3A_56 : memref<!tpu.dma_semaphore, #tpu.memory_space<semaphore_mem>>) src(%dma_wait3A_54 : memref<10112x64xf32, #tpu.memory_space<vmem_shared>>) dst(%dma_wait3A_48 : memref<128x64xf32, #tpu.memory_space<vmem>>)
      %run_scoped3A = arith.constant 0 : i32
      "tpu.region"() ({
        %run_scoped3A_85 = tpu.sem_alloc : memref<!tpu.dma_semaphore, #tpu.memory_space<semaphore_mem>>
        %dma_start3A_86 = arith.constant 0 : i32
        %dma_start3A_87 = arith.constant 0 : i32
        %dma_start3A_88 = tpu.memref_slice %arg9[%run_scoped3A, %dma_start3A_86, %dma_start3A_87] : memref<2x128x64xf32, #tpu.memory_space<vmem>> -> memref<1x128x64xf32, #tpu.memory_space<vmem>>
        %dma_start3A_89 = tpu.memref_squeeze %dma_start3A_88 : memref<1x128x64xf32, #tpu.memory_space<vmem>> -> memref<128x64xf32, #tpu.memory_space<vmem>>
        %dma_start3A_90 = arith.constant 0 : i32
        %dma_start3A_91 = tpu.memref_slice %arg8[%add3A_43, %dma_start3A_90] : memref<80x128xi32, #tpu.memory_space<vmem>> -> memref<1x128xi32, #tpu.memory_space<vmem>>
        %dma_start3A_92 = tpu.memref_squeeze %dma_start3A_91 : memref<1x128xi32, #tpu.memory_space<vmem>> -> memref<128xi32, #tpu.memory_space<vmem>>
        %dma_start3A_93 = arith.constant 0 : i32
        %dma_start3A_94 = arith.constant 0 : i32
        %dma_start3A_95 = tpu.memref_slice %arg12[%dma_start3A_93, %dma_start3A_94] : memref<10112x64xf32, #tpu.memory_space<vmem_shared>> -> memref<10112x64xf32, #tpu.memory_space<vmem_shared>>
        tpu.enqueue_indirect_dma source(%dma_start3A_89 : memref<128x64xf32, #tpu.memory_space<vmem>>) target(%dma_start3A_95 : memref<10112x64xf32, #tpu.memory_space<vmem_shared>>) offsets(%dma_start3A_92 : memref<128xi32, #tpu.memory_space<vmem>>) semaphore(%run_scoped3A_85 : memref<!tpu.dma_semaphore, #tpu.memory_space<semaphore_mem>>) {add = true}
        %dma_wait3A_96 = arith.constant 0 : i32
        %dma_wait3A_97 = arith.constant 0 : i32
        %dma_wait3A_98 = tpu.memref_slice %arg9[%run_scoped3A, %dma_wait3A_96, %dma_wait3A_97] : memref<2x128x64xf32, #tpu.memory_space<vmem>> -> memref<1x128x64xf32, #tpu.memory_space<vmem>>
        %dma_wait3A_99 = tpu.memref_squeeze %dma_wait3A_98 : memref<1x128x64xf32, #tpu.memory_space<vmem>> -> memref<128x64xf32, #tpu.memory_space<vmem>>
        %dma_wait3A_100 = arith.constant 0 : i32
        %dma_wait3A_101 = tpu.memref_slice %arg8[%add3A_43, %dma_wait3A_100] : memref<80x128xi32, #tpu.memory_space<vmem>> -> memref<1x128xi32, #tpu.memory_space<vmem>>
        %dma_wait3A_102 = tpu.memref_squeeze %dma_wait3A_101 : memref<1x128xi32, #tpu.memory_space<vmem>> -> memref<128xi32, #tpu.memory_space<vmem>>
        %dma_wait3A_103 = arith.constant 0 : i32
        %dma_wait3A_104 = arith.constant 0 : i32
        %dma_wait3A_105 = tpu.memref_slice %arg12[%dma_wait3A_103, %dma_wait3A_104] : memref<10112x64xf32, #tpu.memory_space<vmem_shared>> -> memref<10112x64xf32, #tpu.memory_space<vmem_shared>>
        tpu.wait_indirect_dma semaphore(%run_scoped3A_85 : memref<!tpu.dma_semaphore, #tpu.memory_space<semaphore_mem>>) src(%dma_wait3A_99 : memref<128x64xf32, #tpu.memory_space<vmem>>) dst(%dma_wait3A_105 : memref<10112x64xf32, #tpu.memory_space<vmem_shared>>)
        tpu.yield
      }) : () -> ()
      %add3A_57 = arith.constant 2 : i32
      %add3A_58 = arith.addi %add3A_43, %add3A_57 : i32
      %lt3A = arith.constant 80 : i32
      %lt3A_59 = arith.cmpi slt, %add3A_58, %lt3A : i32
      %convert_element_type3A = arith.extui %lt3A_59 : i1 to i32
      %cond3A = arith.constant 0 : i32
      %cond3A_60 = arith.cmpi ne, %convert_element_type3A, %cond3A : i32
      scf.if %cond3A_60 {
        %add3A_85 = arith.constant 2 : i32
        %add3A_86 = arith.addi %add3A_43, %add3A_85 : i32
        %dma_start3A_87 = arith.constant 0 : i32
        %dma_start3A_88 = arith.constant 0 : i32
        %dma_start3A_89 = arith.constant 0 : i32
        %dma_start3A_90 = arith.constant 0 : i32
        %dma_start3A_91 = tpu.memref_slice %arg9[%dma_start3A_87, %dma_start3A_89, %dma_start3A_90] : memref<2x128x64xf32, #tpu.memory_space<vmem>> -> memref<1x128x64xf32, #tpu.memory_space<vmem>>
        %dma_start3A_92 = tpu.memref_squeeze %dma_start3A_91 : memref<1x128x64xf32, #tpu.memory_space<vmem>> -> memref<128x64xf32, #tpu.memory_space<vmem>>
        %dma_start3A_93 = arith.constant 0 : i32
        %dma_start3A_94 = tpu.memref_slice %arg7[%add3A_86, %dma_start3A_93] : memref<80x128xi32, #tpu.memory_space<vmem>> -> memref<1x128xi32, #tpu.memory_space<vmem>>
        %dma_start3A_95 = tpu.memref_squeeze %dma_start3A_94 : memref<1x128xi32, #tpu.memory_space<vmem>> -> memref<128xi32, #tpu.memory_space<vmem>>
        %dma_start3A_96 = arith.constant 0 : i32
        %dma_start3A_97 = arith.constant 0 : i32
        %dma_start3A_98 = tpu.memref_slice %arg11[%dma_start3A_96, %dma_start3A_97] : memref<10112x64xf32, #tpu.memory_space<vmem_shared>> -> memref<10112x64xf32, #tpu.memory_space<vmem_shared>>
        %dma_start3A_99 = tpu.memref_slice %arg10[%dma_start3A_88] : memref<2x!tpu.dma_semaphore, #tpu.memory_space<semaphore_mem>> -> memref<1x!tpu.dma_semaphore, #tpu.memory_space<semaphore_mem>>
        %dma_start3A_100 = tpu.memref_squeeze %dma_start3A_99 : memref<1x!tpu.dma_semaphore, #tpu.memory_space<semaphore_mem>> -> memref<!tpu.dma_semaphore, #tpu.memory_space<semaphore_mem>>
        tpu.enqueue_indirect_dma source(%dma_start3A_98 : memref<10112x64xf32, #tpu.memory_space<vmem_shared>>) target(%dma_start3A_92 : memref<128x64xf32, #tpu.memory_space<vmem>>) offsets(%dma_start3A_95 : memref<128xi32, #tpu.memory_space<vmem>>) semaphore(%dma_start3A_100 : memref<!tpu.dma_semaphore, #tpu.memory_space<semaphore_mem>>)
      } else {
      }
      %add3A_61 = arith.constant 1 : i32
      %add3A_62 = arith.addi %add3A_41, %add3A_61 : i32
      %dma_wait3A_63 = arith.constant 1 : i32
      %dma_wait3A_64 = arith.constant 1 : i32
      %dma_wait3A_65 = arith.constant 0 : i32
      %dma_wait3A_66 = arith.constant 0 : i32
      %dma_wait3A_67 = tpu.memref_slice %arg9[%dma_wait3A_63, %dma_wait3A_65, %dma_wait3A_66] : memref<2x128x64xf32, #tpu.memory_space<vmem>> -> memref<1x128x64xf32, #tpu.memory_space<vmem>>
      %dma_wait3A_68 = tpu.memref_squeeze %dma_wait3A_67 : memref<1x128x64xf32, #tpu.memory_space<vmem>> -> memref<128x64xf32, #tpu.memory_space<vmem>>
      %dma_wait3A_69 = arith.constant 0 : i32
      %dma_wait3A_70 = tpu.memref_slice %arg7[%add3A_62, %dma_wait3A_69] : memref<80x128xi32, #tpu.memory_space<vmem>> -> memref<1x128xi32, #tpu.memory_space<vmem>>
      %dma_wait3A_71 = tpu.memref_squeeze %dma_wait3A_70 : memref<1x128xi32, #tpu.memory_space<vmem>> -> memref<128xi32, #tpu.memory_space<vmem>>
      %dma_wait3A_72 = arith.constant 0 : i32
      %dma_wait3A_73 = arith.constant 0 : i32
      %dma_wait3A_74 = tpu.memref_slice %arg11[%dma_wait3A_72, %dma_wait3A_73] : memref<10112x64xf32, #tpu.memory_space<vmem_shared>> -> memref<10112x64xf32, #tpu.memory_space<vmem_shared>>
      %dma_wait3A_75 = tpu.memref_slice %arg10[%dma_wait3A_64] : memref<2x!tpu.dma_semaphore, #tpu.memory_space<semaphore_mem>> -> memref<1x!tpu.dma_semaphore, #tpu.memory_space<semaphore_mem>>
      %dma_wait3A_76 = tpu.memref_squeeze %dma_wait3A_75 : memref<1x!tpu.dma_semaphore, #tpu.memory_space<semaphore_mem>> -> memref<!tpu.dma_semaphore, #tpu.memory_space<semaphore_mem>>
      tpu.wait_indirect_dma semaphore(%dma_wait3A_76 : memref<!tpu.dma_semaphore, #tpu.memory_space<semaphore_mem>>) src(%dma_wait3A_74 : memref<10112x64xf32, #tpu.memory_space<vmem_shared>>) dst(%dma_wait3A_68 : memref<128x64xf32, #tpu.memory_space<vmem>>)
      %run_scoped3A_77 = arith.constant 1 : i32
      "tpu.region"() ({
        %run_scoped3A_85 = tpu.sem_alloc : memref<!tpu.dma_semaphore, #tpu.memory_space<semaphore_mem>>
        %dma_start3A_86 = arith.constant 0 : i32
        %dma_start3A_87 = arith.constant 0 : i32
        %dma_start3A_88 = tpu.memref_slice %arg9[%run_scoped3A_77, %dma_start3A_86, %dma_start3A_87] : memref<2x128x64xf32, #tpu.memory_space<vmem>> -> memref<1x128x64xf32, #tpu.memory_space<vmem>>
        %dma_start3A_89 = tpu.memref_squeeze %dma_start3A_88 : memref<1x128x64xf32, #tpu.memory_space<vmem>> -> memref<128x64xf32, #tpu.memory_space<vmem>>
        %dma_start3A_90 = arith.constant 0 : i32
        %dma_start3A_91 = tpu.memref_slice %arg8[%add3A_62, %dma_start3A_90] : memref<80x128xi32, #tpu.memory_space<vmem>> -> memref<1x128xi32, #tpu.memory_space<vmem>>
        %dma_start3A_92 = tpu.memref_squeeze %dma_start3A_91 : memref<1x128xi32, #tpu.memory_space<vmem>> -> memref<128xi32, #tpu.memory_space<vmem>>
        %dma_start3A_93 = arith.constant 0 : i32
        %dma_start3A_94 = arith.constant 0 : i32
        %dma_start3A_95 = tpu.memref_slice %arg12[%dma_start3A_93, %dma_start3A_94] : memref<10112x64xf32, #tpu.memory_space<vmem_shared>> -> memref<10112x64xf32, #tpu.memory_space<vmem_shared>>
        tpu.enqueue_indirect_dma source(%dma_start3A_89 : memref<128x64xf32, #tpu.memory_space<vmem>>) target(%dma_start3A_95 : memref<10112x64xf32, #tpu.memory_space<vmem_shared>>) offsets(%dma_start3A_92 : memref<128xi32, #tpu.memory_space<vmem>>) semaphore(%run_scoped3A_85 : memref<!tpu.dma_semaphore, #tpu.memory_space<semaphore_mem>>) {add = true}
        %dma_wait3A_96 = arith.constant 0 : i32
        %dma_wait3A_97 = arith.constant 0 : i32
        %dma_wait3A_98 = tpu.memref_slice %arg9[%run_scoped3A_77, %dma_wait3A_96, %dma_wait3A_97] : memref<2x128x64xf32, #tpu.memory_space<vmem>> -> memref<1x128x64xf32, #tpu.memory_space<vmem>>
        %dma_wait3A_99 = tpu.memref_squeeze %dma_wait3A_98 : memref<1x128x64xf32, #tpu.memory_space<vmem>> -> memref<128x64xf32, #tpu.memory_space<vmem>>
        %dma_wait3A_100 = arith.constant 0 : i32
        %dma_wait3A_101 = tpu.memref_slice %arg8[%add3A_62, %dma_wait3A_100] : memref<80x128xi32, #tpu.memory_space<vmem>> -> memref<1x128xi32, #tpu.memory_space<vmem>>
        %dma_wait3A_102 = tpu.memref_squeeze %dma_wait3A_101 : memref<1x128xi32, #tpu.memory_space<vmem>> -> memref<128xi32, #tpu.memory_space<vmem>>
        %dma_wait3A_103 = arith.constant 0 : i32
        %dma_wait3A_104 = arith.constant 0 : i32
        %dma_wait3A_105 = tpu.memref_slice %arg12[%dma_wait3A_103, %dma_wait3A_104] : memref<10112x64xf32, #tpu.memory_space<vmem_shared>> -> memref<10112x64xf32, #tpu.memory_space<vmem_shared>>
        tpu.wait_indirect_dma semaphore(%run_scoped3A_85 : memref<!tpu.dma_semaphore, #tpu.memory_space<semaphore_mem>>) src(%dma_wait3A_99 : memref<128x64xf32, #tpu.memory_space<vmem>>) dst(%dma_wait3A_105 : memref<10112x64xf32, #tpu.memory_space<vmem_shared>>)
        tpu.yield
      }) : () -> ()
      %add3A_78 = arith.constant 2 : i32
      %add3A_79 = arith.addi %add3A_62, %add3A_78 : i32
      %lt3A_80 = arith.constant 80 : i32
      %lt3A_81 = arith.cmpi slt, %add3A_79, %lt3A_80 : i32
      %convert_element_type3A_82 = arith.extui %lt3A_81 : i1 to i32
      %cond3A_83 = arith.constant 0 : i32
      %cond3A_84 = arith.cmpi ne, %convert_element_type3A_82, %cond3A_83 : i32
      scf.if %cond3A_84 {
        %add3A_85 = arith.constant 2 : i32
        %add3A_86 = arith.addi %add3A_62, %add3A_85 : i32
        %dma_start3A_87 = arith.constant 1 : i32
        %dma_start3A_88 = arith.constant 1 : i32
        %dma_start3A_89 = arith.constant 0 : i32
        %dma_start3A_90 = arith.constant 0 : i32
        %dma_start3A_91 = tpu.memref_slice %arg9[%dma_start3A_87, %dma_start3A_89, %dma_start3A_90] : memref<2x128x64xf32, #tpu.memory_space<vmem>> -> memref<1x128x64xf32, #tpu.memory_space<vmem>>
        %dma_start3A_92 = tpu.memref_squeeze %dma_start3A_91 : memref<1x128x64xf32, #tpu.memory_space<vmem>> -> memref<128x64xf32, #tpu.memory_space<vmem>>
        %dma_start3A_93 = arith.constant 0 : i32
        %dma_start3A_94 = tpu.memref_slice %arg7[%add3A_86, %dma_start3A_93] : memref<80x128xi32, #tpu.memory_space<vmem>> -> memref<1x128xi32, #tpu.memory_space<vmem>>
        %dma_start3A_95 = tpu.memref_squeeze %dma_start3A_94 : memref<1x128xi32, #tpu.memory_space<vmem>> -> memref<128xi32, #tpu.memory_space<vmem>>
        %dma_start3A_96 = arith.constant 0 : i32
        %dma_start3A_97 = arith.constant 0 : i32
        %dma_start3A_98 = tpu.memref_slice %arg11[%dma_start3A_96, %dma_start3A_97] : memref<10112x64xf32, #tpu.memory_space<vmem_shared>> -> memref<10112x64xf32, #tpu.memory_space<vmem_shared>>
        %dma_start3A_99 = tpu.memref_slice %arg10[%dma_start3A_88] : memref<2x!tpu.dma_semaphore, #tpu.memory_space<semaphore_mem>> -> memref<1x!tpu.dma_semaphore, #tpu.memory_space<semaphore_mem>>
        %dma_start3A_100 = tpu.memref_squeeze %dma_start3A_99 : memref<1x!tpu.dma_semaphore, #tpu.memory_space<semaphore_mem>> -> memref<!tpu.dma_semaphore, #tpu.memory_space<semaphore_mem>>
        tpu.enqueue_indirect_dma source(%dma_start3A_98 : memref<10112x64xf32, #tpu.memory_space<vmem_shared>>) target(%dma_start3A_92 : memref<128x64xf32, #tpu.memory_space<vmem>>) offsets(%dma_start3A_95 : memref<128xi32, #tpu.memory_space<vmem>>) semaphore(%dma_start3A_100 : memref<!tpu.dma_semaphore, #tpu.memory_space<semaphore_mem>>)
      } else {
      }
    }
    %scan3A_35 = arith.constant 40 : i32
    %barrier3A_36 = arith.constant 0 : index
    tpu.barrier barrier_id(%barrier3A_36)
    "tpu.region"() ({
      %run_scoped3A = tpu.sem_alloc : memref<!tpu.dma_semaphore, #tpu.memory_space<semaphore_mem>>
      %dma_start3A_37 = arith.constant 0 : i32
      %dma_start3A_38 = tpu.memref_slice %arg6[%arg0, %mul3A_2, %dma_start3A_37] : memref<2x10112x64xf32, #tpu.memory_space<hbm>> -> memref<1x632x64xf32, #tpu.memory_space<hbm>>
      %dma_start3A_39 = tpu.memref_squeeze %dma_start3A_38 : memref<1x632x64xf32, #tpu.memory_space<hbm>> -> memref<632x64xf32, #tpu.memory_space<hbm>>
      %dma_start3A_40 = arith.constant 0 : i32
      %dma_start3A_41 = tpu.memref_slice %arg12[%mul3A_2, %dma_start3A_40] : memref<10112x64xf32, #tpu.memory_space<vmem_shared>> -> memref<632x64xf32, #tpu.memory_space<vmem_shared>>
      tpu.enqueue_dma source(%dma_start3A_41 : memref<632x64xf32, #tpu.memory_space<vmem_shared>>) target(%dma_start3A_39 : memref<632x64xf32, #tpu.memory_space<hbm>>) target_semaphore(%run_scoped3A : memref<!tpu.dma_semaphore, #tpu.memory_space<semaphore_mem>>)
      %dma_wait3A = arith.constant 0 : i32
      %dma_wait3A_42 = tpu.memref_slice %arg6[%arg0, %mul3A_2, %dma_wait3A] : memref<2x10112x64xf32, #tpu.memory_space<hbm>> -> memref<1x632x64xf32, #tpu.memory_space<hbm>>
      %dma_wait3A_43 = tpu.memref_squeeze %dma_wait3A_42 : memref<1x632x64xf32, #tpu.memory_space<hbm>> -> memref<632x64xf32, #tpu.memory_space<hbm>>
      %dma_wait3A_44 = arith.constant 0 : i32
      %dma_wait3A_45 = tpu.memref_slice %arg12[%mul3A_2, %dma_wait3A_44] : memref<10112x64xf32, #tpu.memory_space<vmem_shared>> -> memref<632x64xf32, #tpu.memory_space<vmem_shared>>
      tpu.wait_dma2 semaphore(%run_scoped3A : memref<!tpu.dma_semaphore, #tpu.memory_space<semaphore_mem>>) src(%dma_wait3A_45 : memref<632x64xf32, #tpu.memory_space<vmem_shared>>) dst(%dma_wait3A_43 : memref<632x64xf32, #tpu.memory_space<hbm>>)
      tpu.yield
    }) : () -> ()
    return
  }
}

#map = affine_map<(d0, d1) -> (0, 0)>
#map1 = affine_map<(d0, d1) -> (0, 0, 0)>
module attributes {stable_mosaic.version = 14 : i64} {
  func.func @body(%arg0: i32, %arg1: i32, %arg2: memref<10112x64xf32, #tpu.memory_space<hbm>>, %arg3: memref<32x80x128xi32, #tpu.memory_space<hbm>>, %arg4: memref<32x80x128xi32, #tpu.memory_space<hbm>>, %arg5: memref<10112x64xf32, #tpu.memory_space<hbm>>, %arg6: memref<2x10112x64xf32, #tpu.memory_space<hbm>>, %arg7: memref<80x128xi32, #tpu.memory_space<vmem>>, %arg8: memref<80x128xi32, #tpu.memory_space<vmem>>, %arg9: memref<2x128x64xf32, #tpu.memory_space<vmem>>, %arg10: memref<2x!tpu.dma_semaphore, #tpu.memory_space<semaphore_mem>>, %arg11: memref<10112x64xf32, #tpu.memory_space<vmem_shared>>, %arg12: memref<10112x64xf32, #tpu.memory_space<vmem_shared>>) attributes {dimension_semantics = [#tpu.dimension_semantics<core_parallel>, #tpu.dimension_semantics<subcore_parallel>], iteration_bounds = array<i64: 2, 16>, scalar_prefetch = 0 : i64, scratch_operands = 6 : i64, tpu.core_type = #tpu.core_type<sc_vector_subcore>, window_params = [{transform_indices = #map}, {transform_indices = #map1}, {transform_indices = #map1}, {transform_indices = #map}, {transform_indices = #map1}]} {
    %mul3A = arith.constant 16 : i32
    %mul3A_0 = arith.muli %arg0, %mul3A : i32
    %add3A = arith.addi %mul3A_0, %arg1 : i32
    %mul3A_1 = arith.constant 632 : i32
    %mul3A_2 = arith.muli %arg1, %mul3A_1 : i32
    "tpu.region"() ({
      %run_scoped3A = tpu.sem_alloc : memref<!tpu.dma_semaphore, #tpu.memory_space<semaphore_mem>>
      %dma_start3A_37 = arith.constant 0 : i32
      %dma_start3A_38 = arith.constant 0 : i32
      %dma_start3A_39 = tpu.memref_slice %arg3[%add3A, %dma_start3A_37, %dma_start3A_38] : memref<32x80x128xi32, #tpu.memory_space<hbm>> -> memref<1x80x128xi32, #tpu.memory_space<hbm>>
      %dma_start3A_40 = tpu.memref_squeeze %dma_start3A_39 : memref<1x80x128xi32, #tpu.memory_space<hbm>> -> memref<80x128xi32, #tpu.memory_space<hbm>>
      %dma_start3A_41 = arith.constant 0 : i32
      %dma_start3A_42 = arith.constant 0 : i32
      %dma_start3A_43 = tpu.memref_slice %arg3[%add3A, %dma_start3A_41, %dma_start3A_42] : memref<32x80x128xi32, #tpu.memory_space<hbm>> -> memref<1x80x128xi32, #tpu.memory_space<hbm>>
      %dma_start3A_44 = tpu.memref_squeeze %dma_start3A_43 : memref<1x80x128xi32, #tpu.memory_space<hbm>> -> memref<80x128xi32, #tpu.memory_space<hbm>>
      tpu.enqueue_dma source(%dma_start3A_44 : memref<80x128xi32, #tpu.memory_space<hbm>>) target(%arg7 : memref<80x128xi32, #tpu.memory_space<vmem>>) target_semaphore(%run_scoped3A : memref<!tpu.dma_semaphore, #tpu.memory_space<semaphore_mem>>)
      %dma_wait3A = arith.constant 0 : i32
      %dma_wait3A_45 = arith.constant 0 : i32
      %dma_wait3A_46 = tpu.memref_slice %arg3[%add3A, %dma_wait3A, %dma_wait3A_45] : memref<32x80x128xi32, #tpu.memory_space<hbm>> -> memref<1x80x128xi32, #tpu.memory_space<hbm>>
      %dma_wait3A_47 = tpu.memref_squeeze %dma_wait3A_46 : memref<1x80x128xi32, #tpu.memory_space<hbm>> -> memref<80x128xi32, #tpu.memory_space<hbm>>
      %dma_wait3A_48 = arith.constant 0 : i32
      %dma_wait3A_49 = arith.constant 0 : i32
      %dma_wait3A_50 = tpu.memref_slice %arg3[%add3A, %dma_wait3A_48, %dma_wait3A_49] : memref<32x80x128xi32, #tpu.memory_space<hbm>> -> memref<1x80x128xi32, #tpu.memory_space<hbm>>
      %dma_wait3A_51 = tpu.memref_squeeze %dma_wait3A_50 : memref<1x80x128xi32, #tpu.memory_space<hbm>> -> memref<80x128xi32, #tpu.memory_space<hbm>>
      tpu.wait_dma2 semaphore(%run_scoped3A : memref<!tpu.dma_semaphore, #tpu.memory_space<semaphore_mem>>) src(%dma_wait3A_51 : memref<80x128xi32, #tpu.memory_space<hbm>>) dst(%arg7 : memref<80x128xi32, #tpu.memory_space<vmem>>)
      tpu.yield
    }) : () -> ()
    "tpu.region"() ({
      %run_scoped3A = tpu.sem_alloc : memref<!tpu.dma_semaphore, #tpu.memory_space<semaphore_mem>>
      %dma_start3A_37 = arith.constant 0 : i32
      %dma_start3A_38 = arith.constant 0 : i32
      %dma_start3A_39 = tpu.memref_slice %arg4[%add3A, %dma_start3A_37, %dma_start3A_38] : memref<32x80x128xi32, #tpu.memory_space<hbm>> -> memref<1x80x128xi32, #tpu.memory_space<hbm>>
      %dma_start3A_40 = tpu.memref_squeeze %dma_start3A_39 : memref<1x80x128xi32, #tpu.memory_space<hbm>> -> memref<80x128xi32, #tpu.memory_space<hbm>>
      %dma_start3A_41 = arith.constant 0 : i32
      %dma_start3A_42 = arith.constant 0 : i32
      %dma_start3A_43 = tpu.memref_slice %arg4[%add3A, %dma_start3A_41, %dma_start3A_42] : memref<32x80x128xi32, #tpu.memory_space<hbm>> -> memref<1x80x128xi32, #tpu.memory_space<hbm>>
      %dma_start3A_44 = tpu.memref_squeeze %dma_start3A_43 : memref<1x80x128xi32, #tpu.memory_space<hbm>> -> memref<80x128xi32, #tpu.memory_space<hbm>>
      tpu.enqueue_dma source(%dma_start3A_44 : memref<80x128xi32, #tpu.memory_space<hbm>>) target(%arg8 : memref<80x128xi32, #tpu.memory_space<vmem>>) target_semaphore(%run_scoped3A : memref<!tpu.dma_semaphore, #tpu.memory_space<semaphore_mem>>)
      %dma_wait3A = arith.constant 0 : i32
      %dma_wait3A_45 = arith.constant 0 : i32
      %dma_wait3A_46 = tpu.memref_slice %arg4[%add3A, %dma_wait3A, %dma_wait3A_45] : memref<32x80x128xi32, #tpu.memory_space<hbm>> -> memref<1x80x128xi32, #tpu.memory_space<hbm>>
      %dma_wait3A_47 = tpu.memref_squeeze %dma_wait3A_46 : memref<1x80x128xi32, #tpu.memory_space<hbm>> -> memref<80x128xi32, #tpu.memory_space<hbm>>
      %dma_wait3A_48 = arith.constant 0 : i32
      %dma_wait3A_49 = arith.constant 0 : i32
      %dma_wait3A_50 = tpu.memref_slice %arg4[%add3A, %dma_wait3A_48, %dma_wait3A_49] : memref<32x80x128xi32, #tpu.memory_space<hbm>> -> memref<1x80x128xi32, #tpu.memory_space<hbm>>
      %dma_wait3A_51 = tpu.memref_squeeze %dma_wait3A_50 : memref<1x80x128xi32, #tpu.memory_space<hbm>> -> memref<80x128xi32, #tpu.memory_space<hbm>>
      tpu.wait_dma2 semaphore(%run_scoped3A : memref<!tpu.dma_semaphore, #tpu.memory_space<semaphore_mem>>) src(%dma_wait3A_51 : memref<80x128xi32, #tpu.memory_space<hbm>>) dst(%arg8 : memref<80x128xi32, #tpu.memory_space<vmem>>)
      tpu.yield
    }) : () -> ()
    "tpu.region"() ({
      %run_scoped3A = tpu.sem_alloc : memref<!tpu.dma_semaphore, #tpu.memory_space<semaphore_mem>>
      %dma_start3A_37 = arith.constant 0 : i32
      %dma_start3A_38 = tpu.memref_slice %arg11[%mul3A_2, %dma_start3A_37] : memref<10112x64xf32, #tpu.memory_space<vmem_shared>> -> memref<632x64xf32, #tpu.memory_space<vmem_shared>>
      %dma_start3A_39 = arith.constant 0 : i32
      %dma_start3A_40 = tpu.memref_slice %arg2[%mul3A_2, %dma_start3A_39] : memref<10112x64xf32, #tpu.memory_space<hbm>> -> memref<632x64xf32, #tpu.memory_space<hbm>>
      tpu.enqueue_dma source(%dma_start3A_40 : memref<632x64xf32, #tpu.memory_space<hbm>>) target(%dma_start3A_38 : memref<632x64xf32, #tpu.memory_space<vmem_shared>>) target_semaphore(%run_scoped3A : memref<!tpu.dma_semaphore, #tpu.memory_space<semaphore_mem>>)
      %dma_wait3A = arith.constant 0 : i32
      %dma_wait3A_41 = tpu.memref_slice %arg11[%mul3A_2, %dma_wait3A] : memref<10112x64xf32, #tpu.memory_space<vmem_shared>> -> memref<632x64xf32, #tpu.memory_space<vmem_shared>>
      %dma_wait3A_42 = arith.constant 0 : i32
      %dma_wait3A_43 = tpu.memref_slice %arg2[%mul3A_2, %dma_wait3A_42] : memref<10112x64xf32, #tpu.memory_space<hbm>> -> memref<632x64xf32, #tpu.memory_space<hbm>>
      tpu.wait_dma2 semaphore(%run_scoped3A : memref<!tpu.dma_semaphore, #tpu.memory_space<semaphore_mem>>) src(%dma_wait3A_43 : memref<632x64xf32, #tpu.memory_space<hbm>>) dst(%dma_wait3A_41 : memref<632x64xf32, #tpu.memory_space<vmem_shared>>)
      tpu.yield
    }) : () -> ()
    "tpu.region"() ({
      %run_scoped3A = tpu.sem_alloc : memref<!tpu.dma_semaphore, #tpu.memory_space<semaphore_mem>>
      %dma_start3A_37 = arith.constant 0 : i32
      %dma_start3A_38 = tpu.memref_slice %arg12[%mul3A_2, %dma_start3A_37] : memref<10112x64xf32, #tpu.memory_space<vmem_shared>> -> memref<632x64xf32, #tpu.memory_space<vmem_shared>>
      %dma_start3A_39 = arith.constant 0 : i32
      %dma_start3A_40 = tpu.memref_slice %arg5[%mul3A_2, %dma_start3A_39] : memref<10112x64xf32, #tpu.memory_space<hbm>> -> memref<632x64xf32, #tpu.memory_space<hbm>>
      tpu.enqueue_dma source(%dma_start3A_40 : memref<632x64xf32, #tpu.memory_space<hbm>>) target(%dma_start3A_38 : memref<632x64xf32, #tpu.memory_space<vmem_shared>>) target_semaphore(%run_scoped3A : memref<!tpu.dma_semaphore, #tpu.memory_space<semaphore_mem>>)
      %dma_wait3A = arith.constant 0 : i32
      %dma_wait3A_41 = tpu.memref_slice %arg12[%mul3A_2, %dma_wait3A] : memref<10112x64xf32, #tpu.memory_space<vmem_shared>> -> memref<632x64xf32, #tpu.memory_space<vmem_shared>>
      %dma_wait3A_42 = arith.constant 0 : i32
      %dma_wait3A_43 = tpu.memref_slice %arg5[%mul3A_2, %dma_wait3A_42] : memref<10112x64xf32, #tpu.memory_space<hbm>> -> memref<632x64xf32, #tpu.memory_space<hbm>>
      tpu.wait_dma2 semaphore(%run_scoped3A : memref<!tpu.dma_semaphore, #tpu.memory_space<semaphore_mem>>) src(%dma_wait3A_43 : memref<632x64xf32, #tpu.memory_space<hbm>>) dst(%dma_wait3A_41 : memref<632x64xf32, #tpu.memory_space<vmem_shared>>)
      tpu.yield
    }) : () -> ()
    %barrier3A = arith.constant 0 : index
    tpu.barrier barrier_id(%barrier3A)
    %dma_start3A = arith.constant 0 : i32
    %dma_start3A_3 = arith.constant 0 : i32
    %dma_start3A_4 = arith.constant 0 : i32
    %dma_start3A_5 = arith.constant 0 : i32
    %dma_start3A_6 = arith.constant 0 : i32
    %dma_start3A_7 = tpu.memref_slice %arg9[%dma_start3A_3, %dma_start3A_5, %dma_start3A_6] : memref<2x128x64xf32, #tpu.memory_space<vmem>> -> memref<1x128x64xf32, #tpu.memory_space<vmem>>
    %dma_start3A_8 = tpu.memref_squeeze %dma_start3A_7 : memref<1x128x64xf32, #tpu.memory_space<vmem>> -> memref<128x64xf32, #tpu.memory_space<vmem>>
    %dma_start3A_9 = arith.constant 0 : i32
    %dma_start3A_10 = tpu.memref_slice %arg7[%dma_start3A, %dma_start3A_9] : memref<80x128xi32, #tpu.memory_space<vmem>> -> memref<1x128xi32, #tpu.memory_space<vmem>>
    %dma_start3A_11 = tpu.memref_squeeze %dma_start3A_10 : memref<1x128xi32, #tpu.memory_space<vmem>> -> memref<128xi32, #tpu.memory_space<vmem>>
    %dma_start3A_12 = arith.constant 0 : i32
    %dma_start3A_13 = arith.constant 0 : i32
    %dma_start3A_14 = tpu.memref_slice %arg11[%dma_start3A_12, %dma_start3A_13] : memref<10112x64xf32, #tpu.memory_space<vmem_shared>> -> memref<10112x64xf32, #tpu.memory_space<vmem_shared>>
    %dma_start3A_15 = tpu.memref_slice %arg10[%dma_start3A_4] : memref<2x!tpu.dma_semaphore, #tpu.memory_space<semaphore_mem>> -> memref<1x!tpu.dma_semaphore, #tpu.memory_space<semaphore_mem>>
    %dma_start3A_16 = tpu.memref_squeeze %dma_start3A_15 : memref<1x!tpu.dma_semaphore, #tpu.memory_space<semaphore_mem>> -> memref<!tpu.dma_semaphore, #tpu.memory_space<semaphore_mem>>
    tpu.enqueue_indirect_dma source(%dma_start3A_14 : memref<10112x64xf32, #tpu.memory_space<vmem_shared>>) target(%dma_start3A_8 : memref<128x64xf32, #tpu.memory_space<vmem>>) offsets(%dma_start3A_11 : memref<128xi32, #tpu.memory_space<vmem>>) semaphore(%dma_start3A_16 : memref<!tpu.dma_semaphore, #tpu.memory_space<semaphore_mem>>)
    %dma_start3A_17 = arith.constant 1 : i32
    %dma_start3A_18 = arith.constant 1 : i32
    %dma_start3A_19 = arith.constant 1 : i32
    %dma_start3A_20 = arith.constant 0 : i32
    %dma_start3A_21 = arith.constant 0 : i32
    %dma_start3A_22 = tpu.memref_slice %arg9[%dma_start3A_18, %dma_start3A_20, %dma_start3A_21] : memref<2x128x64xf32, #tpu.memory_space<vmem>> -> memref<1x128x64xf32, #tpu.memory_space<vmem>>
    %dma_start3A_23 = tpu.memref_squeeze %dma_start3A_22 : memref<1x128x64xf32, #tpu.memory_space<vmem>> -> memref<128x64xf32, #tpu.memory_space<vmem>>
    %dma_start3A_24 = arith.constant 0 : i32
    %dma_start3A_25 = tpu.memref_slice %arg7[%dma_start3A_17, %dma_start3A_24] : memref<80x128xi32, #tpu.memory_space<vmem>> -> memref<1x128xi32, #tpu.memory_space<vmem>>
    %dma_start3A_26 = tpu.memref_squeeze %dma_start3A_25 : memref<1x128xi32, #tpu.memory_space<vmem>> -> memref<128xi32, #tpu.memory_space<vmem>>
    %dma_start3A_27 = arith.constant 0 : i32
    %dma_start3A_28 = arith.constant 0 : i32
    %dma_start3A_29 = tpu.memref_slice %arg11[%dma_start3A_27, %dma_start3A_28] : memref<10112x64xf32, #tpu.memory_space<vmem_shared>> -> memref<10112x64xf32, #tpu.memory_space<vmem_shared>>
    %dma_start3A_30 = tpu.memref_slice %arg10[%dma_start3A_19] : memref<2x!tpu.dma_semaphore, #tpu.memory_space<semaphore_mem>> -> memref<1x!tpu.dma_semaphore, #tpu.memory_space<semaphore_mem>>
    %dma_start3A_31 = tpu.memref_squeeze %dma_start3A_30 : memref<1x!tpu.dma_semaphore, #tpu.memory_space<semaphore_mem>> -> memref<!tpu.dma_semaphore, #tpu.memory_space<semaphore_mem>>
    tpu.enqueue_indirect_dma source(%dma_start3A_29 : memref<10112x64xf32, #tpu.memory_space<vmem_shared>>) target(%dma_start3A_23 : memref<128x64xf32, #tpu.memory_space<vmem>>) offsets(%dma_start3A_26 : memref<128xi32, #tpu.memory_space<vmem>>) semaphore(%dma_start3A_31 : memref<!tpu.dma_semaphore, #tpu.memory_space<semaphore_mem>>)
    %scan3A = arith.constant 0 : i32
    %scan3A_32 = arith.constant 40 : i32
    %scan3A_33 = arith.addi %scan3A, %scan3A_32 : i32
    %scan3A_34 = arith.constant 1 : i32
    scf.for %scan3A_37 = %scan3A to %scan3A_33 step %scan3A_34  : i32 {
      %mul3A_38 = arith.constant 2 : i32
      %mul3A_39 = arith.muli %scan3A_37, %mul3A_38 : i32
      %add3A_40 = arith.constant 0 : i32
      %add3A_41 = arith.addi %add3A_40, %mul3A_39 : i32
      %add3A_42 = arith.constant 0 : i32
      %add3A_43 = arith.addi %add3A_41, %add3A_42 : i32
      %dma_wait3A = arith.constant 0 : i32
      %dma_wait3A_44 = arith.constant 0 : i32
      %dma_wait3A_45 = arith.constant 0 : i32
      %dma_wait3A_46 = arith.constant 0 : i32
      %dma_wait3A_47 = tpu.memref_slice %arg9[%dma_wait3A, %dma_wait3A_45, %dma_wait3A_46] : memref<2x128x64xf32, #tpu.memory_space<vmem>> -> memref<1x128x64xf32, #tpu.memory_space<vmem>>
      %dma_wait3A_48 = tpu.memref_squeeze %dma_wait3A_47 : memref<1x128x64xf32, #tpu.memory_space<vmem>> -> memref<128x64xf32, #tpu.memory_space<vmem>>
      %dma_wait3A_49 = arith.constant 0 : i32
      %dma_wait3A_50 = tpu.memref_slice %arg7[%add3A_43, %dma_wait3A_49] : memref<80x128xi32, #tpu.memory_space<vmem>> -> memref<1x128xi32, #tpu.memory_space<vmem>>
      %dma_wait3A_51 = tpu.memref_squeeze %dma_wait3A_50 : memref<1x128xi32, #tpu.memory_space<vmem>> -> memref<128xi32, #tpu.memory_space<vmem>>
      %dma_wait3A_52 = arith.constant 0 : i32
      %dma_wait3A_53 = arith.constant 0 : i32
      %dma_wait3A_54 = tpu.memref_slice %arg11[%dma_wait3A_52, %dma_wait3A_53] : memref<10112x64xf32, #tpu.memory_space<vmem_shared>> -> memref<10112x64xf32, #tpu.memory_space<vmem_shared>>
      %dma_wait3A_55 = tpu.memref_slice %arg10[%dma_wait3A_44] : memref<2x!tpu.dma_semaphore, #tpu.memory_space<semaphore_mem>> -> memref<1x!tpu.dma_semaphore, #tpu.memory_space<semaphore_mem>>
      %dma_wait3A_56 = tpu.memref_squeeze %dma_wait3A_55 : memref<1x!tpu.dma_semaphore, #tpu.memory_space<semaphore_mem>> -> memref<!tpu.dma_semaphore, #tpu.memory_space<semaphore_mem>>
      tpu.wait_indirect_dma semaphore(%dma_wait3A_56 : memref<!tpu.dma_semaphore, #tpu.memory_space<semaphore_mem>>) src(%dma_wait3A_54 : memref<10112x64xf32, #tpu.memory_space<vmem_shared>>) dst(%dma_wait3A_48 : memref<128x64xf32, #tpu.memory_space<vmem>>)
      %run_scoped3A = arith.constant 0 : i32
      "tpu.region"() ({
        %run_scoped3A_85 = tpu.sem_alloc : memref<!tpu.dma_semaphore, #tpu.memory_space<semaphore_mem>>
        %dma_start3A_86 = arith.constant 0 : i32
        %dma_start3A_87 = arith.constant 0 : i32
        %dma_start3A_88 = tpu.memref_slice %arg9[%run_scoped3A, %dma_start3A_86, %dma_start3A_87] : memref<2x128x64xf32, #tpu.memory_space<vmem>> -> memref<1x128x64xf32, #tpu.memory_space<vmem>>
        %dma_start3A_89 = tpu.memref_squeeze %dma_start3A_88 : memref<1x128x64xf32, #tpu.memory_space<vmem>> -> memref<128x64xf32, #tpu.memory_space<vmem>>
        %dma_start3A_90 = arith.constant 0 : i32
        %dma_start3A_91 = tpu.memref_slice %arg8[%add3A_43, %dma_start3A_90] : memref<80x128xi32, #tpu.memory_space<vmem>> -> memref<1x128xi32, #tpu.memory_space<vmem>>
        %dma_start3A_92 = tpu.memref_squeeze %dma_start3A_91 : memref<1x128xi32, #tpu.memory_space<vmem>> -> memref<128xi32, #tpu.memory_space<vmem>>
        %dma_start3A_93 = arith.constant 0 : i32
        %dma_start3A_94 = arith.constant 0 : i32
        %dma_start3A_95 = tpu.memref_slice %arg12[%dma_start3A_93, %dma_start3A_94] : memref<10112x64xf32, #tpu.memory_space<vmem_shared>> -> memref<10112x64xf32, #tpu.memory_space<vmem_shared>>
        tpu.enqueue_indirect_dma source(%dma_start3A_89 : memref<128x64xf32, #tpu.memory_space<vmem>>) target(%dma_start3A_95 : memref<10112x64xf32, #tpu.memory_space<vmem_shared>>) offsets(%dma_start3A_92 : memref<128xi32, #tpu.memory_space<vmem>>) semaphore(%run_scoped3A_85 : memref<!tpu.dma_semaphore, #tpu.memory_space<semaphore_mem>>) {add = true}
        %dma_wait3A_96 = arith.constant 0 : i32
        %dma_wait3A_97 = arith.constant 0 : i32
        %dma_wait3A_98 = tpu.memref_slice %arg9[%run_scoped3A, %dma_wait3A_96, %dma_wait3A_97] : memref<2x128x64xf32, #tpu.memory_space<vmem>> -> memref<1x128x64xf32, #tpu.memory_space<vmem>>
        %dma_wait3A_99 = tpu.memref_squeeze %dma_wait3A_98 : memref<1x128x64xf32, #tpu.memory_space<vmem>> -> memref<128x64xf32, #tpu.memory_space<vmem>>
        %dma_wait3A_100 = arith.constant 0 : i32
        %dma_wait3A_101 = tpu.memref_slice %arg8[%add3A_43, %dma_wait3A_100] : memref<80x128xi32, #tpu.memory_space<vmem>> -> memref<1x128xi32, #tpu.memory_space<vmem>>
        %dma_wait3A_102 = tpu.memref_squeeze %dma_wait3A_101 : memref<1x128xi32, #tpu.memory_space<vmem>> -> memref<128xi32, #tpu.memory_space<vmem>>
        %dma_wait3A_103 = arith.constant 0 : i32
        %dma_wait3A_104 = arith.constant 0 : i32
        %dma_wait3A_105 = tpu.memref_slice %arg12[%dma_wait3A_103, %dma_wait3A_104] : memref<10112x64xf32, #tpu.memory_space<vmem_shared>> -> memref<10112x64xf32, #tpu.memory_space<vmem_shared>>
        tpu.wait_indirect_dma semaphore(%run_scoped3A_85 : memref<!tpu.dma_semaphore, #tpu.memory_space<semaphore_mem>>) src(%dma_wait3A_99 : memref<128x64xf32, #tpu.memory_space<vmem>>) dst(%dma_wait3A_105 : memref<10112x64xf32, #tpu.memory_space<vmem_shared>>)
        tpu.yield
      }) : () -> ()
      %add3A_57 = arith.constant 2 : i32
      %add3A_58 = arith.addi %add3A_43, %add3A_57 : i32
      %lt3A = arith.constant 80 : i32
      %lt3A_59 = arith.cmpi slt, %add3A_58, %lt3A : i32
      %convert_element_type3A = arith.extui %lt3A_59 : i1 to i32
      %cond3A = arith.constant 0 : i32
      %cond3A_60 = arith.cmpi ne, %convert_element_type3A, %cond3A : i32
      scf.if %cond3A_60 {
        %add3A_85 = arith.constant 2 : i32
        %add3A_86 = arith.addi %add3A_43, %add3A_85 : i32
        %dma_start3A_87 = arith.constant 0 : i32
        %dma_start3A_88 = arith.constant 0 : i32
        %dma_start3A_89 = arith.constant 0 : i32
        %dma_start3A_90 = arith.constant 0 : i32
        %dma_start3A_91 = tpu.memref_slice %arg9[%dma_start3A_87, %dma_start3A_89, %dma_start3A_90] : memref<2x128x64xf32, #tpu.memory_space<vmem>> -> memref<1x128x64xf32, #tpu.memory_space<vmem>>
        %dma_start3A_92 = tpu.memref_squeeze %dma_start3A_91 : memref<1x128x64xf32, #tpu.memory_space<vmem>> -> memref<128x64xf32, #tpu.memory_space<vmem>>
        %dma_start3A_93 = arith.constant 0 : i32
        %dma_start3A_94 = tpu.memref_slice %arg7[%add3A_86, %dma_start3A_93] : memref<80x128xi32, #tpu.memory_space<vmem>> -> memref<1x128xi32, #tpu.memory_space<vmem>>
        %dma_start3A_95 = tpu.memref_squeeze %dma_start3A_94 : memref<1x128xi32, #tpu.memory_space<vmem>> -> memref<128xi32, #tpu.memory_space<vmem>>
        %dma_start3A_96 = arith.constant 0 : i32
        %dma_start3A_97 = arith.constant 0 : i32
        %dma_start3A_98 = tpu.memref_slice %arg11[%dma_start3A_96, %dma_start3A_97] : memref<10112x64xf32, #tpu.memory_space<vmem_shared>> -> memref<10112x64xf32, #tpu.memory_space<vmem_shared>>
        %dma_start3A_99 = tpu.memref_slice %arg10[%dma_start3A_88] : memref<2x!tpu.dma_semaphore, #tpu.memory_space<semaphore_mem>> -> memref<1x!tpu.dma_semaphore, #tpu.memory_space<semaphore_mem>>
        %dma_start3A_100 = tpu.memref_squeeze %dma_start3A_99 : memref<1x!tpu.dma_semaphore, #tpu.memory_space<semaphore_mem>> -> memref<!tpu.dma_semaphore, #tpu.memory_space<semaphore_mem>>
        tpu.enqueue_indirect_dma source(%dma_start3A_98 : memref<10112x64xf32, #tpu.memory_space<vmem_shared>>) target(%dma_start3A_92 : memref<128x64xf32, #tpu.memory_space<vmem>>) offsets(%dma_start3A_95 : memref<128xi32, #tpu.memory_space<vmem>>) semaphore(%dma_start3A_100 : memref<!tpu.dma_semaphore, #tpu.memory_space<semaphore_mem>>)
      } else {
      }
      %add3A_61 = arith.constant 1 : i32
      %add3A_62 = arith.addi %add3A_41, %add3A_61 : i32
      %dma_wait3A_63 = arith.constant 1 : i32
      %dma_wait3A_64 = arith.constant 1 : i32
      %dma_wait3A_65 = arith.constant 0 : i32
      %dma_wait3A_66 = arith.constant 0 : i32
      %dma_wait3A_67 = tpu.memref_slice %arg9[%dma_wait3A_63, %dma_wait3A_65, %dma_wait3A_66] : memref<2x128x64xf32, #tpu.memory_space<vmem>> -> memref<1x128x64xf32, #tpu.memory_space<vmem>>
      %dma_wait3A_68 = tpu.memref_squeeze %dma_wait3A_67 : memref<1x128x64xf32, #tpu.memory_space<vmem>> -> memref<128x64xf32, #tpu.memory_space<vmem>>
      %dma_wait3A_69 = arith.constant 0 : i32
      %dma_wait3A_70 = tpu.memref_slice %arg7[%add3A_62, %dma_wait3A_69] : memref<80x128xi32, #tpu.memory_space<vmem>> -> memref<1x128xi32, #tpu.memory_space<vmem>>
      %dma_wait3A_71 = tpu.memref_squeeze %dma_wait3A_70 : memref<1x128xi32, #tpu.memory_space<vmem>> -> memref<128xi32, #tpu.memory_space<vmem>>
      %dma_wait3A_72 = arith.constant 0 : i32
      %dma_wait3A_73 = arith.constant 0 : i32
      %dma_wait3A_74 = tpu.memref_slice %arg11[%dma_wait3A_72, %dma_wait3A_73] : memref<10112x64xf32, #tpu.memory_space<vmem_shared>> -> memref<10112x64xf32, #tpu.memory_space<vmem_shared>>
      %dma_wait3A_75 = tpu.memref_slice %arg10[%dma_wait3A_64] : memref<2x!tpu.dma_semaphore, #tpu.memory_space<semaphore_mem>> -> memref<1x!tpu.dma_semaphore, #tpu.memory_space<semaphore_mem>>
      %dma_wait3A_76 = tpu.memref_squeeze %dma_wait3A_75 : memref<1x!tpu.dma_semaphore, #tpu.memory_space<semaphore_mem>> -> memref<!tpu.dma_semaphore, #tpu.memory_space<semaphore_mem>>
      tpu.wait_indirect_dma semaphore(%dma_wait3A_76 : memref<!tpu.dma_semaphore, #tpu.memory_space<semaphore_mem>>) src(%dma_wait3A_74 : memref<10112x64xf32, #tpu.memory_space<vmem_shared>>) dst(%dma_wait3A_68 : memref<128x64xf32, #tpu.memory_space<vmem>>)
      %run_scoped3A_77 = arith.constant 1 : i32
      "tpu.region"() ({
        %run_scoped3A_85 = tpu.sem_alloc : memref<!tpu.dma_semaphore, #tpu.memory_space<semaphore_mem>>
        %dma_start3A_86 = arith.constant 0 : i32
        %dma_start3A_87 = arith.constant 0 : i32
        %dma_start3A_88 = tpu.memref_slice %arg9[%run_scoped3A_77, %dma_start3A_86, %dma_start3A_87] : memref<2x128x64xf32, #tpu.memory_space<vmem>> -> memref<1x128x64xf32, #tpu.memory_space<vmem>>
        %dma_start3A_89 = tpu.memref_squeeze %dma_start3A_88 : memref<1x128x64xf32, #tpu.memory_space<vmem>> -> memref<128x64xf32, #tpu.memory_space<vmem>>
        %dma_start3A_90 = arith.constant 0 : i32
        %dma_start3A_91 = tpu.memref_slice %arg8[%add3A_62, %dma_start3A_90] : memref<80x128xi32, #tpu.memory_space<vmem>> -> memref<1x128xi32, #tpu.memory_space<vmem>>
        %dma_start3A_92 = tpu.memref_squeeze %dma_start3A_91 : memref<1x128xi32, #tpu.memory_space<vmem>> -> memref<128xi32, #tpu.memory_space<vmem>>
        %dma_start3A_93 = arith.constant 0 : i32
        %dma_start3A_94 = arith.constant 0 : i32
        %dma_start3A_95 = tpu.memref_slice %arg12[%dma_start3A_93, %dma_start3A_94] : memref<10112x64xf32, #tpu.memory_space<vmem_shared>> -> memref<10112x64xf32, #tpu.memory_space<vmem_shared>>
        tpu.enqueue_indirect_dma source(%dma_start3A_89 : memref<128x64xf32, #tpu.memory_space<vmem>>) target(%dma_start3A_95 : memref<10112x64xf32, #tpu.memory_space<vmem_shared>>) offsets(%dma_start3A_92 : memref<128xi32, #tpu.memory_space<vmem>>) semaphore(%run_scoped3A_85 : memref<!tpu.dma_semaphore, #tpu.memory_space<semaphore_mem>>) {add = true}
        %dma_wait3A_96 = arith.constant 0 : i32
        %dma_wait3A_97 = arith.constant 0 : i32
        %dma_wait3A_98 = tpu.memref_slice %arg9[%run_scoped3A_77, %dma_wait3A_96, %dma_wait3A_97] : memref<2x128x64xf32, #tpu.memory_space<vmem>> -> memref<1x128x64xf32, #tpu.memory_space<vmem>>
        %dma_wait3A_99 = tpu.memref_squeeze %dma_wait3A_98 : memref<1x128x64xf32, #tpu.memory_space<vmem>> -> memref<128x64xf32, #tpu.memory_space<vmem>>
        %dma_wait3A_100 = arith.constant 0 : i32
        %dma_wait3A_101 = tpu.memref_slice %arg8[%add3A_62, %dma_wait3A_100] : memref<80x128xi32, #tpu.memory_space<vmem>> -> memref<1x128xi32, #tpu.memory_space<vmem>>
        %dma_wait3A_102 = tpu.memref_squeeze %dma_wait3A_101 : memref<1x128xi32, #tpu.memory_space<vmem>> -> memref<128xi32, #tpu.memory_space<vmem>>
        %dma_wait3A_103 = arith.constant 0 : i32
        %dma_wait3A_104 = arith.constant 0 : i32
        %dma_wait3A_105 = tpu.memref_slice %arg12[%dma_wait3A_103, %dma_wait3A_104] : memref<10112x64xf32, #tpu.memory_space<vmem_shared>> -> memref<10112x64xf32, #tpu.memory_space<vmem_shared>>
        tpu.wait_indirect_dma semaphore(%run_scoped3A_85 : memref<!tpu.dma_semaphore, #tpu.memory_space<semaphore_mem>>) src(%dma_wait3A_99 : memref<128x64xf32, #tpu.memory_space<vmem>>) dst(%dma_wait3A_105 : memref<10112x64xf32, #tpu.memory_space<vmem_shared>>)
        tpu.yield
      }) : () -> ()
      %add3A_78 = arith.constant 2 : i32
      %add3A_79 = arith.addi %add3A_62, %add3A_78 : i32
      %lt3A_80 = arith.constant 80 : i32
      %lt3A_81 = arith.cmpi slt, %add3A_79, %lt3A_80 : i32
      %convert_element_type3A_82 = arith.extui %lt3A_81 : i1 to i32
      %cond3A_83 = arith.constant 0 : i32
      %cond3A_84 = arith.cmpi ne, %convert_element_type3A_82, %cond3A_83 : i32
      scf.if %cond3A_84 {
        %add3A_85 = arith.constant 2 : i32
        %add3A_86 = arith.addi %add3A_62, %add3A_85 : i32
        %dma_start3A_87 = arith.constant 1 : i32
        %dma_start3A_88 = arith.constant 1 : i32
        %dma_start3A_89 = arith.constant 0 : i32
        %dma_start3A_90 = arith.constant 0 : i32
        %dma_start3A_91 = tpu.memref_slice %arg9[%dma_start3A_87, %dma_start3A_89, %dma_start3A_90] : memref<2x128x64xf32, #tpu.memory_space<vmem>> -> memref<1x128x64xf32, #tpu.memory_space<vmem>>
        %dma_start3A_92 = tpu.memref_squeeze %dma_start3A_91 : memref<1x128x64xf32, #tpu.memory_space<vmem>> -> memref<128x64xf32, #tpu.memory_space<vmem>>
        %dma_start3A_93 = arith.constant 0 : i32
        %dma_start3A_94 = tpu.memref_slice %arg7[%add3A_86, %dma_start3A_93] : memref<80x128xi32, #tpu.memory_space<vmem>> -> memref<1x128xi32, #tpu.memory_space<vmem>>
        %dma_start3A_95 = tpu.memref_squeeze %dma_start3A_94 : memref<1x128xi32, #tpu.memory_space<vmem>> -> memref<128xi32, #tpu.memory_space<vmem>>
        %dma_start3A_96 = arith.constant 0 : i32
        %dma_start3A_97 = arith.constant 0 : i32
        %dma_start3A_98 = tpu.memref_slice %arg11[%dma_start3A_96, %dma_start3A_97] : memref<10112x64xf32, #tpu.memory_space<vmem_shared>> -> memref<10112x64xf32, #tpu.memory_space<vmem_shared>>
        %dma_start3A_99 = tpu.memref_slice %arg10[%dma_start3A_88] : memref<2x!tpu.dma_semaphore, #tpu.memory_space<semaphore_mem>> -> memref<1x!tpu.dma_semaphore, #tpu.memory_space<semaphore_mem>>
        %dma_start3A_100 = tpu.memref_squeeze %dma_start3A_99 : memref<1x!tpu.dma_semaphore, #tpu.memory_space<semaphore_mem>> -> memref<!tpu.dma_semaphore, #tpu.memory_space<semaphore_mem>>
        tpu.enqueue_indirect_dma source(%dma_start3A_98 : memref<10112x64xf32, #tpu.memory_space<vmem_shared>>) target(%dma_start3A_92 : memref<128x64xf32, #tpu.memory_space<vmem>>) offsets(%dma_start3A_95 : memref<128xi32, #tpu.memory_space<vmem>>) semaphore(%dma_start3A_100 : memref<!tpu.dma_semaphore, #tpu.memory_space<semaphore_mem>>)
      } else {
      }
    }
    %scan3A_35 = arith.constant 40 : i32
    %barrier3A_36 = arith.constant 0 : index
    tpu.barrier barrier_id(%barrier3A_36)
    "tpu.region"() ({
      %run_scoped3A = tpu.sem_alloc : memref<!tpu.dma_semaphore, #tpu.memory_space<semaphore_mem>>
      %dma_start3A_37 = arith.constant 0 : i32
      %dma_start3A_38 = tpu.memref_slice %arg6[%arg0, %mul3A_2, %dma_start3A_37] : memref<2x10112x64xf32, #tpu.memory_space<hbm>> -> memref<1x632x64xf32, #tpu.memory_space<hbm>>
      %dma_start3A_39 = tpu.memref_squeeze %dma_start3A_38 : memref<1x632x64xf32, #tpu.memory_space<hbm>> -> memref<632x64xf32, #tpu.memory_space<hbm>>
      %dma_start3A_40 = arith.constant 0 : i32
      %dma_start3A_41 = tpu.memref_slice %arg12[%mul3A_2, %dma_start3A_40] : memref<10112x64xf32, #tpu.memory_space<vmem_shared>> -> memref<632x64xf32, #tpu.memory_space<vmem_shared>>
      tpu.enqueue_dma source(%dma_start3A_41 : memref<632x64xf32, #tpu.memory_space<vmem_shared>>) target(%dma_start3A_39 : memref<632x64xf32, #tpu.memory_space<hbm>>) target_semaphore(%run_scoped3A : memref<!tpu.dma_semaphore, #tpu.memory_space<semaphore_mem>>)
      %dma_wait3A = arith.constant 0 : i32
      %dma_wait3A_42 = tpu.memref_slice %arg6[%arg0, %mul3A_2, %dma_wait3A] : memref<2x10112x64xf32, #tpu.memory_space<hbm>> -> memref<1x632x64xf32, #tpu.memory_space<hbm>>
      %dma_wait3A_43 = tpu.memref_squeeze %dma_wait3A_42 : memref<1x632x64xf32, #tpu.memory_space<hbm>> -> memref<632x64xf32, #tpu.memory_space<hbm>>
      %dma_wait3A_44 = arith.constant 0 : i32
      %dma_wait3A_45 = tpu.memref_slice %arg12[%mul3A_2, %dma_wait3A_44] : memref<10112x64xf32, #tpu.memory_space<vmem_shared>> -> memref<632x64xf32, #tpu.memory_space<vmem_shared>>
      tpu.wait_dma2 semaphore(%run_scoped3A : memref<!tpu.dma_semaphore, #tpu.memory_space<semaphore_mem>>) src(%dma_wait3A_45 : memref<632x64xf32, #tpu.memory_space<vmem_shared>>) dst(%dma_wait3A_43 : memref<632x64xf32, #tpu.memory_space<hbm>>)
      tpu.yield
    }) : () -> ()
    return
  }
}

#map = affine_map<(d0, d1) -> (0, 0, 0)>
#map1 = affine_map<(d0, d1) -> (0, 0)>
module attributes {stable_mosaic.version = 14 : i64} {
  func.func @body(%arg0: i32, %arg1: i32, %arg2: memref<32x80x128xi32, #tpu.memory_space<hbm>>, %arg3: memref<32x10112xf32, #tpu.memory_space<hbm>>, %arg4: memref<80x128xi32, #tpu.memory_space<vmem>>, %arg5: memref<10112xf32, #tpu.memory_space<vmem>>) attributes {dimension_semantics = [#tpu.dimension_semantics<core_parallel>, #tpu.dimension_semantics<subcore_parallel>], iteration_bounds = array<i64: 2, 16>, scalar_prefetch = 0 : i64, scratch_operands = 2 : i64, tpu.core_type = #tpu.core_type<sc_vector_subcore>, window_params = [{transform_indices = #map}, {transform_indices = #map1}]} {
    %mul3A = arith.constant 16 : i32
    %mul3A_0 = arith.muli %arg0, %mul3A : i32
    %add3A = arith.addi %mul3A_0, %arg1 : i32
    "tpu.region"() ({
      %run_scoped3A = tpu.sem_alloc : memref<!tpu.dma_semaphore, #tpu.memory_space<semaphore_mem>>
      %dma_start3A = arith.constant 0 : i32
      %dma_start3A_13 = arith.constant 0 : i32
      %dma_start3A_14 = tpu.memref_slice %arg2[%add3A, %dma_start3A, %dma_start3A_13] : memref<32x80x128xi32, #tpu.memory_space<hbm>> -> memref<1x80x128xi32, #tpu.memory_space<hbm>>
      %dma_start3A_15 = tpu.memref_squeeze %dma_start3A_14 : memref<1x80x128xi32, #tpu.memory_space<hbm>> -> memref<80x128xi32, #tpu.memory_space<hbm>>
      %dma_start3A_16 = arith.constant 0 : i32
      %dma_start3A_17 = arith.constant 0 : i32
      %dma_start3A_18 = tpu.memref_slice %arg2[%add3A, %dma_start3A_16, %dma_start3A_17] : memref<32x80x128xi32, #tpu.memory_space<hbm>> -> memref<1x80x128xi32, #tpu.memory_space<hbm>>
      %dma_start3A_19 = tpu.memref_squeeze %dma_start3A_18 : memref<1x80x128xi32, #tpu.memory_space<hbm>> -> memref<80x128xi32, #tpu.memory_space<hbm>>
      tpu.enqueue_dma source(%dma_start3A_19 : memref<80x128xi32, #tpu.memory_space<hbm>>) target(%arg4 : memref<80x128xi32, #tpu.memory_space<vmem>>) target_semaphore(%run_scoped3A : memref<!tpu.dma_semaphore, #tpu.memory_space<semaphore_mem>>)
      %dma_wait3A = arith.constant 0 : i32
      %dma_wait3A_20 = arith.constant 0 : i32
      %dma_wait3A_21 = tpu.memref_slice %arg2[%add3A, %dma_wait3A, %dma_wait3A_20] : memref<32x80x128xi32, #tpu.memory_space<hbm>> -> memref<1x80x128xi32, #tpu.memory_space<hbm>>
      %dma_wait3A_22 = tpu.memref_squeeze %dma_wait3A_21 : memref<1x80x128xi32, #tpu.memory_space<hbm>> -> memref<80x128xi32, #tpu.memory_space<hbm>>
      %dma_wait3A_23 = arith.constant 0 : i32
      %dma_wait3A_24 = arith.constant 0 : i32
      %dma_wait3A_25 = tpu.memref_slice %arg2[%add3A, %dma_wait3A_23, %dma_wait3A_24] : memref<32x80x128xi32, #tpu.memory_space<hbm>> -> memref<1x80x128xi32, #tpu.memory_space<hbm>>
      %dma_wait3A_26 = tpu.memref_squeeze %dma_wait3A_25 : memref<1x80x128xi32, #tpu.memory_space<hbm>> -> memref<80x128xi32, #tpu.memory_space<hbm>>
      tpu.wait_dma2 semaphore(%run_scoped3A : memref<!tpu.dma_semaphore, #tpu.memory_space<semaphore_mem>>) src(%dma_wait3A_26 : memref<80x128xi32, #tpu.memory_space<hbm>>) dst(%arg4 : memref<80x128xi32, #tpu.memory_space<vmem>>)
      tpu.yield
    }) : () -> ()
    %broadcast_in_dim3A = arith.constant 0.000000e+00 : f32
    %broadcast_in_dim3A_1 = vector.broadcast %broadcast_in_dim3A : f32 to vector<16xf32>
    %scan3A = arith.constant 0 : i32
    %scan3A_2 = arith.constant 632 : i32
    %scan3A_3 = arith.addi %scan3A, %scan3A_2 : i32
    %scan3A_4 = arith.constant 1 : i32
    scf.for %scan3A_13 = %scan3A to %scan3A_3 step %scan3A_4  : i32 {
      %mul3A_14 = arith.constant 16 : i32
      %mul3A_15 = arith.muli %scan3A_13, %mul3A_14 : i32
      %add3A_16 = arith.constant 0 : i32
      %add3A_17 = arith.addi %add3A_16, %mul3A_15 : i32
      %swap3A = arith.index_cast %add3A_17 : i32 to index
      %swap3A_18 = tpu.vector_load %arg5[%swap3A] {strides = array<i32>} : memref<10112xf32, #tpu.memory_space<vmem>>, vector<16xf32>,
      tpu.vector_store %arg5[%swap3A], %broadcast_in_dim3A_1 {strides = array<i32>} : memref<10112xf32, #tpu.memory_space<vmem>>, vector<16xf32>,
    }
    %scan3A_5 = arith.constant 632 : i32
    %broadcast_in_dim3A_6 = arith.constant 1.000000e+00 : f32
    %broadcast_in_dim3A_7 = vector.broadcast %broadcast_in_dim3A_6 : f32 to vector<16xf32>
    %scan3A_8 = arith.constant 0 : i32
    %scan3A_9 = arith.constant 80 : i32
    %scan3A_10 = arith.addi %scan3A_8, %scan3A_9 : i32
    %scan3A_11 = arith.constant 1 : i32
    scf.for %scan3A_13 = %scan3A_8 to %scan3A_10 step %scan3A_11  : i32 {
      %mul3A_14 = arith.constant 1 : i32
      %mul3A_15 = arith.muli %scan3A_13, %mul3A_14 : i32
      %add3A_16 = arith.constant 0 : i32
      %add3A_17 = arith.addi %add3A_16, %mul3A_15 : i32
      %get3A = arith.index_cast %add3A_17 : i32 to index
      %get3A_18 = arith.constant 0 : index
      %get3A_19 = tpu.vector_load %arg4[%get3A, %get3A_18] {strides = array<i32>} : memref<80x128xi32, #tpu.memory_space<vmem>>, vector<16xi32>,
      tpu.vector_store_idx %arg5[%get3A_19], %broadcast_in_dim3A_7 {add = true} : memref<10112xf32, #tpu.memory_space<vmem>>[vector<16xi32>], vector<16xf32>,
      %get3A_20 = arith.index_cast %add3A_17 : i32 to index
      %get3A_21 = arith.constant 16 : index
      %get3A_22 = tpu.vector_load %arg4[%get3A_20, %get3A_21] {strides = array<i32>} : memref<80x128xi32, #tpu.memory_space<vmem>>, vector<16xi32>,
      tpu.vector_store_idx %arg5[%get3A_22], %broadcast_in_dim3A_7 {add = true} : memref<10112xf32, #tpu.memory_space<vmem>>[vector<16xi32>], vector<16xf32>,
      %get3A_23 = arith.index_cast %add3A_17 : i32 to index
      %get3A_24 = arith.constant 32 : index
      %get3A_25 = tpu.vector_load %arg4[%get3A_23, %get3A_24] {strides = array<i32>} : memref<80x128xi32, #tpu.memory_space<vmem>>, vector<16xi32>,
      tpu.vector_store_idx %arg5[%get3A_25], %broadcast_in_dim3A_7 {add = true} : memref<10112xf32, #tpu.memory_space<vmem>>[vector<16xi32>], vector<16xf32>,
      %get3A_26 = arith.index_cast %add3A_17 : i32 to index
      %get3A_27 = arith.constant 48 : index
      %get3A_28 = tpu.vector_load %arg4[%get3A_26, %get3A_27] {strides = array<i32>} : memref<80x128xi32, #tpu.memory_space<vmem>>, vector<16xi32>,
      tpu.vector_store_idx %arg5[%get3A_28], %broadcast_in_dim3A_7 {add = true} : memref<10112xf32, #tpu.memory_space<vmem>>[vector<16xi32>], vector<16xf32>,
      %get3A_29 = arith.index_cast %add3A_17 : i32 to index
      %get3A_30 = arith.constant 64 : index
      %get3A_31 = tpu.vector_load %arg4[%get3A_29, %get3A_30] {strides = array<i32>} : memref<80x128xi32, #tpu.memory_space<vmem>>, vector<16xi32>,
      tpu.vector_store_idx %arg5[%get3A_31], %broadcast_in_dim3A_7 {add = true} : memref<10112xf32, #tpu.memory_space<vmem>>[vector<16xi32>], vector<16xf32>,
      %get3A_32 = arith.index_cast %add3A_17 : i32 to index
      %get3A_33 = arith.constant 80 : index
      %get3A_34 = tpu.vector_load %arg4[%get3A_32, %get3A_33] {strides = array<i32>} : memref<80x128xi32, #tpu.memory_space<vmem>>, vector<16xi32>,
      tpu.vector_store_idx %arg5[%get3A_34], %broadcast_in_dim3A_7 {add = true} : memref<10112xf32, #tpu.memory_space<vmem>>[vector<16xi32>], vector<16xf32>,
      %get3A_35 = arith.index_cast %add3A_17 : i32 to index
      %get3A_36 = arith.constant 96 : index
      %get3A_37 = tpu.vector_load %arg4[%get3A_35, %get3A_36] {strides = array<i32>} : memref<80x128xi32, #tpu.memory_space<vmem>>, vector<16xi32>,
      tpu.vector_store_idx %arg5[%get3A_37], %broadcast_in_dim3A_7 {add = true} : memref<10112xf32, #tpu.memory_space<vmem>>[vector<16xi32>], vector<16xf32>,
      %get3A_38 = arith.index_cast %add3A_17 : i32 to index
      %get3A_39 = arith.constant 112 : index
      %get3A_40 = tpu.vector_load %arg4[%get3A_38, %get3A_39] {strides = array<i32>} : memref<80x128xi32, #tpu.memory_space<vmem>>, vector<16xi32>,
      tpu.vector_store_idx %arg5[%get3A_40], %broadcast_in_dim3A_7 {add = true} : memref<10112xf32, #tpu.memory_space<vmem>>[vector<16xi32>], vector<16xf32>,
    }
    %scan3A_12 = arith.constant 80 : i32
    "tpu.region"() ({
      %run_scoped3A = tpu.sem_alloc : memref<!tpu.dma_semaphore, #tpu.memory_space<semaphore_mem>>
      %dma_start3A = arith.constant 0 : i32
      %dma_start3A_13 = tpu.memref_slice %arg3[%add3A, %dma_start3A] : memref<32x10112xf32, #tpu.memory_space<hbm>> -> memref<1x10112xf32, #tpu.memory_space<hbm>>
      %dma_start3A_14 = tpu.memref_squeeze %dma_start3A_13 : memref<1x10112xf32, #tpu.memory_space<hbm>> -> memref<10112xf32, #tpu.memory_space<hbm>>
      %dma_start3A_15 = arith.constant 0 : i32
      %dma_start3A_16 = tpu.memref_slice %arg3[%add3A, %dma_start3A_15] : memref<32x10112xf32, #tpu.memory_space<hbm>> -> memref<1x10112xf32, #tpu.memory_space<hbm>>
      %dma_start3A_17 = tpu.memref_squeeze %dma_start3A_16 : memref<1x10112xf32, #tpu.memory_space<hbm>> -> memref<10112xf32, #tpu.memory_space<hbm>>
      tpu.enqueue_dma source(%arg5 : memref<10112xf32, #tpu.memory_space<vmem>>) target(%dma_start3A_17 : memref<10112xf32, #tpu.memory_space<hbm>>) target_semaphore(%run_scoped3A : memref<!tpu.dma_semaphore, #tpu.memory_space<semaphore_mem>>)
      %dma_wait3A = arith.constant 0 : i32
      %dma_wait3A_18 = tpu.memref_slice %arg3[%add3A, %dma_wait3A] : memref<32x10112xf32, #tpu.memory_space<hbm>> -> memref<1x10112xf32, #tpu.memory_space<hbm>>
      %dma_wait3A_19 = tpu.memref_squeeze %dma_wait3A_18 : memref<1x10112xf32, #tpu.memory_space<hbm>> -> memref<10112xf32, #tpu.memory_space<hbm>>
      %dma_wait3A_20 = arith.constant 0 : i32
      %dma_wait3A_21 = tpu.memref_slice %arg3[%add3A, %dma_wait3A_20] : memref<32x10112xf32, #tpu.memory_space<hbm>> -> memref<1x10112xf32, #tpu.memory_space<hbm>>
      %dma_wait3A_22 = tpu.memref_squeeze %dma_wait3A_21 : memref<1x10112xf32, #tpu.memory_space<hbm>> -> memref<10112xf32, #tpu.memory_space<hbm>>
      tpu.wait_dma2 semaphore(%run_scoped3A : memref<!tpu.dma_semaphore, #tpu.memory_space<semaphore_mem>>) src(%arg5 : memref<10112xf32, #tpu.memory_space<vmem>>) dst(%dma_wait3A_22 : memref<10112xf32, #tpu.memory_space<hbm>>)
      tpu.yield
    }) : () -> ()
    return
  }
}

module attributes {stable_mosaic.version = 14 : i64} {
  func.func @body(%arg0: i32, %arg1: memref<1000x128xf32, #tpu.memory_space<vmem>>, %arg2: memref<128x64xf32, #tpu.memory_space<vmem>>, %arg3: memref<128x64xf32, #tpu.memory_space<vmem>>, %arg4: memref<1000x64xf32, #tpu.memory_space<vmem>>, %arg5: memref<1000x64xf32, #tpu.memory_space<vmem>>) attributes {dimension_semantics = [#tpu.dimension_semantics<arbitrary>], iteration_bounds = array<i64: 10>, scalar_prefetch = 0 : i64, scratch_operands = 0 : i64, tpu.core_type = #tpu.core_type<tc>, window_params = [{transform_indices = @transform_0, window_bounds = array<i64: 1000, 128>}, {pipeline_mode = #tpu.pipeline_mode<synchronous>, transform_indices = @transform_1, window_bounds = array<i64: 128, 64>}, {pipeline_mode = #tpu.pipeline_mode<synchronous>, transform_indices = @transform_2, window_bounds = array<i64: 128, 64>}, {transform_indices = @transform_3, window_bounds = array<i64: 1000, 64>}, {transform_indices = @transform_4, window_bounds = array<i64: 1000, 64>}]} {
    %get3A = arith.constant 0 : index
    %get3A_0 = arith.constant 0 : index
    %get3A_1 = vector.load %arg1[%get3A, %get3A_0] : memref<1000x128xf32, #tpu.memory_space<vmem>>, vector<1000x128xf32>
    %get3A_2 = arith.constant 0 : index
    %get3A_3 = arith.constant 0 : index
    %get3A_4 = vector.load %arg2[%get3A_2, %get3A_3] : memref<128x64xf32, #tpu.memory_space<vmem>>, vector<128x64xf32>
    %dot_general3A = arith.constant dense<0.000000e+00> : vector<1000x64xf32>
    %dot_general3A_5 = tpu.matmul %get3A_1, %get3A_4, %dot_general3A {dimension_numbers = #tpu.dot_dimension_numbers<[1], [0], [0], [1], [0, 0, 1, 1], [], []>, precision = #tpu.contract_precision<fp32>, transpose_lhs_hint = false} : vector<1000x128xf32>, vector<128x64xf32>, vector<1000x64xf32> -> vector<1000x64xf32>
    %swap3A = arith.constant 0 : index
    %swap3A_6 = arith.constant 0 : index
    %swap3A_7 = vector.load %arg4[%swap3A, %swap3A_6] : memref<1000x64xf32, #tpu.memory_space<vmem>>, vector<1000x64xf32>
    tpu.vector_store %arg4[%swap3A, %swap3A_6], %dot_general3A_5 {strides = array<i32>} : memref<1000x64xf32, #tpu.memory_space<vmem>>, vector<1000x64xf32>,
    %get3A_8 = arith.constant 0 : index
    %get3A_9 = arith.constant 0 : index
    %get3A_10 = vector.load %arg3[%get3A_8, %get3A_9] : memref<128x64xf32, #tpu.memory_space<vmem>>, vector<128x64xf32>
    %dot_general3A_11 = arith.constant dense<0.000000e+00> : vector<1000x64xf32>
    %dot_general3A_12 = tpu.matmul %get3A_1, %get3A_10, %dot_general3A_11 {dimension_numbers = #tpu.dot_dimension_numbers<[1], [0], [0], [1], [0, 0, 1, 1], [], []>, precision = #tpu.contract_precision<fp32>, transpose_lhs_hint = false} : vector<1000x128xf32>, vector<128x64xf32>, vector<1000x64xf32> -> vector<1000x64xf32>
    %swap3A_13 = arith.constant 0 : index
    %swap3A_14 = arith.constant 0 : index
    %swap3A_15 = vector.load %arg5[%swap3A_13, %swap3A_14] : memref<1000x64xf32, #tpu.memory_space<vmem>>, vector<1000x64xf32>
    tpu.vector_store %arg5[%swap3A_13, %swap3A_14], %dot_general3A_12 {strides = array<i32>} : memref<1000x64xf32, #tpu.memory_space<vmem>>, vector<1000x64xf32>,
    return
  }
  func.func @transform_0(%arg0: i32) -> (i32, i32) {
    %c0_i32 = arith.constant 0 : i32
    %c0_i32_0 = arith.constant 0 : i32
    return %arg0, %c0_i32 : i32, i32
  }
  func.func @transform_1(%arg0: i32) -> (i32, i32) {
    %c0_i32 = arith.constant 0 : i32
    %c0_i32_0 = arith.constant 0 : i32
    %c0_i32_1 = arith.constant 0 : i32
    return %c0_i32, %c0_i32_0 : i32, i32
  }
  func.func @transform_2(%arg0: i32) -> (i32, i32) {
    %c0_i32 = arith.constant 0 : i32
    %c0_i32_0 = arith.constant 0 : i32
    %c0_i32_1 = arith.constant 0 : i32
    return %c0_i32, %c0_i32_0 : i32, i32
  }
  func.func @transform_3(%arg0: i32) -> (i32, i32) {
    %c0_i32 = arith.constant 0 : i32
    %c0_i32_0 = arith.constant 0 : i32
    return %arg0, %c0_i32 : i32, i32
  }
  func.func @transform_4(%arg0: i32) -> (i32, i32) {
    %c0_i32 = arith.constant 0 : i32
    %c0_i32_0 = arith.constant 0 : i32
    return %arg0, %c0_i32 : i32, i32
  }
}

module attributes {stable_mosaic.version = 14 : i64} {
  func.func @body(%arg0: i32, %arg1: memref<1x1000x64xf32, #tpu.memory_space<vmem>>, %arg2: memref<1x1000x64xf32, #tpu.memory_space<vmem>>, %arg3: memref<1000x32xf32, #tpu.memory_space<vmem>>, %arg4: memref<1000x64xf32, #tpu.memory_space<vmem>>, %arg5: memref<1x64xf32, #tpu.memory_space<vmem>>, %arg6: memref<1x64xf32, #tpu.memory_space<vmem>>, %arg7: memref<1x64xf32, #tpu.memory_space<vmem>>, %arg8: memref<64x64xf32, #tpu.memory_space<vmem>>, %arg9: memref<64x64xf32, #tpu.memory_space<vmem>>, %arg10: memref<1000x64xf32, #tpu.memory_space<vmem>>, %arg11: memref<1000x64xf32, #tpu.memory_space<vmem>>, %arg12: memref<1000x64xf32, #tpu.memory_space<vmem>>) attributes {dimension_semantics = [#tpu.dimension_semantics<arbitrary>], iteration_bounds = array<i64: 10>, scalar_prefetch = 0 : i64, scratch_operands = 0 : i64, tpu.core_type = #tpu.core_type<tc>, window_params = [{transform_indices = @transform_0, window_bounds = array<i64: 1, 1000, 64>}, {transform_indices = @transform_1, window_bounds = array<i64: 1, 1000, 64>}, {transform_indices = @transform_2, window_bounds = array<i64: 1000, 32>}, {transform_indices = @transform_3, window_bounds = array<i64: 1000, 64>}, {pipeline_mode = #tpu.pipeline_mode<synchronous>, transform_indices = @transform_4, window_bounds = array<i64: 1, 64>}, {pipeline_mode = #tpu.pipeline_mode<synchronous>, transform_indices = @transform_5, window_bounds = array<i64: 1, 64>}, {pipeline_mode = #tpu.pipeline_mode<synchronous>, transform_indices = @transform_6, window_bounds = array<i64: 1, 64>}, {pipeline_mode = #tpu.pipeline_mode<synchronous>, transform_indices = @transform_7, window_bounds = array<i64: 64, 64>}, {pipeline_mode = #tpu.pipeline_mode<synchronous>, transform_indices = @transform_8, window_bounds = array<i64: 64, 64>}, {transform_indices = @transform_9, window_bounds = array<i64: 1000, 64>}, {transform_indices = @transform_10, window_bounds = array<i64: 1000, 64>}, {transform_indices = @transform_11, window_bounds = array<i64: 1000, 64>}]} {
    %get3A = arith.constant 0 : index
    %get3A_0 = arith.constant 0 : index
    %get3A_1 = vector.load %arg3[%get3A, %get3A_0] : memref<1000x32xf32, #tpu.memory_space<vmem>>, vector<1000x32xf32>
    %reduce_sum3A = arith.constant dense<0.000000e+00> : vector<1000xf32>
    %reduce_sum3A_2 = vector.multi_reduction <add>, %get3A_1, %reduce_sum3A [1] : vector<1000x32xf32> to vector<1000xf32>
    %broadcast_in_dim3A = vector.shape_cast %reduce_sum3A_2 : vector<1000xf32> to vector<1000x1xf32>
    %max3A = arith.constant 1.000000e+00 : f32
    %max3A_3 = vector.broadcast %max3A : f32 to vector<1000x1xf32>
    %max3A_4 = arith.maximumf %broadcast_in_dim3A, %max3A_3 : vector<1000x1xf32>
    %get3A_5 = arith.constant 0 : index
    %get3A_6 = arith.constant 0 : index
    %get3A_7 = arith.constant 0 : index
    %get3A_8 = vector.load %arg1[%get3A_5, %get3A_6, %get3A_7] : memref<1x1000x64xf32, #tpu.memory_space<vmem>>, vector<1x1000x64xf32>
    %get3A_9 = vector.shape_cast %get3A_8 : vector<1x1000x64xf32> to vector<1000x64xf32>
    %get3A_10 = arith.constant 0 : index
    %get3A_11 = arith.constant 0 : index
    %get3A_12 = arith.constant 0 : index
    %get3A_13 = vector.load %arg2[%get3A_10, %get3A_11, %get3A_12] : memref<1x1000x64xf32, #tpu.memory_space<vmem>>, vector<1x1000x64xf32>
    %get3A_14 = vector.shape_cast %get3A_13 : vector<1x1000x64xf32> to vector<1000x64xf32>
    %add3A = arith.addf %get3A_9, %get3A_14 : vector<1000x64xf32>
    %div3A = vector.broadcast %max3A_4 : vector<1000x1xf32> to vector<1000x64xf32>
    %div3A_15 = arith.divf %add3A, %div3A : vector<1000x64xf32>
    %get3A_16 = arith.constant 0 : index
    %get3A_17 = arith.constant 0 : index
    %get3A_18 = vector.load %arg4[%get3A_16, %get3A_17] : memref<1000x64xf32, #tpu.memory_space<vmem>>, vector<1000x64xf32>
    %add3A_19 = arith.addf %div3A_15, %get3A_18 : vector<1000x64xf32>
    %get3A_20 = arith.constant 0 : index
    %get3A_21 = arith.constant 0 : index
    %get3A_22 = vector.load %arg5[%get3A_20, %get3A_21] : memref<1x64xf32, #tpu.memory_space<vmem>>, vector<1x64xf32>
    %add3A_23 = vector.broadcast %get3A_22 : vector<1x64xf32> to vector<1000x64xf32>
    %add3A_24 = arith.addf %add3A_19, %add3A_23 : vector<1000x64xf32>
    %get3A_25 = arith.constant 0 : index
    %get3A_26 = arith.constant 0 : index
    %get3A_27 = vector.load %arg6[%get3A_25, %get3A_26] : memref<1x64xf32, #tpu.memory_space<vmem>>, vector<1x64xf32>
    %mul3A = vector.broadcast %get3A_27 : vector<1x64xf32> to vector<1000x64xf32>
    %mul3A_28 = arith.mulf %add3A_24, %mul3A : vector<1000x64xf32>
    %get3A_29 = arith.constant 0 : index
    %get3A_30 = arith.constant 0 : index
    %get3A_31 = vector.load %arg7[%get3A_29, %get3A_30] : memref<1x64xf32, #tpu.memory_space<vmem>>, vector<1x64xf32>
    %add3A_32 = vector.broadcast %get3A_31 : vector<1x64xf32> to vector<1000x64xf32>
    %add3A_33 = arith.addf %mul3A_28, %add3A_32 : vector<1000x64xf32>
    %max3A_34 = arith.constant 0.000000e+00 : f32
    %max3A_35 = vector.broadcast %max3A_34 : f32 to vector<1000x64xf32>
    %max3A_36 = arith.maximumf %add3A_33, %max3A_35 : vector<1000x64xf32>
    %swap3A = arith.constant 0 : index
    %swap3A_37 = arith.constant 0 : index
    %swap3A_38 = vector.load %arg10[%swap3A, %swap3A_37] : memref<1000x64xf32, #tpu.memory_space<vmem>>, vector<1000x64xf32>
    tpu.vector_store %arg10[%swap3A, %swap3A_37], %max3A_36 {strides = array<i32>} : memref<1000x64xf32, #tpu.memory_space<vmem>>, vector<1000x64xf32>,
    %get3A_39 = arith.constant 0 : index
    %get3A_40 = arith.constant 0 : index
    %get3A_41 = vector.load %arg8[%get3A_39, %get3A_40] : memref<64x64xf32, #tpu.memory_space<vmem>>, vector<64x64xf32>
    %dot_general3A = arith.constant dense<0.000000e+00> : vector<1000x64xf32>
    %dot_general3A_42 = tpu.matmul %max3A_36, %get3A_41, %dot_general3A {dimension_numbers = #tpu.dot_dimension_numbers<[1], [0], [0], [1], [0, 0, 1, 1], [], []>, precision = #tpu.contract_precision<fp32>, transpose_lhs_hint = false} : vector<1000x64xf32>, vector<64x64xf32>, vector<1000x64xf32> -> vector<1000x64xf32>
    %swap3A_43 = arith.constant 0 : index
    %swap3A_44 = arith.constant 0 : index
    %swap3A_45 = vector.load %arg11[%swap3A_43, %swap3A_44] : memref<1000x64xf32, #tpu.memory_space<vmem>>, vector<1000x64xf32>
    tpu.vector_store %arg11[%swap3A_43, %swap3A_44], %dot_general3A_42 {strides = array<i32>} : memref<1000x64xf32, #tpu.memory_space<vmem>>, vector<1000x64xf32>,
    %get3A_46 = arith.constant 0 : index
    %get3A_47 = arith.constant 0 : index
    %get3A_48 = vector.load %arg9[%get3A_46, %get3A_47] : memref<64x64xf32, #tpu.memory_space<vmem>>, vector<64x64xf32>
    %dot_general3A_49 = arith.constant dense<0.000000e+00> : vector<1000x64xf32>
    %dot_general3A_50 = tpu.matmul %max3A_36, %get3A_48, %dot_general3A_49 {dimension_numbers = #tpu.dot_dimension_numbers<[1], [0], [0], [1], [0, 0, 1, 1], [], []>, precision = #tpu.contract_precision<fp32>, transpose_lhs_hint = false} : vector<1000x64xf32>, vector<64x64xf32>, vector<1000x64xf32> -> vector<1000x64xf32>
    %swap3A_51 = arith.constant 0 : index
    %swap3A_52 = arith.constant 0 : index
    %swap3A_53 = vector.load %arg12[%swap3A_51, %swap3A_52] : memref<1000x64xf32, #tpu.memory_space<vmem>>, vector<1000x64xf32>
    tpu.vector_store %arg12[%swap3A_51, %swap3A_52], %dot_general3A_50 {strides = array<i32>} : memref<1000x64xf32, #tpu.memory_space<vmem>>, vector<1000x64xf32>,
    return
  }
  func.func @transform_0(%arg0: i32) -> (i32, i32, i32) {
    %c0_i32 = arith.constant 0 : i32
    %c0_i32_0 = arith.constant 0 : i32
    %c0_i32_1 = arith.constant 0 : i32
    return %c0_i32, %arg0, %c0_i32_0 : i32, i32, i32
  }
  func.func @transform_1(%arg0: i32) -> (i32, i32, i32) {
    %c1_i32 = arith.constant 1 : i32
    %c0_i32 = arith.constant 0 : i32
    %c0_i32_0 = arith.constant 0 : i32
    return %c1_i32, %arg0, %c0_i32 : i32, i32, i32
  }
  func.func @transform_2(%arg0: i32) -> (i32, i32) {
    %c0_i32 = arith.constant 0 : i32
    %c0_i32_0 = arith.constant 0 : i32
    return %arg0, %c0_i32 : i32, i32
  }
  func.func @transform_3(%arg0: i32) -> (i32, i32) {
    %c0_i32 = arith.constant 0 : i32
    %c0_i32_0 = arith.constant 0 : i32
    return %arg0, %c0_i32 : i32, i32
  }
  func.func @transform_4(%arg0: i32) -> (i32, i32) {
    %c0_i32 = arith.constant 0 : i32
    %c0_i32_0 = arith.constant 0 : i32
    %c0_i32_1 = arith.constant 0 : i32
    return %c0_i32, %c0_i32_0 : i32, i32
  }
  func.func @transform_5(%arg0: i32) -> (i32, i32) {
    %c0_i32 = arith.constant 0 : i32
    %c0_i32_0 = arith.constant 0 : i32
    %c0_i32_1 = arith.constant 0 : i32
    return %c0_i32, %c0_i32_0 : i32, i32
  }
  func.func @transform_6(%arg0: i32) -> (i32, i32) {
    %c0_i32 = arith.constant 0 : i32
    %c0_i32_0 = arith.constant 0 : i32
    %c0_i32_1 = arith.constant 0 : i32
    return %c0_i32, %c0_i32_0 : i32, i32
  }
  func.func @transform_7(%arg0: i32) -> (i32, i32) {
    %c0_i32 = arith.constant 0 : i32
    %c0_i32_0 = arith.constant 0 : i32
    %c0_i32_1 = arith.constant 0 : i32
    return %c0_i32, %c0_i32_0 : i32, i32
  }
  func.func @transform_8(%arg0: i32) -> (i32, i32) {
    %c0_i32 = arith.constant 0 : i32
    %c0_i32_0 = arith.constant 0 : i32
    %c0_i32_1 = arith.constant 0 : i32
    return %c0_i32, %c0_i32_0 : i32, i32
  }
  func.func @transform_9(%arg0: i32) -> (i32, i32) {
    %c0_i32 = arith.constant 0 : i32
    %c0_i32_0 = arith.constant 0 : i32
    return %arg0, %c0_i32 : i32, i32
  }
  func.func @transform_10(%arg0: i32) -> (i32, i32) {
    %c0_i32 = arith.constant 0 : i32
    %c0_i32_0 = arith.constant 0 : i32
    return %arg0, %c0_i32 : i32, i32
  }
  func.func @transform_11(%arg0: i32) -> (i32, i32) {
    %c0_i32 = arith.constant 0 : i32
    %c0_i32_0 = arith.constant 0 : i32
    return %arg0, %c0_i32 : i32, i32
  }
}

module attributes {stable_mosaic.version = 14 : i64} {
  func.func @body(%arg0: i32, %arg1: memref<1x1000x64xf32, #tpu.memory_space<vmem>>, %arg2: memref<1x1000x64xf32, #tpu.memory_space<vmem>>, %arg3: memref<1000x32xf32, #tpu.memory_space<vmem>>, %arg4: memref<1000x64xf32, #tpu.memory_space<vmem>>, %arg5: memref<1000x64xf32, #tpu.memory_space<vmem>>, %arg6: memref<1x64xf32, #tpu.memory_space<vmem>>, %arg7: memref<1x64xf32, #tpu.memory_space<vmem>>, %arg8: memref<1x64xf32, #tpu.memory_space<vmem>>, %arg9: memref<64x64xf32, #tpu.memory_space<vmem>>, %arg10: memref<64x64xf32, #tpu.memory_space<vmem>>, %arg11: memref<1000x64xf32, #tpu.memory_space<vmem>>, %arg12: memref<1000x64xf32, #tpu.memory_space<vmem>>, %arg13: memref<1000x64xf32, #tpu.memory_space<vmem>>) attributes {dimension_semantics = [#tpu.dimension_semantics<arbitrary>], iteration_bounds = array<i64: 10>, scalar_prefetch = 0 : i64, scratch_operands = 0 : i64, tpu.core_type = #tpu.core_type<tc>, window_params = [{transform_indices = @transform_0, window_bounds = array<i64: 1, 1000, 64>}, {transform_indices = @transform_1, window_bounds = array<i64: 1, 1000, 64>}, {transform_indices = @transform_2, window_bounds = array<i64: 1000, 32>}, {transform_indices = @transform_3, window_bounds = array<i64: 1000, 64>}, {transform_indices = @transform_4, window_bounds = array<i64: 1000, 64>}, {pipeline_mode = #tpu.pipeline_mode<synchronous>, transform_indices = @transform_5, window_bounds = array<i64: 1, 64>}, {pipeline_mode = #tpu.pipeline_mode<synchronous>, transform_indices = @transform_6, window_bounds = array<i64: 1, 64>}, {pipeline_mode = #tpu.pipeline_mode<synchronous>, transform_indices = @transform_7, window_bounds = array<i64: 1, 64>}, {pipeline_mode = #tpu.pipeline_mode<synchronous>, transform_indices = @transform_8, window_bounds = array<i64: 64, 64>}, {pipeline_mode = #tpu.pipeline_mode<synchronous>, transform_indices = @transform_9, window_bounds = array<i64: 64, 64>}, {transform_indices = @transform_10, window_bounds = array<i64: 1000, 64>}, {transform_indices = @transform_11, window_bounds = array<i64: 1000, 64>}, {transform_indices = @transform_12, window_bounds = array<i64: 1000, 64>}]} {
    %get3A = arith.constant 0 : index
    %get3A_0 = arith.constant 0 : index
    %get3A_1 = vector.load %arg3[%get3A, %get3A_0] : memref<1000x32xf32, #tpu.memory_space<vmem>>, vector<1000x32xf32>
    %reduce_sum3A = arith.constant dense<0.000000e+00> : vector<1000xf32>
    %reduce_sum3A_2 = vector.multi_reduction <add>, %get3A_1, %reduce_sum3A [1] : vector<1000x32xf32> to vector<1000xf32>
    %broadcast_in_dim3A = vector.shape_cast %reduce_sum3A_2 : vector<1000xf32> to vector<1000x1xf32>
    %max3A = arith.constant 1.000000e+00 : f32
    %max3A_3 = vector.broadcast %max3A : f32 to vector<1000x1xf32>
    %max3A_4 = arith.maximumf %broadcast_in_dim3A, %max3A_3 : vector<1000x1xf32>
    %get3A_5 = arith.constant 0 : index
    %get3A_6 = arith.constant 0 : index
    %get3A_7 = arith.constant 0 : index
    %get3A_8 = vector.load %arg1[%get3A_5, %get3A_6, %get3A_7] : memref<1x1000x64xf32, #tpu.memory_space<vmem>>, vector<1x1000x64xf32>
    %get3A_9 = vector.shape_cast %get3A_8 : vector<1x1000x64xf32> to vector<1000x64xf32>
    %get3A_10 = arith.constant 0 : index
    %get3A_11 = arith.constant 0 : index
    %get3A_12 = arith.constant 0 : index
    %get3A_13 = vector.load %arg2[%get3A_10, %get3A_11, %get3A_12] : memref<1x1000x64xf32, #tpu.memory_space<vmem>>, vector<1x1000x64xf32>
    %get3A_14 = vector.shape_cast %get3A_13 : vector<1x1000x64xf32> to vector<1000x64xf32>
    %add3A = arith.addf %get3A_9, %get3A_14 : vector<1000x64xf32>
    %div3A = vector.broadcast %max3A_4 : vector<1000x1xf32> to vector<1000x64xf32>
    %div3A_15 = arith.divf %add3A, %div3A : vector<1000x64xf32>
    %get3A_16 = arith.constant 0 : index
    %get3A_17 = arith.constant 0 : index
    %get3A_18 = vector.load %arg4[%get3A_16, %get3A_17] : memref<1000x64xf32, #tpu.memory_space<vmem>>, vector<1000x64xf32>
    %add3A_19 = arith.addf %div3A_15, %get3A_18 : vector<1000x64xf32>
    %get3A_20 = arith.constant 0 : index
    %get3A_21 = arith.constant 0 : index
    %get3A_22 = vector.load %arg6[%get3A_20, %get3A_21] : memref<1x64xf32, #tpu.memory_space<vmem>>, vector<1x64xf32>
    %add3A_23 = vector.broadcast %get3A_22 : vector<1x64xf32> to vector<1000x64xf32>
    %add3A_24 = arith.addf %add3A_19, %add3A_23 : vector<1000x64xf32>
    %get3A_25 = arith.constant 0 : index
    %get3A_26 = arith.constant 0 : index
    %get3A_27 = vector.load %arg7[%get3A_25, %get3A_26] : memref<1x64xf32, #tpu.memory_space<vmem>>, vector<1x64xf32>
    %mul3A = vector.broadcast %get3A_27 : vector<1x64xf32> to vector<1000x64xf32>
    %mul3A_28 = arith.mulf %add3A_24, %mul3A : vector<1000x64xf32>
    %get3A_29 = arith.constant 0 : index
    %get3A_30 = arith.constant 0 : index
    %get3A_31 = vector.load %arg8[%get3A_29, %get3A_30] : memref<1x64xf32, #tpu.memory_space<vmem>>, vector<1x64xf32>
    %add3A_32 = vector.broadcast %get3A_31 : vector<1x64xf32> to vector<1000x64xf32>
    %add3A_33 = arith.addf %mul3A_28, %add3A_32 : vector<1000x64xf32>
    %max3A_34 = arith.constant 0.000000e+00 : f32
    %max3A_35 = vector.broadcast %max3A_34 : f32 to vector<1000x64xf32>
    %max3A_36 = arith.maximumf %add3A_33, %max3A_35 : vector<1000x64xf32>
    %get3A_37 = arith.constant 0 : index
    %get3A_38 = arith.constant 0 : index
    %get3A_39 = vector.load %arg5[%get3A_37, %get3A_38] : memref<1000x64xf32, #tpu.memory_space<vmem>>, vector<1000x64xf32>
    %add3A_40 = arith.addf %max3A_36, %get3A_39 : vector<1000x64xf32>
    %swap3A = arith.constant 0 : index
    %swap3A_41 = arith.constant 0 : index
    %swap3A_42 = vector.load %arg11[%swap3A, %swap3A_41] : memref<1000x64xf32, #tpu.memory_space<vmem>>, vector<1000x64xf32>
    tpu.vector_store %arg11[%swap3A, %swap3A_41], %add3A_40 {strides = array<i32>} : memref<1000x64xf32, #tpu.memory_space<vmem>>, vector<1000x64xf32>,
    %get3A_43 = arith.constant 0 : index
    %get3A_44 = arith.constant 0 : index
    %get3A_45 = vector.load %arg9[%get3A_43, %get3A_44] : memref<64x64xf32, #tpu.memory_space<vmem>>, vector<64x64xf32>
    %dot_general3A = arith.constant dense<0.000000e+00> : vector<1000x64xf32>
    %dot_general3A_46 = tpu.matmul %add3A_40, %get3A_45, %dot_general3A {dimension_numbers = #tpu.dot_dimension_numbers<[1], [0], [0], [1], [0, 0, 1, 1], [], []>, precision = #tpu.contract_precision<fp32>, transpose_lhs_hint = false} : vector<1000x64xf32>, vector<64x64xf32>, vector<1000x64xf32> -> vector<1000x64xf32>
    %swap3A_47 = arith.constant 0 : index
    %swap3A_48 = arith.constant 0 : index
    %swap3A_49 = vector.load %arg12[%swap3A_47, %swap3A_48] : memref<1000x64xf32, #tpu.memory_space<vmem>>, vector<1000x64xf32>
    tpu.vector_store %arg12[%swap3A_47, %swap3A_48], %dot_general3A_46 {strides = array<i32>} : memref<1000x64xf32, #tpu.memory_space<vmem>>, vector<1000x64xf32>,
    %get3A_50 = arith.constant 0 : index
    %get3A_51 = arith.constant 0 : index
    %get3A_52 = vector.load %arg10[%get3A_50, %get3A_51] : memref<64x64xf32, #tpu.memory_space<vmem>>, vector<64x64xf32>
    %dot_general3A_53 = arith.constant dense<0.000000e+00> : vector<1000x64xf32>
    %dot_general3A_54 = tpu.matmul %add3A_40, %get3A_52, %dot_general3A_53 {dimension_numbers = #tpu.dot_dimension_numbers<[1], [0], [0], [1], [0, 0, 1, 1], [], []>, precision = #tpu.contract_precision<fp32>, transpose_lhs_hint = false} : vector<1000x64xf32>, vector<64x64xf32>, vector<1000x64xf32> -> vector<1000x64xf32>
    %swap3A_55 = arith.constant 0 : index
    %swap3A_56 = arith.constant 0 : index
    %swap3A_57 = vector.load %arg13[%swap3A_55, %swap3A_56] : memref<1000x64xf32, #tpu.memory_space<vmem>>, vector<1000x64xf32>
    tpu.vector_store %arg13[%swap3A_55, %swap3A_56], %dot_general3A_54 {strides = array<i32>} : memref<1000x64xf32, #tpu.memory_space<vmem>>, vector<1000x64xf32>,
    return
  }
  func.func @transform_0(%arg0: i32) -> (i32, i32, i32) {
    %c0_i32 = arith.constant 0 : i32
    %c0_i32_0 = arith.constant 0 : i32
    %c0_i32_1 = arith.constant 0 : i32
    return %c0_i32, %arg0, %c0_i32_0 : i32, i32, i32
  }
  func.func @transform_1(%arg0: i32) -> (i32, i32, i32) {
    %c1_i32 = arith.constant 1 : i32
    %c0_i32 = arith.constant 0 : i32
    %c0_i32_0 = arith.constant 0 : i32
    return %c1_i32, %arg0, %c0_i32 : i32, i32, i32
  }
  func.func @transform_2(%arg0: i32) -> (i32, i32) {
    %c0_i32 = arith.constant 0 : i32
    %c0_i32_0 = arith.constant 0 : i32
    return %arg0, %c0_i32 : i32, i32
  }
  func.func @transform_3(%arg0: i32) -> (i32, i32) {
    %c0_i32 = arith.constant 0 : i32
    %c0_i32_0 = arith.constant 0 : i32
    return %arg0, %c0_i32 : i32, i32
  }
  func.func @transform_4(%arg0: i32) -> (i32, i32) {
    %c0_i32 = arith.constant 0 : i32
    %c0_i32_0 = arith.constant 0 : i32
    return %arg0, %c0_i32 : i32, i32
  }
  func.func @transform_5(%arg0: i32) -> (i32, i32) {
    %c0_i32 = arith.constant 0 : i32
    %c0_i32_0 = arith.constant 0 : i32
    %c0_i32_1 = arith.constant 0 : i32
    return %c0_i32, %c0_i32_0 : i32, i32
  }
  func.func @transform_6(%arg0: i32) -> (i32, i32) {
    %c0_i32 = arith.constant 0 : i32
    %c0_i32_0 = arith.constant 0 : i32
    %c0_i32_1 = arith.constant 0 : i32
    return %c0_i32, %c0_i32_0 : i32, i32
  }
  func.func @transform_7(%arg0: i32) -> (i32, i32) {
    %c0_i32 = arith.constant 0 : i32
    %c0_i32_0 = arith.constant 0 : i32
    %c0_i32_1 = arith.constant 0 : i32
    return %c0_i32, %c0_i32_0 : i32, i32
  }
  func.func @transform_8(%arg0: i32) -> (i32, i32) {
    %c0_i32 = arith.constant 0 : i32
    %c0_i32_0 = arith.constant 0 : i32
    %c0_i32_1 = arith.constant 0 : i32
    return %c0_i32, %c0_i32_0 : i32, i32
  }
  func.func @transform_9(%arg0: i32) -> (i32, i32) {
    %c0_i32 = arith.constant 0 : i32
    %c0_i32_0 = arith.constant 0 : i32
    %c0_i32_1 = arith.constant 0 : i32
    return %c0_i32, %c0_i32_0 : i32, i32
  }
  func.func @transform_10(%arg0: i32) -> (i32, i32) {
    %c0_i32 = arith.constant 0 : i32
    %c0_i32_0 = arith.constant 0 : i32
    return %arg0, %c0_i32 : i32, i32
  }
  func.func @transform_11(%arg0: i32) -> (i32, i32) {
    %c0_i32 = arith.constant 0 : i32
    %c0_i32_0 = arith.constant 0 : i32
    return %arg0, %c0_i32 : i32, i32
  }
  func.func @transform_12(%arg0: i32) -> (i32, i32) {
    %c0_i32 = arith.constant 0 : i32
    %c0_i32_0 = arith.constant 0 : i32
    return %arg0, %c0_i32 : i32, i32
  }
}

module attributes {stable_mosaic.version = 14 : i64} {
  func.func @body(%arg0: i32, %arg1: memref<1x1000x64xf32, #tpu.memory_space<vmem>>, %arg2: memref<1x1000x64xf32, #tpu.memory_space<vmem>>, %arg3: memref<1000x32xf32, #tpu.memory_space<vmem>>, %arg4: memref<1000x64xf32, #tpu.memory_space<vmem>>, %arg5: memref<1000x64xf32, #tpu.memory_space<vmem>>, %arg6: memref<1x64xf32, #tpu.memory_space<vmem>>, %arg7: memref<1x64xf32, #tpu.memory_space<vmem>>, %arg8: memref<1x64xf32, #tpu.memory_space<vmem>>, %arg9: memref<64x2xf32, #tpu.memory_space<vmem>>, %arg10: memref<1x2xf32, #tpu.memory_space<vmem>>, %arg11: memref<1000x2xf32, #tpu.memory_space<vmem>>) attributes {dimension_semantics = [#tpu.dimension_semantics<arbitrary>], iteration_bounds = array<i64: 10>, scalar_prefetch = 0 : i64, scratch_operands = 0 : i64, tpu.core_type = #tpu.core_type<tc>, window_params = [{transform_indices = @transform_0, window_bounds = array<i64: 1, 1000, 64>}, {transform_indices = @transform_1, window_bounds = array<i64: 1, 1000, 64>}, {transform_indices = @transform_2, window_bounds = array<i64: 1000, 32>}, {transform_indices = @transform_3, window_bounds = array<i64: 1000, 64>}, {transform_indices = @transform_4, window_bounds = array<i64: 1000, 64>}, {pipeline_mode = #tpu.pipeline_mode<synchronous>, transform_indices = @transform_5, window_bounds = array<i64: 1, 64>}, {pipeline_mode = #tpu.pipeline_mode<synchronous>, transform_indices = @transform_6, window_bounds = array<i64: 1, 64>}, {pipeline_mode = #tpu.pipeline_mode<synchronous>, transform_indices = @transform_7, window_bounds = array<i64: 1, 64>}, {pipeline_mode = #tpu.pipeline_mode<synchronous>, transform_indices = @transform_8, window_bounds = array<i64: 64, 2>}, {pipeline_mode = #tpu.pipeline_mode<synchronous>, transform_indices = @transform_9, window_bounds = array<i64: 1, 2>}, {transform_indices = @transform_10, window_bounds = array<i64: 1000, 2>}]} {
    %get3A = arith.constant 0 : index
    %get3A_0 = arith.constant 0 : index
    %get3A_1 = vector.load %arg3[%get3A, %get3A_0] : memref<1000x32xf32, #tpu.memory_space<vmem>>, vector<1000x32xf32>
    %reduce_sum3A = arith.constant dense<0.000000e+00> : vector<1000xf32>
    %reduce_sum3A_2 = vector.multi_reduction <add>, %get3A_1, %reduce_sum3A [1] : vector<1000x32xf32> to vector<1000xf32>
    %broadcast_in_dim3A = vector.shape_cast %reduce_sum3A_2 : vector<1000xf32> to vector<1000x1xf32>
    %max3A = arith.constant 1.000000e+00 : f32
    %max3A_3 = vector.broadcast %max3A : f32 to vector<1000x1xf32>
    %max3A_4 = arith.maximumf %broadcast_in_dim3A, %max3A_3 : vector<1000x1xf32>
    %get3A_5 = arith.constant 0 : index
    %get3A_6 = arith.constant 0 : index
    %get3A_7 = arith.constant 0 : index
    %get3A_8 = vector.load %arg1[%get3A_5, %get3A_6, %get3A_7] : memref<1x1000x64xf32, #tpu.memory_space<vmem>>, vector<1x1000x64xf32>
    %get3A_9 = vector.shape_cast %get3A_8 : vector<1x1000x64xf32> to vector<1000x64xf32>
    %get3A_10 = arith.constant 0 : index
    %get3A_11 = arith.constant 0 : index
    %get3A_12 = arith.constant 0 : index
    %get3A_13 = vector.load %arg2[%get3A_10, %get3A_11, %get3A_12] : memref<1x1000x64xf32, #tpu.memory_space<vmem>>, vector<1x1000x64xf32>
    %get3A_14 = vector.shape_cast %get3A_13 : vector<1x1000x64xf32> to vector<1000x64xf32>
    %add3A = arith.addf %get3A_9, %get3A_14 : vector<1000x64xf32>
    %div3A = vector.broadcast %max3A_4 : vector<1000x1xf32> to vector<1000x64xf32>
    %div3A_15 = arith.divf %add3A, %div3A : vector<1000x64xf32>
    %get3A_16 = arith.constant 0 : index
    %get3A_17 = arith.constant 0 : index
    %get3A_18 = vector.load %arg4[%get3A_16, %get3A_17] : memref<1000x64xf32, #tpu.memory_space<vmem>>, vector<1000x64xf32>
    %add3A_19 = arith.addf %div3A_15, %get3A_18 : vector<1000x64xf32>
    %get3A_20 = arith.constant 0 : index
    %get3A_21 = arith.constant 0 : index
    %get3A_22 = vector.load %arg6[%get3A_20, %get3A_21] : memref<1x64xf32, #tpu.memory_space<vmem>>, vector<1x64xf32>
    %add3A_23 = vector.broadcast %get3A_22 : vector<1x64xf32> to vector<1000x64xf32>
    %add3A_24 = arith.addf %add3A_19, %add3A_23 : vector<1000x64xf32>
    %get3A_25 = arith.constant 0 : index
    %get3A_26 = arith.constant 0 : index
    %get3A_27 = vector.load %arg7[%get3A_25, %get3A_26] : memref<1x64xf32, #tpu.memory_space<vmem>>, vector<1x64xf32>
    %mul3A = vector.broadcast %get3A_27 : vector<1x64xf32> to vector<1000x64xf32>
    %mul3A_28 = arith.mulf %add3A_24, %mul3A : vector<1000x64xf32>
    %get3A_29 = arith.constant 0 : index
    %get3A_30 = arith.constant 0 : index
    %get3A_31 = vector.load %arg8[%get3A_29, %get3A_30] : memref<1x64xf32, #tpu.memory_space<vmem>>, vector<1x64xf32>
    %add3A_32 = vector.broadcast %get3A_31 : vector<1x64xf32> to vector<1000x64xf32>
    %add3A_33 = arith.addf %mul3A_28, %add3A_32 : vector<1000x64xf32>
    %max3A_34 = arith.constant 0.000000e+00 : f32
    %max3A_35 = vector.broadcast %max3A_34 : f32 to vector<1000x64xf32>
    %max3A_36 = arith.maximumf %add3A_33, %max3A_35 : vector<1000x64xf32>
    %get3A_37 = arith.constant 0 : index
    %get3A_38 = arith.constant 0 : index
    %get3A_39 = vector.load %arg5[%get3A_37, %get3A_38] : memref<1000x64xf32, #tpu.memory_space<vmem>>, vector<1000x64xf32>
    %add3A_40 = arith.addf %max3A_36, %get3A_39 : vector<1000x64xf32>
    %get3A_41 = arith.constant 0 : index
    %get3A_42 = arith.constant 0 : index
    %get3A_43 = vector.load %arg9[%get3A_41, %get3A_42] : memref<64x2xf32, #tpu.memory_space<vmem>>, vector<64x2xf32>
    %dot_general3A = arith.constant dense<0.000000e+00> : vector<1000x2xf32>
    %dot_general3A_44 = tpu.matmul %add3A_40, %get3A_43, %dot_general3A {dimension_numbers = #tpu.dot_dimension_numbers<[1], [0], [0], [1], [0, 0, 1, 1], [], []>, precision = #tpu.contract_precision<fp32>, transpose_lhs_hint = false} : vector<1000x64xf32>, vector<64x2xf32>, vector<1000x2xf32> -> vector<1000x2xf32>
    %get3A_45 = arith.constant 0 : index
    %get3A_46 = arith.constant 0 : index
    %get3A_47 = vector.load %arg10[%get3A_45, %get3A_46] : memref<1x2xf32, #tpu.memory_space<vmem>>, vector<1x2xf32>
    %add3A_48 = vector.broadcast %get3A_47 : vector<1x2xf32> to vector<1000x2xf32>
    %add3A_49 = arith.addf %dot_general3A_44, %add3A_48 : vector<1000x2xf32>
    %reduce_max3A = arith.constant dense<0xFF800000> : vector<1000xf32>
    %reduce_max3A_50 = vector.multi_reduction <maximumf>, %add3A_49, %reduce_max3A [1] : vector<1000x2xf32> to vector<1000xf32>
    %broadcast_in_dim3A_51 = vector.shape_cast %reduce_max3A_50 : vector<1000xf32> to vector<1000x1xf32>
    %sub3A = vector.broadcast %broadcast_in_dim3A_51 : vector<1000x1xf32> to vector<1000x2xf32>
    %sub3A_52 = arith.subf %add3A_49, %sub3A : vector<1000x2xf32>
    %exp3A = math.exp %sub3A_52 : vector<1000x2xf32>
    %reduce_sum3A_53 = arith.constant dense<0.000000e+00> : vector<1000xf32>
    %reduce_sum3A_54 = vector.multi_reduction <add>, %exp3A, %reduce_sum3A_53 [1] : vector<1000x2xf32> to vector<1000xf32>
    %broadcast_in_dim3A_55 = vector.shape_cast %reduce_sum3A_54 : vector<1000xf32> to vector<1000x1xf32>
    %log3A = math.log %broadcast_in_dim3A_55 : vector<1000x1xf32>
    %add3A_56 = arith.addf %broadcast_in_dim3A_51, %log3A : vector<1000x1xf32>
    %sub3A_57 = vector.broadcast %add3A_56 : vector<1000x1xf32> to vector<1000x2xf32>
    %sub3A_58 = arith.subf %add3A_49, %sub3A_57 : vector<1000x2xf32>
    %swap3A = arith.constant 0 : index
    %swap3A_59 = arith.constant 0 : index
    %swap3A_60 = vector.load %arg11[%swap3A, %swap3A_59] : memref<1000x2xf32, #tpu.memory_space<vmem>>, vector<1000x2xf32>
    tpu.vector_store %arg11[%swap3A, %swap3A_59], %sub3A_58 {strides = array<i32>} : memref<1000x2xf32, #tpu.memory_space<vmem>>, vector<1000x2xf32>,
    return
  }
  func.func @transform_0(%arg0: i32) -> (i32, i32, i32) {
    %c0_i32 = arith.constant 0 : i32
    %c0_i32_0 = arith.constant 0 : i32
    %c0_i32_1 = arith.constant 0 : i32
    return %c0_i32, %arg0, %c0_i32_0 : i32, i32, i32
  }
  func.func @transform_1(%arg0: i32) -> (i32, i32, i32) {
    %c1_i32 = arith.constant 1 : i32
    %c0_i32 = arith.constant 0 : i32
    %c0_i32_0 = arith.constant 0 : i32
    return %c1_i32, %arg0, %c0_i32 : i32, i32, i32
  }
  func.func @transform_2(%arg0: i32) -> (i32, i32) {
    %c0_i32 = arith.constant 0 : i32
    %c0_i32_0 = arith.constant 0 : i32
    return %arg0, %c0_i32 : i32, i32
  }
  func.func @transform_3(%arg0: i32) -> (i32, i32) {
    %c0_i32 = arith.constant 0 : i32
    %c0_i32_0 = arith.constant 0 : i32
    return %arg0, %c0_i32 : i32, i32
  }
  func.func @transform_4(%arg0: i32) -> (i32, i32) {
    %c0_i32 = arith.constant 0 : i32
    %c0_i32_0 = arith.constant 0 : i32
    return %arg0, %c0_i32 : i32, i32
  }
  func.func @transform_5(%arg0: i32) -> (i32, i32) {
    %c0_i32 = arith.constant 0 : i32
    %c0_i32_0 = arith.constant 0 : i32
    %c0_i32_1 = arith.constant 0 : i32
    return %c0_i32, %c0_i32_0 : i32, i32
  }
  func.func @transform_6(%arg0: i32) -> (i32, i32) {
    %c0_i32 = arith.constant 0 : i32
    %c0_i32_0 = arith.constant 0 : i32
    %c0_i32_1 = arith.constant 0 : i32
    return %c0_i32, %c0_i32_0 : i32, i32
  }
  func.func @transform_7(%arg0: i32) -> (i32, i32) {
    %c0_i32 = arith.constant 0 : i32
    %c0_i32_0 = arith.constant 0 : i32
    %c0_i32_1 = arith.constant 0 : i32
    return %c0_i32, %c0_i32_0 : i32, i32
  }
  func.func @transform_8(%arg0: i32) -> (i32, i32) {
    %c0_i32 = arith.constant 0 : i32
    %c0_i32_0 = arith.constant 0 : i32
    %c0_i32_1 = arith.constant 0 : i32
    return %c0_i32, %c0_i32_0 : i32, i32
  }
  func.func @transform_9(%arg0: i32) -> (i32, i32) {
    %c0_i32 = arith.constant 0 : i32
    %c0_i32_0 = arith.constant 0 : i32
    %c0_i32_1 = arith.constant 0 : i32
    return %c0_i32, %c0_i32_0 : i32, i32
  }
  func.func @transform_10(%arg0: i32) -> (i32, i32) {
    %c0_i32 = arith.constant 0 : i32
    %c0_i32_0 = arith.constant 0 : i32
    return %arg0, %c0_i32 : i32, i32
  }
}

</mosaic_0001>

<sc_bundles>
// kernel: kernel.10.cloned.1.call-start
scs
__scs_entry_jumppad:
0x0: {  	(pc) =	sbr.rel $0x88, $3  }
0x1: {  	(tag) =	ssettag $0x0;
	lr =	simm.s32 $0x1  }
0x2: {  	[smem:$0x3F8E] =	sst lr;
	_ =	strace $0xD0000000  }
0x3: {  	_ = 	snop  }
0x4: {  	_ = 	snop  }
0x5: {  	_ = 	snop  }
0x6: {  	_ = 	snop  }
0x7: {  	_ = 	snop  }
__scs_overlays_trampoline_lowered:
0x8: {  	[smem:$0x3F9D] =	sst s0  }
0x9: {  	[smem:$0x3F9E] =	sst s1  }
0xa: {  	[smem:$0x3F9F] =	sst s2  }
0xb: {  	[smem:$0x3FA0] =	sst s3  }
0xc: {  	[smem:$0x3FA1] =	sst s4  }
0xd: {  	[smem:$0x3FA2] =	sst s5  }
0xe: {  	[smem:$0x3FA3] =	sst s6  }
0xf: {  	[smem:$0x3FA4] =	sst s7  }
0x10: {  	[smem:$0x3FA5] =	sst s8  }
0x11: {  	[smem:$0x3FA6] =	sst s9;
	s0 =	simm.s32 @!p0 $0x0  }
0x12: {  	s1 =	sld [smem:$0x3F8C];
	s0 =	simm.s32 @p0 $0x1  }
0x13: {  	[smem:$0x3FA7] =	sst s0;
	s0 =	simm.s32 @!p1 $0x0  }
0x14: {  	s2 =	sld [smem:$0x3F8B];
	s0 =	simm.s32 @p1 $0x1  }
0x15: {  	[smem:$0x3FA8] =	sst s0;
	s0 =	simm.s32 @!p2 $0x0  }
0x16: {  	s3 =	sld [smem:$0x3FDB];
	s0 =	simm.s32 @p2 $0x1  }
0x17: {  	s4 =	simm.s32 $0x1BF5;
	[smem:$0x3FAA] =	sst s0  }
0x18: {  	s0 =	sld [smem:$0x3F8D];
	_ =	swait.ge [sflag:s4], $0x0  }
0x19: {  	s7 =	sld [smem:$0x3F8E]  }
0x1a: {  	s8 =	sadd.s32 $0xFFFFE003, lr  }
0x1b: {  	s9 =	sadd.s32 $0xFFFFFEF7, lr;
	s5 =	simm.s32 $0xFFFFFFFF;
	p2 =	slt.u32 s8, $0xFFFFF086  }
0x1c: {  	p1 =	slt.u32 s9, $0xF7A;
	s5 =	simm.s32 @!p2 $0x0  }
0x1d: {  	s5 =	simm.s32 @p1 $0x1;
	p0 =	seq.s32 s7, s2  }
0x1e: {  	s7 =	smul.u32 @!p0 $0xF7A, s2;
	p2 =	seq.s32 @!p0 s5, $0x0  }
0x1f: {  	s9 =	smul.u32 $0xF7A, s1;
	s8 =	simm.s32 @!p0 $0x1BF5;
	p2 =	por !p2, p0  }
0x20: {  	[sflag:s8] =	ssyncset.s32 @!p0 $0xFFFFF086;
	s6 =	sadd.s32 @!p0 s3, s7;
	s7 =	simm.s32 @!p0 $0x108  }
0x21: {  	s3 =	sadd.s32 s3, s9;
	s6 =	sadd.s32 @!p0 $0x88, s6;
	s7 =	simm.s32 @p2 $0x1082  }
0x22: {  	[simem:s7], [sflag:s8] =	dma.local @!p0 [hbm:s6], $0xF7A  }
0x23: {  	s9 =	sor.u32 $0xD0000000, s2;
	s6 =	simm.s32 $0x108;
	_ =	swait.ge @!p0 [sflag:s8], $0x0  }
0x24: {  	s3 =	sadd.s32 $0x88, s3;
	s6 =	simm.s32 @!p1 $0x1082;
	[sflag:s4] =	ssyncset.s32 $0xFFFFF086  }
0x25: {  	[simem:s6], [sflag:s4] =	dma.local [hbm:s3], $0xF7A  }
0x26: {  	[smem:$0x3F8E] =	sst s1;
	(tag) =	ssettag s2;
	_ =	strace s9  }
0x27: {  	s1 =	sld [smem:$0x3F9E]  }
0x28: {  	s2 =	sld [smem:$0x3F9F]  }
0x29: {  	s4 =	sld [smem:$0x3FA1]  }
0x2a: {  	p0 =	seq.s32 s5, $0x0;
	s5 =	sld [smem:$0x3FA2]  }
0x2b: {  	s6 =	sld [smem:$0x3FA3]  }
0x2c: {  	s7 =	sld [smem:$0x3FA4]  }
0x2d: {  	s3 =	simm.s32 $0x108;
	s8 =	sld [smem:$0x3FA5]  }
0x2e: {  	s3 =	simm.s32 @!p0 $0x1082;
	s9 =	sld [smem:$0x3FA6]  }
0x2f: {  	lr =	sadd.s32 s0, s3;
	s0 =	sld [smem:$0x3F9D]  }
0x30: {  	s3 =	sld [smem:$0x3FA0]  }
0x31: {  	[smem:$0x3FA9] =	sst s10  }
0x32: {  	s10 =	sld [smem:$0x3FA7];
	_ =	sdelay $0x3  }
0x33: {  	p0 =	seq.s32 s10, $0x1;
	s10 =	sld [smem:$0x3FA9];
	_ =	sdelay $0x3  }
0x34: {  	[smem:$0x3FA9] =	sst s10  }
0x35: {  	s10 =	sld [smem:$0x3FA8];
	_ =	sdelay $0x3  }
0x36: {  	p1 =	seq.s32 s10, $0x1;
	s10 =	sld [smem:$0x3FA9];
	_ =	sdelay $0x3  }
0x37: {  	[smem:$0x3FA9] =	sst s10  }
0x38: {  	s10 =	sld [smem:$0x3FAA]  }
0x39: {  	_ = 	snop;
	(pc) =	sbr.ind lr, $3  }
0x3a: {  	_ = 	snop  }
0x3b: {  	_ = 	snop  }
0x3c: {  	p2 =	seq.s32 s10, $0x1;
	s10 =	sld [smem:$0x3FA9]  }
0x3d: {  	_ =	shalt  }
0x3e: {  	_ =	shalt  }
0x3f: {  	_ =	shalt  }
0x40: {  	_ =	shalt  }
0x41: {  	_ =	shalt  }
0x42: {  	_ =	shalt  }
0x43: {  	_ =	shalt  }
0x44: {  	_ =	shalt  }
0x45: {  	_ =	shalt  }
0x46: {  	_ =	shalt  }
0x47: {  	_ =	shalt  }
0x48: {  	_ =	shalt  }
0x49: {  	_ =	shalt  }
0x4a: {  	_ =	shalt  }
0x4b: {  	_ =	shalt  }
0x4c: {  	_ =	shalt  }
0x4d: {  	_ =	shalt  }
0x4e: {  	_ =	shalt  }
0x4f: {  	_ =	shalt  }
0x50: {  	_ =	shalt  }
0x51: {  	_ =	shalt  }
0x52: {  	_ =	shalt  }
0x53: {  	_ =	shalt  }
0x54: {  	_ =	shalt  }
0x55: {  	_ =	shalt  }
0x56: {  	_ =	shalt  }
0x57: {  	_ =	shalt  }
0x58: {  	_ =	shalt  }
0x59: {  	_ =	shalt  }
0x5a: {  	_ =	shalt  }
0x5b: {  	_ =	shalt  }
0x5c: {  	_ =	shalt  }
0x5d: {  	_ =	shalt  }
0x5e: {  	_ =	shalt  }
0x5f: {  	_ =	shalt  }
0x60: {  	_ =	shalt  }
0x61: {  	_ =	shalt  }
0x62: {  	_ =	shalt  }
0x63: {  	_ =	shalt  }
0x64: {  	_ =	shalt  }
0x65: {  	_ =	shalt  }
0x66: {  	_ =	shalt  }
0x67: {  	_ =	shalt  }
0x68: {  	_ =	shalt  }
0x69: {  	_ =	shalt  }
0x6a: {  	_ =	shalt  }
0x6b: {  	_ =	shalt  }
0x6c: {  	_ =	shalt  }
0x6d: {  	_ =	shalt  }
0x6e: {  	_ =	shalt  }
0x6f: {  	_ =	shalt  }
0x70: {  	_ =	shalt  }
0x71: {  	_ =	shalt  }
0x72: {  	_ =	shalt  }
0x73: {  	_ =	shalt  }
0x74: {  	_ =	shalt  }
0x75: {  	_ =	shalt  }
0x76: {  	_ =	shalt  }
0x77: {  	_ =	shalt  }
0x78: {  	_ =	shalt  }
0x79: {  	_ =	shalt  }
0x7a: {  	_ =	shalt  }
0x7b: {  	_ =	shalt  }
0x7c: {  	_ =	shalt  }
0x7d: {  	_ =	shalt  }
0x7e: {  	_ =	shalt  }
0x7f: {  	_ =	shalt  }
0x80: {  	_ =	shalt  }
0x81: {  	_ =	shalt  }
0x82: {  	_ =	shalt  }
0x83: {  	_ =	shalt  }
0x84: {  	_ =	shalt  }
0x85: {  	_ =	shalt  }
0x86: {  	_ =	shalt  }
0x87: {  	_ =	shalt  }
.Lfunc_end0:
.L_simem_size_0:
called_computation_lowered:
.L_overlay_start_0:
0x88: {  	s2 =	sld [smem:$0x3FD9]  }
0x89: {  	s3 =	sld [smem:$0x3FFE];
	_ =	sdelay $0x1  }
0x8a: {  	s1 =	srdreg.scid  }
0x8b: {  	s0 =	sand.u32 $0x1, s1  }
0x8c: {  	s17 =	sshll.u32 s0, $0xA;
	s2 =	sadd.s32 s3, s2  }
0x8d: {  	s2 =	sadd.s32 s2, s17  }
0x8e: {  	[smem:$0x3FB5] =	sst s2  }
0x8f: {  	_ = 	snop  }
0x90: {  	(tm) =	ssettm $0x1  }
0x91: {  	s18 =	sld [smem:$0x3FFB];
	_ =	sdelay $0x3  }
0x92: {  	_ =	strace s18  }
0x93: {  	s2 =	sld [smem:$0x3FFC];
	_ =	sdelay $0x3  }
0x94: {  	_ =	strace s2  }
0x95: {  	s2 =	sld [smem:$0x3FFD];
	_ =	sdelay $0x3  }
0x96: {  	_ =	strace s2  }
0x97: {  	_ =	strace $0x8FFFFFFF  }
0x98: {  	s19 =	sld [smem:$0x3FDB];
	_ =	sdelay $0x1  }
0x99: {  	s20 =	simm.s32 $_scs_section_size  }
0x9a: {  	s4 =	simm.s32 $_size__tile_overlayer_lowered;
	s5 =	simm.s32 $_tile_overlayer_lowered  }
0x9b: {  	s6 =	simm.s32 $0x1BFF;
	s21 =	sshll.u32 s5, $0x1;
	s3 =	sadd.s32 s20, s19  }
0x9c: {  	s22 =	simm.s32 $0x0;
	s4 =	sshll.u32 s4, $0x1;
	s5 =	sadd.s32 s21, s3  }
0x9d: {  	[timem:s22], [sflag:s6] =	dma.local [hbm:s5], s4  }
0x9e: {  	_ =	swait.ge [sflag:s6], s4  }
0x9f: {  	s4 =	ssub.s32 $0x0, s4;
	[sflag:s6] =	ssyncset.done $0x0  }
0xa0: {  	[sflag:s6] =	ssyncadd.s32 s4;
	_ =	sdelay $0x1  }
0xa1: {  	s23 =	simm.s32 $0x1B8B  }
0xa2: {  	_ =	swait.ge [sflag:s23], $0x1  }
0xa3: {  	[sflag:s23] =	ssyncset.done $0x0  }
0xa4: {  	[sflag:s23] =	ssyncadd.s32 $0xFFFFFFFF  }
0xa5: {  	s4 =	sld [smem:$0x0]  }
0xa6: {  	s5 =	sand.u32 $0xFFFFFFFE, s1  }
0xa7: {  	p0 =	sne.s32 s1, s5  }
0xa8: {  	s5 =	sshll.u32 @p0 s5, $0xE  }
0xa9: {  	s5 =	sadd.s32 @p0 $0x11B8D, s5;
	s6 =	sshll.u32 @p0 s4, $0x11  }
0xaa: {  	s5 =	sor.u32 @p0 s6, s5  }
0xab: {  	[sflag:s5] =	ssyncadd.remote.s32 @p0 $0x1;
	_ =	sdelay $0x1  }
0xac: {  	s5 =	simm.s32 @p0 $0x1B8D  }
0xad: {  	_ =	swait.eq @p0 [sflag:s5], $0x1  }
0xae: {  	[sflag:s5] =	ssyncadd.s32 @p0 $0xFFFFFFFF  }
0xaf: {  	s6 =	sshll.u32 @!p0 s1, $0xE  }
0xb0: {  	s6 =	sor.u32 @!p0 $0x4000, s6;
	s5 =	simm.s32 @!p0 $0x1B8D  }
0xb1: {  	s4 =	sshll.u32 @!p0 s4, $0x11;
	s6 =	sadd.s32 @!p0 $0x11B8D, s6;
	_ =	swait.eq @!p0 [sflag:s5], $0x1  }
0xb2: {  	s4 =	sor.u32 @!p0 s4, s6;
	[sflag:s5] =	ssyncadd.s32 @!p0 $0xFFFFFFFF  }
0xb3: {  	s25 =	simm.s32 $0x1B8E;
	s24 =	sld [smem:$0x3FFE];
	[sflag:s4] =	ssyncadd.remote.s32 @!p0 $0x1  }
0xb4: {  	s26 =	simm.s32 $execute0_lowered;
	[smem:$0x3FD2] =	sst s25  }
0xb5: {  	s5 =	sshll.u32 s26, $0x1;
	_ =	strace $0x80000049;
	[dreg:$0x1] =	wrdreg $0xFFFFFFFF  }
0xb6: {  	s28 =	simm.s32 $_size_execute0_lowered;
	s3 =	sadd.s32 s3, s5;
	[dreg:$0x0] =	wrdreg $0x0  }
0xb7: {  	s5 =	sshll.u32 s28, $0x1;
	[dreg:$0x2] =	wrdreg s3  }
0xb8: {  	[dreg:$0x3] =	wrdreg s5  }
0xb9: {  	[dreg:$0x4] =	wrdreg $0xC0  }
0xba: {  	_ =	task [dreg:s22], $0x5FFFF  }
0xbb: {  	[dreg:$0x1] =	wrdreg $0xFFFFFFFF  }
0xbc: {  	[dreg:$0x0] =	wrdreg $0x60  }
0xbd: {  	[dreg:$0x2] =	wrdreg s24  }
0xbe: {  	[dreg:$0x3] =	wrdreg $0x9  }
0xbf: {  	_ =	task.clear_ibuf [dreg:s22], $0x4FFFF;
	_ =	strace $0x90000049  }
0xc0: {  	s29 =	simm.s32 $0x9;
	_ =	strace $0x8000004B  }
0xc1: {  	_ =	swait.ge [sflag:s29], $0x1  }
0xc2: {  	[sflag:s29] =	ssyncadd.s32 $0xFFFFFFFF  }
0xc3: {  	_ =	strace $0x9000004B  }
0xc4: {  	_ =	sfence  }
0xc5: {  	s30 =	sld [smem:$0x0];
	_ =	sdelay $0x2  }
0xc6: {  	s31 =	sshll.u32 s1, $0xD;
	s1 =	sshrl.u32 s1, $0x2  }
0xc7: {  	s4 =	sand.u32 $0x4000, s31;
	s1 =	sadd.s32 s1, s30  }
0xc8: {  	s0 =	sor.u32 s4, s0;
	s1 =	sshll.u32 s1, $0x11  }
0xc9: {  	s0 =	sor.u32 s1, s0  }
0xca: {  	s0 =	sadd.s32 $0x8F2B, s0  }
0xcb: {  	[sflag:s0] =	ssyncadd.remote.s32 $0x1  }
0xcc: {  	_ =	sfence.sel $0xFFFF  }
0xcd: {  	[dreg:$0x0] =	wrdreg $0xFFFFFFFF;
	(pc) =	sbr.abs _section_cstart, $3  }
0xce: {  	[dreg:$0x1] =	wrdreg $0xFFFFFFFF  }
0xcf: {  	_ =	task.clear_ibuf [dreg:s22], $0x2FFFF;
	_ =	strace $0x9FFFFFFF  }
0xd0: {  	(tm) =	ssettm $0x7FFFFFFF  }
0xd1: {  	_ =	shalt  }
tec
execute0_lowered:
.L_overlay_start_1:
0x0: {  	(tag) =	ssettag $0x1  }
0x1: {  	s0 =	srdreg.scid  }
0x2: {  	s3 =	sand.u32 $0x1, s0  }
0x3: {  	s4 =	rddreg [dreg:$0x0];
	s0 =	stileid.u32;
	s1 =	sshll.u32 s3, $0x4  }
0x4: {  	s2 =	simm.s32 $0x0;
	s8 =	simm.s32 $0x0;
	s5 =	sor.u32 s0, s1  }
0x5: {  	[smem:$0x7FF] =	sst s2;
	s3 =	ssub.s32 $0x2, s3;
	s6 =	smul.u32 $0x500, s5  }
0x6: {  	s1 =	rddreg [dreg:$0x1];
	s7 =	sshrl.u32 s3, $0x1;
	s5 =	smul.u32 $0x4F0, s5  }
0x7: {  	_ =	strace $0x8000004A;
	s31 =	ssub.s32 s3, s7;
	s7 =	simm.s32 $0x2800  }
0x8: {  	s6 =	sadd.s32 s6, s4;
	s4 =	sadd.s32 s5, s4;
	s5 =	smax.u32 s31, $0x1  }
0x9: {  	v0 =	vimm.f32 $0.0e+00;
	v1 =	vimm.f32 $1.000000000e+00;
	s3 =	sadd.s32 $0x17E00, s6;
	s4 =	sadd.s32 $0x67200, s4;
	s6 =	simm.s32 $0x1  }
.LBB2_1:
0xa: {  	[tilespmem:s2], [sflag:$0x1] =	stream.linear.gather [hbm4b:s3+s2], $0x2800, $0x38;
	[tilespmem:$0x4F80] =	vst v63  }
0xb: {  	_ =	swait.ge [sflag:s6], $0x2800  }
0xc: {  	[sflag:s6] =	ssyncset.done $0x0  }
0xd: {  	s9 =	simm.s32 $0x0;
	[sflag:s6] =	ssyncadd.s32 $0xFFFFD800  }
.LBB2_2:
0xe: {  	p0 =	sne.s32 s9, $0x9DC0  }
.Ltmp0:
0xf: {  	_ = 	snop;
	(pc) =	sbr.rel @p0 .LBB2_2-.Ltmp0, $3  }
0x10: {  	_ =	sdelay $0x1  }
0x11: {  	s10 =	sshra.s32 s9, $0x2  }
0x12: {  	s9 =	sadd.s32 $0x40, s9;
	[tilespmem:s10+$0x2800] =	vst v0  }
0x13: {  	s9 =	simm.s32 $0x0  }
.LBB2_4:
0x14: {  	s10 =	sshra.s32 s9, $0x2  }
0x15: {  	v2 =	vld [tilespmem:s10+$0x0];
	_ =	sdelay $0x7  }
0x16: {  	[tilespmem:v2+s7+$0x0] =	vst.idx.add.f32.msk $0xffff, v1  }
0x17: {  	v2 =	vld [tilespmem:s10+$0x10];
	_ =	sdelay $0x7  }
0x18: {  	[tilespmem:v2+s7+$0x0] =	vst.idx.add.f32.msk $0xffff, v1  }
0x19: {  	v2 =	vld [tilespmem:s10+$0x20];
	_ =	sdelay $0x7  }
0x1a: {  	[tilespmem:v2+s7+$0x0] =	vst.idx.add.f32.msk $0xffff, v1  }
0x1b: {  	v2 =	vld [tilespmem:s10+$0x30];
	_ =	sdelay $0x7  }
0x1c: {  	[tilespmem:v2+s7+$0x0] =	vst.idx.add.f32.msk $0xffff, v1  }
0x1d: {  	v2 =	vld [tilespmem:s10+$0x40];
	_ =	sdelay $0x7  }
0x1e: {  	[tilespmem:v2+s7+$0x0] =	vst.idx.add.f32.msk $0xffff, v1  }
0x1f: {  	v2 =	vld [tilespmem:s10+$0x50];
	_ =	sdelay $0x7  }
0x20: {  	[tilespmem:v2+s7+$0x0] =	vst.idx.add.f32.msk $0xffff, v1  }
0x21: {  	v2 =	vld [tilespmem:s10+$0x60];
	_ =	sdelay $0x7  }
0x22: {  	[tilespmem:v2+s7+$0x0] =	vst.idx.add.f32.msk $0xffff, v1  }
0x23: {  	v2 =	vld [tilespmem:s10+$0x70];
	_ =	sdelay $0x2  }
0x24: {  	p0 =	sne.s32 s9, $0x9E00  }
.Ltmp1:
0x25: {  	_ = 	snop;
	(pc) =	sbr.rel @p0 .LBB2_4-.Ltmp1, $2  }
0x26: {  	_ =	sdelay $0x2  }
0x27: {  	s9 =	sadd.s32 $0x200, s9;
	[tilespmem:v2+s7+$0x0] =	vst.idx.add.f32.msk $0xffff, v1  }
0x28: {  	s8 =	sadd.s32 $0x1, s8  }
0x29: {  	p0 =	sne.s32 s8, s5  }
.Ltmp2:
0x2a: {  	_ = 	snop;
	(pc) =	sbr.rel @p0 .LBB2_1-.Ltmp2, $4  }
0x2b: {  	[hbm4b:s4+s2] =	stream.linear.scatter [tilespmem:s7], [sflag:$0x1], $0x2780, $0x38;
	[tilespmem:$0x4F80] =	vst v63  }
0x2c: {  	_ =	swait.ge [sflag:s6], $0x2780  }
0x2d: {  	[sflag:s6] =	ssyncset.done $0x0  }
0x2e: {  	[sflag:s6] =	ssyncadd.s32 $0xFFFFD880  }
0x2f: {  	_ =	sfence.sel $0x180000  }
0x30: {  	[bflag:$0x0] =	sbarrier.arrive $0xFFFF  }
0x31: {  	p0 =	sne.s32 s0, $0x0;
	_ =	strace $0x9000004A  }
0x32: {  	s0 =	sadd.s32 @!p0 $0x100000, s1;
	[bflag:$0x2] =	sbarrier.arrive $0xFFFF  }
0x33: {  	[sflag:s0] =	ssyncadd.tile.s32 @!p0 $0x1;
	_ =	shalt  }
.Lfunc_end2:
_tile_overlayer_lowered:
.L_overlay_start_2:
0x34: {  	(tag) =	ssettag $0x2  }
0x35: {  	s0 =	rddreg [dreg:$0x0];
	s2 =	stileid.u32  }
0x36: {  	s1 =	rddreg [dreg:$0x1];
	p0 =	sne.s32 s2, $0x0  }
0x37: {  	s3 =	rddreg [dreg:$0x2];
	[bflag:$0x3] =	sbarrier.arrive $0xFFFF;
	s2 =	simm.s32 @!p0 $0x1C01  }
0x38: {  	[timem:s3], [sflag:s2] =	dma.local @!p0 [hbm:s0], s1  }
0x39: {  	s0 =	simm.s32 @!p0 $0x1  }
0x3a: {  	_ =	swait.ge @!p0 [sflag:s0], s1  }
0x3b: {  	s1 =	ssub.s32 @!p0 $0x0, s1;
	[sflag:s0] =	ssyncset.done @!p0 $0x0  }
0x3c: {  	[sflag:s0] =	ssyncadd.s32 @!p0 s1  }
0x3d: {  	[bflag:$0x3] =	sbarrier.arrive $0xFFFF  }
0x3e: {  	_ =	shalt  }

// kernel: kernel.13.cloned.1.call-start
scs
__scs_entry_jumppad:
0x0: {  	(pc) =	sbr.rel $0x88, $3  }
0x1: {  	(tag) =	ssettag $0x0;
	lr =	simm.s32 $0x1  }
0x2: {  	[smem:$0x3F8E] =	sst lr;
	_ =	strace $0xD0000000  }
0x3: {  	_ = 	snop  }
0x4: {  	_ = 	snop  }
0x5: {  	_ = 	snop  }
0x6: {  	_ = 	snop  }
0x7: {  	_ = 	snop  }
__scs_overlays_trampoline_lowered:
0x8: {  	[smem:$0x3F9D] =	sst s0  }
0x9: {  	[smem:$0x3F9E] =	sst s1  }
0xa: {  	[smem:$0x3F9F] =	sst s2  }
0xb: {  	[smem:$0x3FA0] =	sst s3  }
0xc: {  	[smem:$0x3FA1] =	sst s4  }
0xd: {  	[smem:$0x3FA2] =	sst s5  }
0xe: {  	[smem:$0x3FA3] =	sst s6  }
0xf: {  	[smem:$0x3FA4] =	sst s7  }
0x10: {  	[smem:$0x3FA5] =	sst s8  }
0x11: {  	[smem:$0x3FA6] =	sst s9;
	s0 =	simm.s32 @!p0 $0x0  }
0x12: {  	s1 =	sld [smem:$0x3F8C];
	s0 =	simm.s32 @p0 $0x1  }
0x13: {  	[smem:$0x3FA7] =	sst s0;
	s0 =	simm.s32 @!p1 $0x0  }
0x14: {  	s2 =	sld [smem:$0x3F8B];
	s0 =	simm.s32 @p1 $0x1  }
0x15: {  	[smem:$0x3FA8] =	sst s0;
	s0 =	simm.s32 @!p2 $0x0  }
0x16: {  	s3 =	sld [smem:$0x3FDB];
	s0 =	simm.s32 @p2 $0x1  }
0x17: {  	s4 =	simm.s32 $0x1BF5;
	[smem:$0x3FAA] =	sst s0  }
0x18: {  	s0 =	sld [smem:$0x3F8D];
	_ =	swait.ge [sflag:s4], $0x0  }
0x19: {  	s7 =	sld [smem:$0x3F8E]  }
0x1a: {  	s8 =	sadd.s32 $0xFFFFE003, lr  }
0x1b: {  	s9 =	sadd.s32 $0xFFFFFEF7, lr;
	s5 =	simm.s32 $0xFFFFFFFF;
	p2 =	slt.u32 s8, $0xFFFFF086  }
0x1c: {  	p1 =	slt.u32 s9, $0xF7A;
	s5 =	simm.s32 @!p2 $0x0  }
0x1d: {  	s5 =	simm.s32 @p1 $0x1;
	p0 =	seq.s32 s7, s2  }
0x1e: {  	s7 =	smul.u32 @!p0 $0xF7A, s2;
	p2 =	seq.s32 @!p0 s5, $0x0  }
0x1f: {  	s9 =	smul.u32 $0xF7A, s1;
	s8 =	simm.s32 @!p0 $0x1BF5;
	p2 =	por !p2, p0  }
0x20: {  	[sflag:s8] =	ssyncset.s32 @!p0 $0xFFFFF086;
	s6 =	sadd.s32 @!p0 s3, s7;
	s7 =	simm.s32 @!p0 $0x108  }
0x21: {  	s3 =	sadd.s32 s3, s9;
	s6 =	sadd.s32 @!p0 $0x88, s6;
	s7 =	simm.s32 @p2 $0x1082  }
0x22: {  	[simem:s7], [sflag:s8] =	dma.local @!p0 [hbm:s6], $0xF7A  }
0x23: {  	s9 =	sor.u32 $0xD0000000, s2;
	s6 =	simm.s32 $0x108;
	_ =	swait.ge @!p0 [sflag:s8], $0x0  }
0x24: {  	s3 =	sadd.s32 $0x88, s3;
	s6 =	simm.s32 @!p1 $0x1082;
	[sflag:s4] =	ssyncset.s32 $0xFFFFF086  }
0x25: {  	[simem:s6], [sflag:s4] =	dma.local [hbm:s3], $0xF7A  }
0x26: {  	[smem:$0x3F8E] =	sst s1;
	(tag) =	ssettag s2;
	_ =	strace s9  }
0x27: {  	s1 =	sld [smem:$0x3F9E]  }
0x28: {  	s2 =	sld [smem:$0x3F9F]  }
0x29: {  	s4 =	sld [smem:$0x3FA1]  }
0x2a: {  	p0 =	seq.s32 s5, $0x0;
	s5 =	sld [smem:$0x3FA2]  }
0x2b: {  	s6 =	sld [smem:$0x3FA3]  }
0x2c: {  	s7 =	sld [smem:$0x3FA4]  }
0x2d: {  	s3 =	simm.s32 $0x108;
	s8 =	sld [smem:$0x3FA5]  }
0x2e: {  	s3 =	simm.s32 @!p0 $0x1082;
	s9 =	sld [smem:$0x3FA6]  }
0x2f: {  	lr =	sadd.s32 s0, s3;
	s0 =	sld [smem:$0x3F9D]  }
0x30: {  	s3 =	sld [smem:$0x3FA0]  }
0x31: {  	[smem:$0x3FA9] =	sst s10  }
0x32: {  	s10 =	sld [smem:$0x3FA7];
	_ =	sdelay $0x3  }
0x33: {  	p0 =	seq.s32 s10, $0x1;
	s10 =	sld [smem:$0x3FA9];
	_ =	sdelay $0x3  }
0x34: {  	[smem:$0x3FA9] =	sst s10  }
0x35: {  	s10 =	sld [smem:$0x3FA8];
	_ =	sdelay $0x3  }
0x36: {  	p1 =	seq.s32 s10, $0x1;
	s10 =	sld [smem:$0x3FA9];
	_ =	sdelay $0x3  }
0x37: {  	[smem:$0x3FA9] =	sst s10  }
0x38: {  	s10 =	sld [smem:$0x3FAA]  }
0x39: {  	_ = 	snop;
	(pc) =	sbr.ind lr, $3  }
0x3a: {  	_ = 	snop  }
0x3b: {  	_ = 	snop  }
0x3c: {  	p2 =	seq.s32 s10, $0x1;
	s10 =	sld [smem:$0x3FA9]  }
0x3d: {  	_ =	shalt  }
0x3e: {  	_ =	shalt  }
0x3f: {  	_ =	shalt  }
0x40: {  	_ =	shalt  }
0x41: {  	_ =	shalt  }
0x42: {  	_ =	shalt  }
0x43: {  	_ =	shalt  }
0x44: {  	_ =	shalt  }
0x45: {  	_ =	shalt  }
0x46: {  	_ =	shalt  }
0x47: {  	_ =	shalt  }
0x48: {  	_ =	shalt  }
0x49: {  	_ =	shalt  }
0x4a: {  	_ =	shalt  }
0x4b: {  	_ =	shalt  }
0x4c: {  	_ =	shalt  }
0x4d: {  	_ =	shalt  }
0x4e: {  	_ =	shalt  }
0x4f: {  	_ =	shalt  }
0x50: {  	_ =	shalt  }
0x51: {  	_ =	shalt  }
0x52: {  	_ =	shalt  }
0x53: {  	_ =	shalt  }
0x54: {  	_ =	shalt  }
0x55: {  	_ =	shalt  }
0x56: {  	_ =	shalt  }
0x57: {  	_ =	shalt  }
0x58: {  	_ =	shalt  }
0x59: {  	_ =	shalt  }
0x5a: {  	_ =	shalt  }
0x5b: {  	_ =	shalt  }
0x5c: {  	_ =	shalt  }
0x5d: {  	_ =	shalt  }
0x5e: {  	_ =	shalt  }
0x5f: {  	_ =	shalt  }
0x60: {  	_ =	shalt  }
0x61: {  	_ =	shalt  }
0x62: {  	_ =	shalt  }
0x63: {  	_ =	shalt  }
0x64: {  	_ =	shalt  }
0x65: {  	_ =	shalt  }
0x66: {  	_ =	shalt  }
0x67: {  	_ =	shalt  }
0x68: {  	_ =	shalt  }
0x69: {  	_ =	shalt  }
0x6a: {  	_ =	shalt  }
0x6b: {  	_ =	shalt  }
0x6c: {  	_ =	shalt  }
0x6d: {  	_ =	shalt  }
0x6e: {  	_ =	shalt  }
0x6f: {  	_ =	shalt  }
0x70: {  	_ =	shalt  }
0x71: {  	_ =	shalt  }
0x72: {  	_ =	shalt  }
0x73: {  	_ =	shalt  }
0x74: {  	_ =	shalt  }
0x75: {  	_ =	shalt  }
0x76: {  	_ =	shalt  }
0x77: {  	_ =	shalt  }
0x78: {  	_ =	shalt  }
0x79: {  	_ =	shalt  }
0x7a: {  	_ =	shalt  }
0x7b: {  	_ =	shalt  }
0x7c: {  	_ =	shalt  }
0x7d: {  	_ =	shalt  }
0x7e: {  	_ =	shalt  }
0x7f: {  	_ =	shalt  }
0x80: {  	_ =	shalt  }
0x81: {  	_ =	shalt  }
0x82: {  	_ =	shalt  }
0x83: {  	_ =	shalt  }
0x84: {  	_ =	shalt  }
0x85: {  	_ =	shalt  }
0x86: {  	_ =	shalt  }
0x87: {  	_ =	shalt  }
.Lfunc_end0:
.L_simem_size_0:
called_computation.1_lowered:
.L_overlay_start_0:
0x88: {  	s2 =	sld [smem:$0x3FD9]  }
0x89: {  	s3 =	sld [smem:$0x3FFE];
	_ =	sdelay $0x1  }
0x8a: {  	s1 =	srdreg.scid  }
0x8b: {  	s0 =	sand.u32 $0x1, s1  }
0x8c: {  	s16 =	sshll.u32 s0, $0xA;
	s2 =	sadd.s32 s3, s2  }
0x8d: {  	s2 =	sadd.s32 s2, s16  }
0x8e: {  	[smem:$0x3FB5] =	sst s2  }
0x8f: {  	_ = 	snop  }
0x90: {  	(tm) =	ssettm $0x1  }
0x91: {  	s17 =	sld [smem:$0x3FFB];
	_ =	sdelay $0x3  }
0x92: {  	_ =	strace s17  }
0x93: {  	s2 =	sld [smem:$0x3FFC];
	_ =	sdelay $0x3  }
0x94: {  	_ =	strace s2  }
0x95: {  	s2 =	sld [smem:$0x3FFD];
	_ =	sdelay $0x3  }
0x96: {  	_ =	strace s2  }
0x97: {  	_ =	strace $0x8FFFFFFF  }
0x98: {  	s18 =	sld [smem:$0x3FDB];
	_ =	sdelay $0x1  }
0x99: {  	s19 =	simm.s32 $_scs_section_size  }
0x9a: {  	s4 =	simm.s32 $_size__tile_overlayer_lowered;
	s5 =	simm.s32 $_tile_overlayer_lowered  }
0x9b: {  	s22 =	simm.s32 $0x1BFF;
	s21 =	sshll.u32 s5, $0x1;
	s2 =	sadd.s32 s19, s18  }
0x9c: {  	s6 =	simm.s32 $0x0;
	s20 =	sshll.u32 s4, $0x1;
	s4 =	sadd.s32 s21, s2  }
0x9d: {  	[timem:s6], [sflag:s22] =	dma.local [hbm:s4], s20  }
0x9e: {  	_ =	swait.ge [sflag:s22], s20  }
0x9f: {  	s3 =	ssub.s32 $0x0, s20;
	[sflag:s22] =	ssyncset.done $0x0  }
0xa0: {  	[sflag:s22] =	ssyncadd.s32 s3;
	_ =	sdelay $0x1  }
0xa1: {  	s23 =	simm.s32 $0x1B8B  }
0xa2: {  	_ =	swait.ge [sflag:s23], $0x1  }
0xa3: {  	[sflag:s23] =	ssyncset.done $0x0  }
0xa4: {  	s25 =	simm.s32 $0x1B8E;
	s24 =	sld [smem:$0x3FFE];
	[sflag:s23] =	ssyncadd.s32 $0xFFFFFFFF  }
0xa5: {  	s26 =	simm.s32 $execute0_lowered;
	[smem:$0x3FD2] =	sst s25  }
0xa6: {  	s4 =	sshll.u32 s26, $0x1;
	_ =	strace $0x80000046;
	[dreg:$0x1] =	wrdreg $0xFFFFFFFF  }
0xa7: {  	s28 =	simm.s32 $_size_execute0_lowered;
	s2 =	sadd.s32 s2, s4;
	[dreg:$0x0] =	wrdreg $0x0  }
0xa8: {  	s4 =	sshll.u32 s28, $0x1;
	[dreg:$0x2] =	wrdreg s2  }
0xa9: {  	[dreg:$0x3] =	wrdreg s4  }
0xaa: {  	[dreg:$0x4] =	wrdreg $0xC0  }
0xab: {  	_ =	task [dreg:s6], $0x5FFFF  }
0xac: {  	[dreg:$0x1] =	wrdreg $0xFFFFFFFF  }
0xad: {  	[dreg:$0x0] =	wrdreg $0x60  }
0xae: {  	[dreg:$0x2] =	wrdreg s24  }
0xaf: {  	[dreg:$0x3] =	wrdreg $0x90000  }
0xb0: {  	[dreg:$0x4] =	wrdreg $0x12E000  }
0xb1: {  	[dreg:$0x5] =	wrdreg $0xA  }
0xb2: {  	_ =	task.clear_ibuf [dreg:s6], $0x6FFFF;
	_ =	strace $0x90000046  }
0xb3: {  	s29 =	simm.s32 $0xA;
	_ =	strace $0x80000048  }
0xb4: {  	_ =	swait.ge [sflag:s29], $0x1  }
0xb5: {  	[sflag:s29] =	ssyncadd.s32 $0xFFFFFFFF  }
0xb6: {  	_ =	strace $0x90000048  }
0xb7: {  	_ =	sfence  }
0xb8: {  	s30 =	sld [smem:$0x0];
	_ =	sdelay $0x2  }
0xb9: {  	s31 =	sshll.u32 s1, $0xD;
	s1 =	sshrl.u32 s1, $0x2  }
0xba: {  	s3 =	sand.u32 $0x4000, s31;
	s1 =	sadd.s32 s1, s30  }
0xbb: {  	s0 =	sor.u32 s3, s0;
	s1 =	sshll.u32 s1, $0x11  }
0xbc: {  	s0 =	sor.u32 s1, s0  }
0xbd: {  	s0 =	sadd.s32 $0x8F2B, s0  }
0xbe: {  	[sflag:s0] =	ssyncadd.remote.s32 $0x1  }
0xbf: {  	_ =	sfence.sel $0xFFFF  }
0xc0: {  	[dreg:$0x0] =	wrdreg $0xFFFFFFFF;
	(pc) =	sbr.abs _section_cstart, $3  }
0xc1: {  	[dreg:$0x1] =	wrdreg $0xFFFFFFFF  }
0xc2: {  	_ =	task.clear_ibuf [dreg:s6], $0x2FFFF;
	_ =	strace $0x9FFFFFFF  }
0xc3: {  	(tm) =	ssettm $0x7FFFFFFF  }
tec
execute0_lowered:
.L_overlay_start_1:
0x0: {  	(tag) =	ssettag $0x1  }
0x1: {  	s6 =	rddreg [dreg:$0x0]  }
0x2: {  	s2 =	rddreg [dreg:$0x1]  }
0x3: {  	s0 =	srdreg.scid;
	s3 =	rddreg [dreg:$0x2]  }
0x4: {  	s4 =	simm.s32 $0x0;
	s12 =	simm.s32 $0x2800;
	s16 =	simm.s32 $0x80  }
0x5: {  	s17 =	simm.s32 $0x5000;
	s18 =	simm.s32 $0x7000;
	s19 =	simm.s32 $0x1  }
0x6: {  	s20 =	simm.s32 $0x2;
	s21 =	simm.s32 $0x4F00;
	s22 =	simm.s32 $0x4F80  }
0x7: {  	s23 =	simm.s32 $0x0;
	s5 =	sand.u32 $0x1, s0;
	s0 =	stileid.u32  }
0x8: {  	[smem:$0x7FF] =	sst s4;
	s1 =	sshll.u32 s5, $0x4;
	s8 =	smul.u32 $0x9E00, s0  }
0x9: {  	s9 =	smul.u32 $0x9E000, s5;
	s5 =	ssub.s32 $0x2, s5;
	s13 =	sshll.u32 s0, $0x6  }
0xa: {  	s1 =	sor.u32 s0, s1;
	s11 =	sshrl.u32 s5, $0x1;
	s13 =	sor.u32 $0x1C03, s13  }
0xb: {  	s7 =	smul.u32 $0x500, s1;
	s1 =	rddreg [dreg:$0x3];
	_ =	strace $0x80000047  }
0xc: {  	s10 =	sshrl.u32 s8, $0x3;
	s9 =	sadd.s32 s8, s9;
	s11 =	ssub.s32 s5, s11  }
0xd: {  	s14 =	sadd.s32 s8, s2;
	s15 =	sadd.s32 s8, s3;
	s10 =	sadd.s32 s10, s6  }
0xe: {  	s9 =	sshrl.u32 s9, $0x3;
	s14 =	sshrl.u32 s14, $0x3;
	s15 =	sshrl.u32 s15, $0x3  }
0xf: {  	s7 =	sadd.s32 s7, s6;
	s9 =	sadd.s32 s9, s6;
	s8 =	sadd.s32 $0x2BE00, s10  }
0x10: {  	s5 =	sadd.s32 $0x21E00, s7;
	s6 =	sadd.s32 $0x17E00, s7;
	s7 =	sadd.s32 $0x4200, s10  }
0x11: {  	s9 =	sadd.s32 $0x3FA00, s9;
	s10 =	smax.u32 s11, $0x1;
	s11 =	simm.s32 $0x3  }
.LBB2_1:
0x12: {  	[tilespmem:s4], [sflag:$0x3] =	stream.linear.gather [hbm4b:s5+s4], $0x2800, $0x38;
	[tilespmem:$0x1CC00] =	vst v63  }
0x13: {  	_ =	swait.ge [sflag:s11], $0x2800  }
0x14: {  	[sflag:s11] =	ssyncset.done $0x0  }
0x15: {  	[sflag:s11] =	ssyncadd.s32 $0xFFFFD800  }
0x16: {  	[tilespmem:s12], [sflag:$0x3] =	stream.linear.gather [hbm4b:s6+s4], $0x2800, $0x38;
	[tilespmem:$0x1CC00] =	vst v63  }
0x17: {  	_ =	swait.ge [sflag:s11], $0x2800  }
0x18: {  	[sflag:s11] =	ssyncset.done $0x0  }
0x19: {  	[sflag:s11] =	ssyncadd.s32 $0xFFFFD800  }
0x1a: {  	[spmem:s14], [sflag:s13] =	dma.local [hbm:s7], $0x13C0  }
0x1b: {  	_ =	swait.ge [sflag:s11], $0x13C0  }
0x1c: {  	[sflag:s11] =	ssyncset.done $0x0  }
0x1d: {  	[sflag:s11] =	ssyncadd.s32 $0xFFFFEC40  }
0x1e: {  	[spmem:s15], [sflag:s13] =	dma.local [hbm:s8], $0x13C0  }
0x1f: {  	_ =	swait.ge [sflag:s11], $0x13C0  }
0x20: {  	[sflag:s11] =	ssyncset.done $0x0  }
0x21: {  	[sflag:s11] =	ssyncadd.s32 $0xFFFFEC40  }
0x22: {  	[bflag:$0x0] =	sbarrier.arrive $0xFFFF  }
0x23: {  	[tilespmem:s17], [sflag:$0x1] =	stream.indirect.gather [spmem:s2], $0x40, s4, s16, $0xb8;
	[tilespmem:$0x1CC00] =	vst v63  }
0x24: {  	_ = 	snop  }
0x25: {  	[tilespmem:s18], [sflag:$0x2] =	stream.indirect.gather [spmem:s2], $0x40, s16, s16, $0xb8;
	[tilespmem:$0x1CC00] =	vst v63  }
0x26: {  	_ =	swait.ge [sflag:s19], $0x2000  }
0x27: {  	[sflag:s19] =	ssyncset.done $0x0  }
0x28: {  	s24 =	simm.s32 $0x2800;
	[sflag:s19] =	ssyncadd.s32 $0xFFFFE000  }
0x29: {  	[spmem:s3] =	stream.indirect.scatter.add.f32 [tilespmem:s17], [sflag:$0x3], $0x40, s24, s16, $0xb8;
	[tilespmem:$0x1CC00] =	vst v63  }
0x2a: {  	_ =	swait.ge [sflag:s11], $0x2000  }
0x2b: {  	[sflag:s11] =	ssyncset.done $0x0  }
0x2c: {  	s30 =	simm.s32 $0x100;
	[sflag:s11] =	ssyncadd.s32 $0xFFFFE000  }
0x2d: {  	[tilespmem:s17], [sflag:$0x1] =	stream.indirect.gather [spmem:s2], $0x40, s30, s16, $0xb8;
	[tilespmem:$0x1CC00] =	vst v63  }
0x2e: {  	_ =	swait.ge [sflag:s20], $0x2000  }
0x2f: {  	[sflag:s20] =	ssyncset.done $0x0  }
0x30: {  	s31 =	simm.s32 $0x2880;
	[sflag:s20] =	ssyncadd.s32 $0xFFFFE000  }
0x31: {  	[spmem:s3] =	stream.indirect.scatter.add.f32 [tilespmem:s18], [sflag:$0x3], $0x40, s31, s16, $0xb8;
	[tilespmem:$0x1CC00] =	vst v63  }
0x32: {  	_ =	swait.ge [sflag:s11], $0x2000  }
0x33: {  	[sflag:s11] =	ssyncset.done $0x0  }
0x34: {  	s25 =	simm.s32 $0x180;
	s24 =	simm.s32 $0x400;
	[sflag:s11] =	ssyncadd.s32 $0xFFFFE000  }
.LBB2_2:
0x35: {  	[tilespmem:s18], [sflag:$0x2] =	stream.indirect.gather [spmem:s2], $0x40, s25, s16, $0xb8;
	[tilespmem:$0x1CC00] =	vst v63  }
0x36: {  	s25 =	smov.u32 s24  }
0x37: {  	p0 =	sne.s32 s24, $0x9800;
	s24 =	sadd.s32 $0x400, s24;
	_ =	swait.ge [sflag:s19], $0x2000  }
0x38: {  	s25 =	sshra.s32 s25, $0x2;
	[sflag:s19] =	ssyncset.done $0x0  }
0x39: {  	s26 =	sadd.s32 $0x2800, s25;
	[sflag:s19] =	ssyncadd.s32 $0xFFFFE000  }
0x3a: {  	[spmem:s3] =	stream.indirect.scatter.add.f32 [tilespmem:s17], [sflag:$0x3], $0x40, s26, s16, $0xb8;
	[tilespmem:$0x1CC00] =	vst v63  }
0x3b: {  	_ =	swait.ge [sflag:s11], $0x2000  }
0x3c: {  	[sflag:s11] =	ssyncset.done $0x0  }
0x3d: {  	s26 =	sadd.s32 $0x100, s25;
	[sflag:s11] =	ssyncadd.s32 $0xFFFFE000  }
0x3e: {  	[tilespmem:s17], [sflag:$0x1] =	stream.indirect.gather [spmem:s2], $0x40, s26, s16, $0xb8;
	[tilespmem:$0x1CC00] =	vst v63  }
0x3f: {  	_ =	swait.ge [sflag:s20], $0x2000  }
0x40: {  	[sflag:s20] =	ssyncset.done $0x0  }
.Ltmp0:
0x41: {  	s26 =	sadd.s32 $0x2880, s25;
	[sflag:s20] =	ssyncadd.s32 $0xFFFFE000;
	(pc) =	sbr.rel @p0 .LBB2_2-.Ltmp0, $4  }
0x42: {  	[spmem:s3] =	stream.indirect.scatter.add.f32 [tilespmem:s18], [sflag:$0x3], $0x40, s26, s16, $0xb8;
	[tilespmem:$0x1CC00] =	vst v63  }
0x43: {  	_ =	swait.ge [sflag:s11], $0x2000  }
0x44: {  	[sflag:s11] =	ssyncset.done $0x0  }
0x45: {  	s25 =	sadd.s32 $0x180, s25;
	[sflag:s11] =	ssyncadd.s32 $0xFFFFE000  }
0x46: {  	[tilespmem:s18], [sflag:$0x2] =	stream.indirect.gather [spmem:s2], $0x40, s25, s16, $0xb8;
	[tilespmem:$0x1CC00] =	vst v63  }
0x47: {  	_ =	swait.ge [sflag:s19], $0x2000  }
0x48: {  	[sflag:s19] =	ssyncset.done $0x0  }
0x49: {  	[sflag:s19] =	ssyncadd.s32 $0xFFFFE000  }
0x4a: {  	[spmem:s3] =	stream.indirect.scatter.add.f32 [tilespmem:s17], [sflag:$0x3], $0x40, s21, s16, $0xb8;
	[tilespmem:$0x1CC00] =	vst v63  }
0x4b: {  	_ =	swait.ge [sflag:s11], $0x2000  }
0x4c: {  	[sflag:s11] =	ssyncset.done $0x0  }
0x4d: {  	[sflag:s11] =	ssyncadd.s32 $0xFFFFE000  }
0x4e: {  	_ =	swait.ge [sflag:s20], $0x2000  }
0x4f: {  	[sflag:s20] =	ssyncset.done $0x0  }
0x50: {  	[sflag:s20] =	ssyncadd.s32 $0xFFFFE000  }
0x51: {  	[spmem:s3] =	stream.indirect.scatter.add.f32 [tilespmem:s18], [sflag:$0x3], $0x40, s22, s16, $0xb8;
	[tilespmem:$0x1CC00] =	vst v63  }
0x52: {  	_ =	swait.ge [sflag:s11], $0x2000  }
0x53: {  	s23 =	sadd.s32 $0x1, s23;
	[sflag:s11] =	ssyncset.done $0x0  }
0x54: {  	p0 =	sne.s32 s23, s10;
	[sflag:s11] =	ssyncadd.s32 $0xFFFFE000  }
.Ltmp1:
0x55: {  	[bflag:$0x0] =	sbarrier.arrive $0xFFFF;
	(pc) =	sbr.rel @p0 .LBB2_1-.Ltmp1, $4  }
0x56: {  	[hbm:s9], [sflag:s13] =	dma.local [spmem:s15], $0x13C0  }
0x57: {  	_ =	swait.ge [sflag:s11], $0x13C0  }
0x58: {  	[sflag:s11] =	ssyncset.done $0x0  }
0x59: {  	[sflag:s11] =	ssyncadd.s32 $0xFFFFEC40  }
0x5a: {  	_ =	sfence.sel $0x180000  }
0x5b: {  	[bflag:$0x0] =	sbarrier.arrive $0xFFFF  }
0x5c: {  	p0 =	sne.s32 s0, $0x0;
	_ =	strace $0x90000047  }
0x5d: {  	s0 =	sadd.s32 @!p0 $0x100000, s1;
	[bflag:$0x2] =	sbarrier.arrive $0xFFFF  }
0x5e: {  	[sflag:s0] =	ssyncadd.tile.s32 @!p0 $0x1;
	_ =	shalt  }
.Lfunc_end2:
_tile_overlayer_lowered:
.L_overlay_start_2:
0x5f: {  	(tag) =	ssettag $0x2  }
0x60: {  	s0 =	rddreg [dreg:$0x0];
	s2 =	stileid.u32  }
0x61: {  	s1 =	rddreg [dreg:$0x1];
	p0 =	sne.s32 s2, $0x0  }
0x62: {  	s3 =	rddreg [dreg:$0x2];
	[bflag:$0x3] =	sbarrier.arrive $0xFFFF;
	s2 =	simm.s32 @!p0 $0x1C03  }
0x63: {  	[timem:s3], [sflag:s2] =	dma.local @!p0 [hbm:s0], s1  }
0x64: {  	s0 =	simm.s32 @!p0 $0x3  }
0x65: {  	_ =	swait.ge @!p0 [sflag:s0], s1  }
0x66: {  	s1 =	ssub.s32 @!p0 $0x0, s1;
	[sflag:s0] =	ssyncset.done @!p0 $0x0  }
0x67: {  	[sflag:s0] =	ssyncadd.s32 @!p0 s1  }
0x68: {  	[bflag:$0x3] =	sbarrier.arrive $0xFFFF  }
0x69: {  	_ =	shalt  }

// kernel: kernel.16.cloned.1.call-start
scs
__scs_entry_jumppad:
0x0: {  	(pc) =	sbr.rel $0x88, $3  }
0x1: {  	(tag) =	ssettag $0x0;
	lr =	simm.s32 $0x1  }
0x2: {  	[smem:$0x3F8E] =	sst lr;
	_ =	strace $0xD0000000  }
0x3: {  	_ = 	snop  }
0x4: {  	_ = 	snop  }
0x5: {  	_ = 	snop  }
0x6: {  	_ = 	snop  }
0x7: {  	_ = 	snop  }
__scs_overlays_trampoline_lowered:
0x8: {  	[smem:$0x3F9D] =	sst s0  }
0x9: {  	[smem:$0x3F9E] =	sst s1  }
0xa: {  	[smem:$0x3F9F] =	sst s2  }
0xb: {  	[smem:$0x3FA0] =	sst s3  }
0xc: {  	[smem:$0x3FA1] =	sst s4  }
0xd: {  	[smem:$0x3FA2] =	sst s5  }
0xe: {  	[smem:$0x3FA3] =	sst s6  }
0xf: {  	[smem:$0x3FA4] =	sst s7  }
0x10: {  	[smem:$0x3FA5] =	sst s8  }
0x11: {  	[smem:$0x3FA6] =	sst s9;
	s0 =	simm.s32 @!p0 $0x0  }
0x12: {  	s1 =	sld [smem:$0x3F8C];
	s0 =	simm.s32 @p0 $0x1  }
0x13: {  	[smem:$0x3FA7] =	sst s0;
	s0 =	simm.s32 @!p1 $0x0  }
0x14: {  	s2 =	sld [smem:$0x3F8B];
	s0 =	simm.s32 @p1 $0x1  }
0x15: {  	[smem:$0x3FA8] =	sst s0;
	s0 =	simm.s32 @!p2 $0x0  }
0x16: {  	s3 =	sld [smem:$0x3FDB];
	s0 =	simm.s32 @p2 $0x1  }
0x17: {  	s4 =	simm.s32 $0x1BF5;
	[smem:$0x3FAA] =	sst s0  }
0x18: {  	s0 =	sld [smem:$0x3F8D];
	_ =	swait.ge [sflag:s4], $0x0  }
0x19: {  	s7 =	sld [smem:$0x3F8E]  }
0x1a: {  	s8 =	sadd.s32 $0xFFFFE003, lr  }
0x1b: {  	s9 =	sadd.s32 $0xFFFFFEF7, lr;
	s5 =	simm.s32 $0xFFFFFFFF;
	p2 =	slt.u32 s8, $0xFFFFF086  }
0x1c: {  	p1 =	slt.u32 s9, $0xF7A;
	s5 =	simm.s32 @!p2 $0x0  }
0x1d: {  	s5 =	simm.s32 @p1 $0x1;
	p0 =	seq.s32 s7, s2  }
0x1e: {  	s7 =	smul.u32 @!p0 $0xF7A, s2;
	p2 =	seq.s32 @!p0 s5, $0x0  }
0x1f: {  	s9 =	smul.u32 $0xF7A, s1;
	s8 =	simm.s32 @!p0 $0x1BF5;
	p2 =	por !p2, p0  }
0x20: {  	[sflag:s8] =	ssyncset.s32 @!p0 $0xFFFFF086;
	s6 =	sadd.s32 @!p0 s3, s7;
	s7 =	simm.s32 @!p0 $0x108  }
0x21: {  	s3 =	sadd.s32 s3, s9;
	s6 =	sadd.s32 @!p0 $0x88, s6;
	s7 =	simm.s32 @p2 $0x1082  }
0x22: {  	[simem:s7], [sflag:s8] =	dma.local @!p0 [hbm:s6], $0xF7A  }
0x23: {  	s9 =	sor.u32 $0xD0000000, s2;
	s6 =	simm.s32 $0x108;
	_ =	swait.ge @!p0 [sflag:s8], $0x0  }
0x24: {  	s3 =	sadd.s32 $0x88, s3;
	s6 =	simm.s32 @!p1 $0x1082;
	[sflag:s4] =	ssyncset.s32 $0xFFFFF086  }
0x25: {  	[simem:s6], [sflag:s4] =	dma.local [hbm:s3], $0xF7A  }
0x26: {  	[smem:$0x3F8E] =	sst s1;
	(tag) =	ssettag s2;
	_ =	strace s9  }
0x27: {  	s1 =	sld [smem:$0x3F9E]  }
0x28: {  	s2 =	sld [smem:$0x3F9F]  }
0x29: {  	s4 =	sld [smem:$0x3FA1]  }
0x2a: {  	p0 =	seq.s32 s5, $0x0;
	s5 =	sld [smem:$0x3FA2]  }
0x2b: {  	s6 =	sld [smem:$0x3FA3]  }
0x2c: {  	s7 =	sld [smem:$0x3FA4]  }
0x2d: {  	s3 =	simm.s32 $0x108;
	s8 =	sld [smem:$0x3FA5]  }
0x2e: {  	s3 =	simm.s32 @!p0 $0x1082;
	s9 =	sld [smem:$0x3FA6]  }
0x2f: {  	lr =	sadd.s32 s0, s3;
	s0 =	sld [smem:$0x3F9D]  }
0x30: {  	s3 =	sld [smem:$0x3FA0]  }
0x31: {  	[smem:$0x3FA9] =	sst s10  }
0x32: {  	s10 =	sld [smem:$0x3FA7];
	_ =	sdelay $0x3  }
0x33: {  	p0 =	seq.s32 s10, $0x1;
	s10 =	sld [smem:$0x3FA9];
	_ =	sdelay $0x3  }
0x34: {  	[smem:$0x3FA9] =	sst s10  }
0x35: {  	s10 =	sld [smem:$0x3FA8];
	_ =	sdelay $0x3  }
0x36: {  	p1 =	seq.s32 s10, $0x1;
	s10 =	sld [smem:$0x3FA9];
	_ =	sdelay $0x3  }
0x37: {  	[smem:$0x3FA9] =	sst s10  }
0x38: {  	s10 =	sld [smem:$0x3FAA]  }
0x39: {  	_ = 	snop;
	(pc) =	sbr.ind lr, $3  }
0x3a: {  	_ = 	snop  }
0x3b: {  	_ = 	snop  }
0x3c: {  	p2 =	seq.s32 s10, $0x1;
	s10 =	sld [smem:$0x3FA9]  }
0x3d: {  	_ =	shalt  }
0x3e: {  	_ =	shalt  }
0x3f: {  	_ =	shalt  }
0x40: {  	_ =	shalt  }
0x41: {  	_ =	shalt  }
0x42: {  	_ =	shalt  }
0x43: {  	_ =	shalt  }
0x44: {  	_ =	shalt  }
0x45: {  	_ =	shalt  }
0x46: {  	_ =	shalt  }
0x47: {  	_ =	shalt  }
0x48: {  	_ =	shalt  }
0x49: {  	_ =	shalt  }
0x4a: {  	_ =	shalt  }
0x4b: {  	_ =	shalt  }
0x4c: {  	_ =	shalt  }
0x4d: {  	_ =	shalt  }
0x4e: {  	_ =	shalt  }
0x4f: {  	_ =	shalt  }
0x50: {  	_ =	shalt  }
0x51: {  	_ =	shalt  }
0x52: {  	_ =	shalt  }
0x53: {  	_ =	shalt  }
0x54: {  	_ =	shalt  }
0x55: {  	_ =	shalt  }
0x56: {  	_ =	shalt  }
0x57: {  	_ =	shalt  }
0x58: {  	_ =	shalt  }
0x59: {  	_ =	shalt  }
0x5a: {  	_ =	shalt  }
0x5b: {  	_ =	shalt  }
0x5c: {  	_ =	shalt  }
0x5d: {  	_ =	shalt  }
0x5e: {  	_ =	shalt  }
0x5f: {  	_ =	shalt  }
0x60: {  	_ =	shalt  }
0x61: {  	_ =	shalt  }
0x62: {  	_ =	shalt  }
0x63: {  	_ =	shalt  }
0x64: {  	_ =	shalt  }
0x65: {  	_ =	shalt  }
0x66: {  	_ =	shalt  }
0x67: {  	_ =	shalt  }
0x68: {  	_ =	shalt  }
0x69: {  	_ =	shalt  }
0x6a: {  	_ =	shalt  }
0x6b: {  	_ =	shalt  }
0x6c: {  	_ =	shalt  }
0x6d: {  	_ =	shalt  }
0x6e: {  	_ =	shalt  }
0x6f: {  	_ =	shalt  }
0x70: {  	_ =	shalt  }
0x71: {  	_ =	shalt  }
0x72: {  	_ =	shalt  }
0x73: {  	_ =	shalt  }
0x74: {  	_ =	shalt  }
0x75: {  	_ =	shalt  }
0x76: {  	_ =	shalt  }
0x77: {  	_ =	shalt  }
0x78: {  	_ =	shalt  }
0x79: {  	_ =	shalt  }
0x7a: {  	_ =	shalt  }
0x7b: {  	_ =	shalt  }
0x7c: {  	_ =	shalt  }
0x7d: {  	_ =	shalt  }
0x7e: {  	_ =	shalt  }
0x7f: {  	_ =	shalt  }
0x80: {  	_ =	shalt  }
0x81: {  	_ =	shalt  }
0x82: {  	_ =	shalt  }
0x83: {  	_ =	shalt  }
0x84: {  	_ =	shalt  }
0x85: {  	_ =	shalt  }
0x86: {  	_ =	shalt  }
0x87: {  	_ =	shalt  }
.Lfunc_end0:
.L_simem_size_0:
called_computation.2_lowered:
.L_overlay_start_0:
0x88: {  	s2 =	sld [smem:$0x3FD9]  }
0x89: {  	s3 =	sld [smem:$0x3FFE];
	_ =	sdelay $0x1  }
0x8a: {  	s1 =	srdreg.scid  }
0x8b: {  	s0 =	sand.u32 $0x1, s1  }
0x8c: {  	s16 =	sshll.u32 s0, $0xA;
	s2 =	sadd.s32 s3, s2  }
0x8d: {  	s2 =	sadd.s32 s2, s16  }
0x8e: {  	[smem:$0x3FB5] =	sst s2  }
0x8f: {  	_ = 	snop  }
0x90: {  	(tm) =	ssettm $0x1  }
0x91: {  	s17 =	sld [smem:$0x3FFB];
	_ =	sdelay $0x3  }
0x92: {  	_ =	strace s17  }
0x93: {  	s2 =	sld [smem:$0x3FFC];
	_ =	sdelay $0x3  }
0x94: {  	_ =	strace s2  }
0x95: {  	s2 =	sld [smem:$0x3FFD];
	_ =	sdelay $0x3  }
0x96: {  	_ =	strace s2  }
0x97: {  	_ =	strace $0x8FFFFFFF  }
0x98: {  	s18 =	sld [smem:$0x3FDB];
	_ =	sdelay $0x1  }
0x99: {  	s19 =	simm.s32 $_scs_section_size  }
0x9a: {  	s4 =	simm.s32 $_size__tile_overlayer_lowered;
	s5 =	simm.s32 $_tile_overlayer_lowered  }
0x9b: {  	s22 =	simm.s32 $0x1BFF;
	s21 =	sshll.u32 s5, $0x1;
	s2 =	sadd.s32 s19, s18  }
0x9c: {  	s6 =	simm.s32 $0x0;
	s20 =	sshll.u32 s4, $0x1;
	s4 =	sadd.s32 s21, s2  }
0x9d: {  	[timem:s6], [sflag:s22] =	dma.local [hbm:s4], s20  }
0x9e: {  	_ =	swait.ge [sflag:s22], s20  }
0x9f: {  	s3 =	ssub.s32 $0x0, s20;
	[sflag:s22] =	ssyncset.done $0x0  }
0xa0: {  	[sflag:s22] =	ssyncadd.s32 s3;
	_ =	sdelay $0x1  }
0xa1: {  	s23 =	simm.s32 $0x1B8B  }
0xa2: {  	_ =	swait.ge [sflag:s23], $0x1  }
0xa3: {  	[sflag:s23] =	ssyncset.done $0x0  }
0xa4: {  	s25 =	simm.s32 $0x1B8E;
	s24 =	sld [smem:$0x3FFE];
	[sflag:s23] =	ssyncadd.s32 $0xFFFFFFFF  }
0xa5: {  	s26 =	simm.s32 $execute0_lowered;
	[smem:$0x3FD2] =	sst s25  }
0xa6: {  	s4 =	sshll.u32 s26, $0x1;
	_ =	strace $0x8000004C;
	[dreg:$0x1] =	wrdreg $0xFFFFFFFF  }
0xa7: {  	s28 =	simm.s32 $_size_execute0_lowered;
	s2 =	sadd.s32 s2, s4;
	[dreg:$0x0] =	wrdreg $0x0  }
0xa8: {  	s4 =	sshll.u32 s28, $0x1;
	[dreg:$0x2] =	wrdreg s2  }
0xa9: {  	[dreg:$0x3] =	wrdreg s4  }
0xaa: {  	[dreg:$0x4] =	wrdreg $0xC0  }
0xab: {  	_ =	task [dreg:s6], $0x5FFFF  }
0xac: {  	[dreg:$0x1] =	wrdreg $0xFFFFFFFF  }
0xad: {  	[dreg:$0x0] =	wrdreg $0x60  }
0xae: {  	[dreg:$0x2] =	wrdreg s24  }
0xaf: {  	[dreg:$0x3] =	wrdreg $0x90000  }
0xb0: {  	[dreg:$0x4] =	wrdreg $0x12E000  }
0xb1: {  	[dreg:$0x5] =	wrdreg $0x9  }
0xb2: {  	_ =	task.clear_ibuf [dreg:s6], $0x6FFFF;
	_ =	strace $0x9000004C  }
0xb3: {  	s29 =	simm.s32 $0x9;
	_ =	strace $0x8000004E  }
0xb4: {  	_ =	swait.ge [sflag:s29], $0x1  }
0xb5: {  	[sflag:s29] =	ssyncadd.s32 $0xFFFFFFFF  }
0xb6: {  	_ =	strace $0x9000004E  }
0xb7: {  	_ =	sfence  }
0xb8: {  	s30 =	sld [smem:$0x0];
	_ =	sdelay $0x2  }
0xb9: {  	s31 =	sshll.u32 s1, $0xD;
	s1 =	sshrl.u32 s1, $0x2  }
0xba: {  	s3 =	sand.u32 $0x4000, s31;
	s1 =	sadd.s32 s1, s30  }
0xbb: {  	s0 =	sor.u32 s3, s0;
	s1 =	sshll.u32 s1, $0x11  }
0xbc: {  	s0 =	sor.u32 s1, s0  }
0xbd: {  	s0 =	sadd.s32 $0x8F2B, s0  }
0xbe: {  	[sflag:s0] =	ssyncadd.remote.s32 $0x1  }
0xbf: {  	_ =	sfence.sel $0xFFFF  }
0xc0: {  	[dreg:$0x0] =	wrdreg $0xFFFFFFFF;
	(pc) =	sbr.abs _section_cstart, $3  }
0xc1: {  	[dreg:$0x1] =	wrdreg $0xFFFFFFFF  }
0xc2: {  	_ =	task.clear_ibuf [dreg:s6], $0x2FFFF;
	_ =	strace $0x9FFFFFFF  }
0xc3: {  	(tm) =	ssettm $0x7FFFFFFF  }
tec
execute0_lowered:
.L_overlay_start_1:
0x0: {  	(tag) =	ssettag $0x1  }
0x1: {  	s6 =	rddreg [dreg:$0x0]  }
0x2: {  	s2 =	rddreg [dreg:$0x1]  }
0x3: {  	s0 =	srdreg.scid;
	s3 =	rddreg [dreg:$0x2]  }
0x4: {  	s4 =	simm.s32 $0x0;
	s12 =	simm.s32 $0x2800;
	s16 =	simm.s32 $0x80  }
0x5: {  	s17 =	simm.s32 $0x5000;
	s18 =	simm.s32 $0x7000;
	s19 =	simm.s32 $0x1  }
0x6: {  	s20 =	simm.s32 $0x2;
	s21 =	simm.s32 $0x4F00;
	s22 =	simm.s32 $0x4F80  }
0x7: {  	s23 =	simm.s32 $0x0;
	s5 =	sand.u32 $0x1, s0;
	s0 =	stileid.u32  }
0x8: {  	[smem:$0x7FF] =	sst s4;
	s1 =	sshll.u32 s5, $0x4;
	s8 =	smul.u32 $0x9E00, s0  }
0x9: {  	s9 =	smul.u32 $0x9E000, s5;
	s5 =	ssub.s32 $0x2, s5;
	s13 =	sshll.u32 s0, $0x6  }
0xa: {  	s1 =	sor.u32 s0, s1;
	s11 =	sshrl.u32 s5, $0x1;
	s13 =	sor.u32 $0x1C03, s13  }
0xb: {  	s7 =	smul.u32 $0x500, s1;
	s1 =	rddreg [dreg:$0x3];
	_ =	strace $0x8000004D  }
0xc: {  	s10 =	sshrl.u32 s8, $0x3;
	s9 =	sadd.s32 s8, s9;
	s11 =	ssub.s32 s5, s11  }
0xd: {  	s14 =	sadd.s32 s8, s2;
	s15 =	sadd.s32 s8, s3;
	s10 =	sadd.s32 s10, s6  }
0xe: {  	s9 =	sshrl.u32 s9, $0x3;
	s14 =	sshrl.u32 s14, $0x3;
	s15 =	sshrl.u32 s15, $0x3  }
0xf: {  	s7 =	sadd.s32 s7, s6;
	s9 =	sadd.s32 s9, s6;
	s8 =	sadd.s32 $0x2BE00, s10  }
0x10: {  	s5 =	sadd.s32 $0x21E00, s7;
	s6 =	sadd.s32 $0x17E00, s7;
	s7 =	sadd.s32 $0x4200, s10  }
0x11: {  	s9 =	sadd.s32 $0xB5600, s9;
	s10 =	smax.u32 s11, $0x1;
	s11 =	simm.s32 $0x3  }
.LBB2_1:
0x12: {  	[tilespmem:s4], [sflag:$0x3] =	stream.linear.gather [hbm4b:s5+s4], $0x2800, $0x38;
	[tilespmem:$0x1CC00] =	vst v63  }
0x13: {  	_ =	swait.ge [sflag:s11], $0x2800  }
0x14: {  	[sflag:s11] =	ssyncset.done $0x0  }
0x15: {  	[sflag:s11] =	ssyncadd.s32 $0xFFFFD800  }
0x16: {  	[tilespmem:s12], [sflag:$0x3] =	stream.linear.gather [hbm4b:s6+s4], $0x2800, $0x38;
	[tilespmem:$0x1CC00] =	vst v63  }
0x17: {  	_ =	swait.ge [sflag:s11], $0x2800  }
0x18: {  	[sflag:s11] =	ssyncset.done $0x0  }
0x19: {  	[sflag:s11] =	ssyncadd.s32 $0xFFFFD800  }
0x1a: {  	[spmem:s14], [sflag:s13] =	dma.local [hbm:s7], $0x13C0  }
0x1b: {  	_ =	swait.ge [sflag:s11], $0x13C0  }
0x1c: {  	[sflag:s11] =	ssyncset.done $0x0  }
0x1d: {  	[sflag:s11] =	ssyncadd.s32 $0xFFFFEC40  }
0x1e: {  	[spmem:s15], [sflag:s13] =	dma.local [hbm:s8], $0x13C0  }
0x1f: {  	_ =	swait.ge [sflag:s11], $0x13C0  }
0x20: {  	[sflag:s11] =	ssyncset.done $0x0  }
0x21: {  	[sflag:s11] =	ssyncadd.s32 $0xFFFFEC40  }
0x22: {  	[bflag:$0x0] =	sbarrier.arrive $0xFFFF  }
0x23: {  	[tilespmem:s17], [sflag:$0x1] =	stream.indirect.gather [spmem:s2], $0x40, s4, s16, $0xb8;
	[tilespmem:$0x1CC00] =	vst v63  }
0x24: {  	_ = 	snop  }
0x25: {  	[tilespmem:s18], [sflag:$0x2] =	stream.indirect.gather [spmem:s2], $0x40, s16, s16, $0xb8;
	[tilespmem:$0x1CC00] =	vst v63  }
0x26: {  	_ =	swait.ge [sflag:s19], $0x2000  }
0x27: {  	[sflag:s19] =	ssyncset.done $0x0  }
0x28: {  	s24 =	simm.s32 $0x2800;
	[sflag:s19] =	ssyncadd.s32 $0xFFFFE000  }
0x29: {  	[spmem:s3] =	stream.indirect.scatter.add.f32 [tilespmem:s17], [sflag:$0x3], $0x40, s24, s16, $0xb8;
	[tilespmem:$0x1CC00] =	vst v63  }
0x2a: {  	_ =	swait.ge [sflag:s11], $0x2000  }
0x2b: {  	[sflag:s11] =	ssyncset.done $0x0  }
0x2c: {  	s30 =	simm.s32 $0x100;
	[sflag:s11] =	ssyncadd.s32 $0xFFFFE000  }
0x2d: {  	[tilespmem:s17], [sflag:$0x1] =	stream.indirect.gather [spmem:s2], $0x40, s30, s16, $0xb8;
	[tilespmem:$0x1CC00] =	vst v63  }
0x2e: {  	_ =	swait.ge [sflag:s20], $0x2000  }
0x2f: {  	[sflag:s20] =	ssyncset.done $0x0  }
0x30: {  	s31 =	simm.s32 $0x2880;
	[sflag:s20] =	ssyncadd.s32 $0xFFFFE000  }
0x31: {  	[spmem:s3] =	stream.indirect.scatter.add.f32 [tilespmem:s18], [sflag:$0x3], $0x40, s31, s16, $0xb8;
	[tilespmem:$0x1CC00] =	vst v63  }
0x32: {  	_ =	swait.ge [sflag:s11], $0x2000  }
0x33: {  	[sflag:s11] =	ssyncset.done $0x0  }
0x34: {  	s25 =	simm.s32 $0x180;
	s24 =	simm.s32 $0x400;
	[sflag:s11] =	ssyncadd.s32 $0xFFFFE000  }
.LBB2_2:
0x35: {  	[tilespmem:s18], [sflag:$0x2] =	stream.indirect.gather [spmem:s2], $0x40, s25, s16, $0xb8;
	[tilespmem:$0x1CC00] =	vst v63  }
0x36: {  	s25 =	smov.u32 s24  }
0x37: {  	p0 =	sne.s32 s24, $0x9800;
	s24 =	sadd.s32 $0x400, s24;
	_ =	swait.ge [sflag:s19], $0x2000  }
0x38: {  	s25 =	sshra.s32 s25, $0x2;
	[sflag:s19] =	ssyncset.done $0x0  }
0x39: {  	s26 =	sadd.s32 $0x2800, s25;
	[sflag:s19] =	ssyncadd.s32 $0xFFFFE000  }
0x3a: {  	[spmem:s3] =	stream.indirect.scatter.add.f32 [tilespmem:s17], [sflag:$0x3], $0x40, s26, s16, $0xb8;
	[tilespmem:$0x1CC00] =	vst v63  }
0x3b: {  	_ =	swait.ge [sflag:s11], $0x2000  }
0x3c: {  	[sflag:s11] =	ssyncset.done $0x0  }
0x3d: {  	s26 =	sadd.s32 $0x100, s25;
	[sflag:s11] =	ssyncadd.s32 $0xFFFFE000  }
0x3e: {  	[tilespmem:s17], [sflag:$0x1] =	stream.indirect.gather [spmem:s2], $0x40, s26, s16, $0xb8;
	[tilespmem:$0x1CC00] =	vst v63  }
0x3f: {  	_ =	swait.ge [sflag:s20], $0x2000  }
0x40: {  	[sflag:s20] =	ssyncset.done $0x0  }
.Ltmp0:
0x41: {  	s26 =	sadd.s32 $0x2880, s25;
	[sflag:s20] =	ssyncadd.s32 $0xFFFFE000;
	(pc) =	sbr.rel @p0 .LBB2_2-.Ltmp0, $4  }
0x42: {  	[spmem:s3] =	stream.indirect.scatter.add.f32 [tilespmem:s18], [sflag:$0x3], $0x40, s26, s16, $0xb8;
	[tilespmem:$0x1CC00] =	vst v63  }
0x43: {  	_ =	swait.ge [sflag:s11], $0x2000  }
0x44: {  	[sflag:s11] =	ssyncset.done $0x0  }
0x45: {  	s25 =	sadd.s32 $0x180, s25;
	[sflag:s11] =	ssyncadd.s32 $0xFFFFE000  }
0x46: {  	[tilespmem:s18], [sflag:$0x2] =	stream.indirect.gather [spmem:s2], $0x40, s25, s16, $0xb8;
	[tilespmem:$0x1CC00] =	vst v63  }
0x47: {  	_ =	swait.ge [sflag:s19], $0x2000  }
0x48: {  	[sflag:s19] =	ssyncset.done $0x0  }
0x49: {  	[sflag:s19] =	ssyncadd.s32 $0xFFFFE000  }
0x4a: {  	[spmem:s3] =	stream.indirect.scatter.add.f32 [tilespmem:s17], [sflag:$0x3], $0x40, s21, s16, $0xb8;
	[tilespmem:$0x1CC00] =	vst v63  }
0x4b: {  	_ =	swait.ge [sflag:s11], $0x2000  }
0x4c: {  	[sflag:s11] =	ssyncset.done $0x0  }
0x4d: {  	[sflag:s11] =	ssyncadd.s32 $0xFFFFE000  }
0x4e: {  	_ =	swait.ge [sflag:s20], $0x2000  }
0x4f: {  	[sflag:s20] =	ssyncset.done $0x0  }
0x50: {  	[sflag:s20] =	ssyncadd.s32 $0xFFFFE000  }
0x51: {  	[spmem:s3] =	stream.indirect.scatter.add.f32 [tilespmem:s18], [sflag:$0x3], $0x40, s22, s16, $0xb8;
	[tilespmem:$0x1CC00] =	vst v63  }
0x52: {  	_ =	swait.ge [sflag:s11], $0x2000  }
0x53: {  	s23 =	sadd.s32 $0x1, s23;
	[sflag:s11] =	ssyncset.done $0x0  }
0x54: {  	p0 =	sne.s32 s23, s10;
	[sflag:s11] =	ssyncadd.s32 $0xFFFFE000  }
.Ltmp1:
0x55: {  	[bflag:$0x0] =	sbarrier.arrive $0xFFFF;
	(pc) =	sbr.rel @p0 .LBB2_1-.Ltmp1, $4  }
0x56: {  	[hbm:s9], [sflag:s13] =	dma.local [spmem:s15], $0x13C0  }
0x57: {  	_ =	swait.ge [sflag:s11], $0x13C0  }
0x58: {  	[sflag:s11] =	ssyncset.done $0x0  }
0x59: {  	[sflag:s11] =	ssyncadd.s32 $0xFFFFEC40  }
0x5a: {  	_ =	sfence.sel $0x180000  }
0x5b: {  	[bflag:$0x0] =	sbarrier.arrive $0xFFFF  }
0x5c: {  	p0 =	sne.s32 s0, $0x0;
	_ =	strace $0x9000004D  }
0x5d: {  	s0 =	sadd.s32 @!p0 $0x100000, s1;
	[bflag:$0x2] =	sbarrier.arrive $0xFFFF  }
0x5e: {  	[sflag:s0] =	ssyncadd.tile.s32 @!p0 $0x1;
	_ =	shalt  }
.Lfunc_end2:
_tile_overlayer_lowered:
.L_overlay_start_2:
0x5f: {  	(tag) =	ssettag $0x2  }
0x60: {  	s0 =	rddreg [dreg:$0x0];
	s2 =	stileid.u32  }
0x61: {  	s1 =	rddreg [dreg:$0x1];
	p0 =	sne.s32 s2, $0x0  }
0x62: {  	s3 =	rddreg [dreg:$0x2];
	[bflag:$0x3] =	sbarrier.arrive $0xFFFF;
	s2 =	simm.s32 @!p0 $0x1C03  }
0x63: {  	[timem:s3], [sflag:s2] =	dma.local @!p0 [hbm:s0], s1  }
0x64: {  	s0 =	simm.s32 @!p0 $0x3  }
0x65: {  	_ =	swait.ge @!p0 [sflag:s0], s1  }
0x66: {  	s1 =	ssub.s32 @!p0 $0x0, s1;
	[sflag:s0] =	ssyncset.done @!p0 $0x0  }
0x67: {  	[sflag:s0] =	ssyncadd.s32 @!p0 s1  }
0x68: {  	[bflag:$0x3] =	sbarrier.arrive $0xFFFF  }
0x69: {  	_ =	shalt  }

// kernel: kernel.19.cloned.1.call-start
scs
__scs_entry_jumppad:
0x0: {  	(pc) =	sbr.rel $0x88, $3  }
0x1: {  	(tag) =	ssettag $0x0;
	lr =	simm.s32 $0x1  }
0x2: {  	[smem:$0x3F8E] =	sst lr;
	_ =	strace $0xD0000000  }
0x3: {  	_ = 	snop  }
0x4: {  	_ = 	snop  }
0x5: {  	_ = 	snop  }
0x6: {  	_ = 	snop  }
0x7: {  	_ = 	snop  }
__scs_overlays_trampoline_lowered:
0x8: {  	[smem:$0x3F9D] =	sst s0  }
0x9: {  	[smem:$0x3F9E] =	sst s1  }
0xa: {  	[smem:$0x3F9F] =	sst s2  }
0xb: {  	[smem:$0x3FA0] =	sst s3  }
0xc: {  	[smem:$0x3FA1] =	sst s4  }
0xd: {  	[smem:$0x3FA2] =	sst s5  }
0xe: {  	[smem:$0x3FA3] =	sst s6  }
0xf: {  	[smem:$0x3FA4] =	sst s7  }
0x10: {  	[smem:$0x3FA5] =	sst s8  }
0x11: {  	[smem:$0x3FA6] =	sst s9;
	s0 =	simm.s32 @!p0 $0x0  }
0x12: {  	s1 =	sld [smem:$0x3F8C];
	s0 =	simm.s32 @p0 $0x1  }
0x13: {  	[smem:$0x3FA7] =	sst s0;
	s0 =	simm.s32 @!p1 $0x0  }
0x14: {  	s2 =	sld [smem:$0x3F8B];
	s0 =	simm.s32 @p1 $0x1  }
0x15: {  	[smem:$0x3FA8] =	sst s0;
	s0 =	simm.s32 @!p2 $0x0  }
0x16: {  	s3 =	sld [smem:$0x3FDB];
	s0 =	simm.s32 @p2 $0x1  }
0x17: {  	s4 =	simm.s32 $0x1BF5;
	[smem:$0x3FAA] =	sst s0  }
0x18: {  	s0 =	sld [smem:$0x3F8D];
	_ =	swait.ge [sflag:s4], $0x0  }
0x19: {  	s7 =	sld [smem:$0x3F8E]  }
0x1a: {  	s8 =	sadd.s32 $0xFFFFE003, lr  }
0x1b: {  	s9 =	sadd.s32 $0xFFFFFEF7, lr;
	s5 =	simm.s32 $0xFFFFFFFF;
	p2 =	slt.u32 s8, $0xFFFFF086  }
0x1c: {  	p1 =	slt.u32 s9, $0xF7A;
	s5 =	simm.s32 @!p2 $0x0  }
0x1d: {  	s5 =	simm.s32 @p1 $0x1;
	p0 =	seq.s32 s7, s2  }
0x1e: {  	s7 =	smul.u32 @!p0 $0xF7A, s2;
	p2 =	seq.s32 @!p0 s5, $0x0  }
0x1f: {  	s9 =	smul.u32 $0xF7A, s1;
	s8 =	simm.s32 @!p0 $0x1BF5;
	p2 =	por !p2, p0  }
0x20: {  	[sflag:s8] =	ssyncset.s32 @!p0 $0xFFFFF086;
	s6 =	sadd.s32 @!p0 s3, s7;
	s7 =	simm.s32 @!p0 $0x108  }
0x21: {  	s3 =	sadd.s32 s3, s9;
	s6 =	sadd.s32 @!p0 $0x88, s6;
	s7 =	simm.s32 @p2 $0x1082  }
0x22: {  	[simem:s7], [sflag:s8] =	dma.local @!p0 [hbm:s6], $0xF7A  }
0x23: {  	s9 =	sor.u32 $0xD0000000, s2;
	s6 =	simm.s32 $0x108;
	_ =	swait.ge @!p0 [sflag:s8], $0x0  }
0x24: {  	s3 =	sadd.s32 $0x88, s3;
	s6 =	simm.s32 @!p1 $0x1082;
	[sflag:s4] =	ssyncset.s32 $0xFFFFF086  }
0x25: {  	[simem:s6], [sflag:s4] =	dma.local [hbm:s3], $0xF7A  }
0x26: {  	[smem:$0x3F8E] =	sst s1;
	(tag) =	ssettag s2;
	_ =	strace s9  }
0x27: {  	s1 =	sld [smem:$0x3F9E]  }
0x28: {  	s2 =	sld [smem:$0x3F9F]  }
0x29: {  	s4 =	sld [smem:$0x3FA1]  }
0x2a: {  	p0 =	seq.s32 s5, $0x0;
	s5 =	sld [smem:$0x3FA2]  }
0x2b: {  	s6 =	sld [smem:$0x3FA3]  }
0x2c: {  	s7 =	sld [smem:$0x3FA4]  }
0x2d: {  	s3 =	simm.s32 $0x108;
	s8 =	sld [smem:$0x3FA5]  }
0x2e: {  	s3 =	simm.s32 @!p0 $0x1082;
	s9 =	sld [smem:$0x3FA6]  }
0x2f: {  	lr =	sadd.s32 s0, s3;
	s0 =	sld [smem:$0x3F9D]  }
0x30: {  	s3 =	sld [smem:$0x3FA0]  }
0x31: {  	[smem:$0x3FA9] =	sst s10  }
0x32: {  	s10 =	sld [smem:$0x3FA7];
	_ =	sdelay $0x3  }
0x33: {  	p0 =	seq.s32 s10, $0x1;
	s10 =	sld [smem:$0x3FA9];
	_ =	sdelay $0x3  }
0x34: {  	[smem:$0x3FA9] =	sst s10  }
0x35: {  	s10 =	sld [smem:$0x3FA8];
	_ =	sdelay $0x3  }
0x36: {  	p1 =	seq.s32 s10, $0x1;
	s10 =	sld [smem:$0x3FA9];
	_ =	sdelay $0x3  }
0x37: {  	[smem:$0x3FA9] =	sst s10  }
0x38: {  	s10 =	sld [smem:$0x3FAA]  }
0x39: {  	_ = 	snop;
	(pc) =	sbr.ind lr, $3  }
0x3a: {  	_ = 	snop  }
0x3b: {  	_ = 	snop  }
0x3c: {  	p2 =	seq.s32 s10, $0x1;
	s10 =	sld [smem:$0x3FA9]  }
0x3d: {  	_ =	shalt  }
0x3e: {  	_ =	shalt  }
0x3f: {  	_ =	shalt  }
0x40: {  	_ =	shalt  }
0x41: {  	_ =	shalt  }
0x42: {  	_ =	shalt  }
0x43: {  	_ =	shalt  }
0x44: {  	_ =	shalt  }
0x45: {  	_ =	shalt  }
0x46: {  	_ =	shalt  }
0x47: {  	_ =	shalt  }
0x48: {  	_ =	shalt  }
0x49: {  	_ =	shalt  }
0x4a: {  	_ =	shalt  }
0x4b: {  	_ =	shalt  }
0x4c: {  	_ =	shalt  }
0x4d: {  	_ =	shalt  }
0x4e: {  	_ =	shalt  }
0x4f: {  	_ =	shalt  }
0x50: {  	_ =	shalt  }
0x51: {  	_ =	shalt  }
0x52: {  	_ =	shalt  }
0x53: {  	_ =	shalt  }
0x54: {  	_ =	shalt  }
0x55: {  	_ =	shalt  }
0x56: {  	_ =	shalt  }
0x57: {  	_ =	shalt  }
0x58: {  	_ =	shalt  }
0x59: {  	_ =	shalt  }
0x5a: {  	_ =	shalt  }
0x5b: {  	_ =	shalt  }
0x5c: {  	_ =	shalt  }
0x5d: {  	_ =	shalt  }
0x5e: {  	_ =	shalt  }
0x5f: {  	_ =	shalt  }
0x60: {  	_ =	shalt  }
0x61: {  	_ =	shalt  }
0x62: {  	_ =	shalt  }
0x63: {  	_ =	shalt  }
0x64: {  	_ =	shalt  }
0x65: {  	_ =	shalt  }
0x66: {  	_ =	shalt  }
0x67: {  	_ =	shalt  }
0x68: {  	_ =	shalt  }
0x69: {  	_ =	shalt  }
0x6a: {  	_ =	shalt  }
0x6b: {  	_ =	shalt  }
0x6c: {  	_ =	shalt  }
0x6d: {  	_ =	shalt  }
0x6e: {  	_ =	shalt  }
0x6f: {  	_ =	shalt  }
0x70: {  	_ =	shalt  }
0x71: {  	_ =	shalt  }
0x72: {  	_ =	shalt  }
0x73: {  	_ =	shalt  }
0x74: {  	_ =	shalt  }
0x75: {  	_ =	shalt  }
0x76: {  	_ =	shalt  }
0x77: {  	_ =	shalt  }
0x78: {  	_ =	shalt  }
0x79: {  	_ =	shalt  }
0x7a: {  	_ =	shalt  }
0x7b: {  	_ =	shalt  }
0x7c: {  	_ =	shalt  }
0x7d: {  	_ =	shalt  }
0x7e: {  	_ =	shalt  }
0x7f: {  	_ =	shalt  }
0x80: {  	_ =	shalt  }
0x81: {  	_ =	shalt  }
0x82: {  	_ =	shalt  }
0x83: {  	_ =	shalt  }
0x84: {  	_ =	shalt  }
0x85: {  	_ =	shalt  }
0x86: {  	_ =	shalt  }
0x87: {  	_ =	shalt  }
.Lfunc_end0:
.L_simem_size_0:
called_computation.3_lowered:
.L_overlay_start_0:
0x88: {  	s2 =	sld [smem:$0x3FD9]  }
0x89: {  	s3 =	sld [smem:$0x3FFE];
	_ =	sdelay $0x1  }
0x8a: {  	s1 =	srdreg.scid  }
0x8b: {  	s0 =	sand.u32 $0x1, s1  }
0x8c: {  	s16 =	sshll.u32 s0, $0xA;
	s2 =	sadd.s32 s3, s2  }
0x8d: {  	s2 =	sadd.s32 s2, s16  }
0x8e: {  	[smem:$0x3FB5] =	sst s2  }
0x8f: {  	_ = 	snop  }
0x90: {  	(tm) =	ssettm $0x1  }
0x91: {  	s17 =	sld [smem:$0x3FFB];
	_ =	sdelay $0x3  }
0x92: {  	_ =	strace s17  }
0x93: {  	s2 =	sld [smem:$0x3FFC];
	_ =	sdelay $0x3  }
0x94: {  	_ =	strace s2  }
0x95: {  	s2 =	sld [smem:$0x3FFD];
	_ =	sdelay $0x3  }
0x96: {  	_ =	strace s2  }
0x97: {  	_ =	strace $0x8FFFFFFF  }
0x98: {  	s18 =	sld [smem:$0x3FDB];
	_ =	sdelay $0x1  }
0x99: {  	s19 =	simm.s32 $_scs_section_size  }
0x9a: {  	s4 =	simm.s32 $_size__tile_overlayer_lowered;
	s5 =	simm.s32 $_tile_overlayer_lowered  }
0x9b: {  	s22 =	simm.s32 $0x1BFF;
	s21 =	sshll.u32 s5, $0x1;
	s2 =	sadd.s32 s19, s18  }
0x9c: {  	s6 =	simm.s32 $0x0;
	s20 =	sshll.u32 s4, $0x1;
	s4 =	sadd.s32 s21, s2  }
0x9d: {  	[timem:s6], [sflag:s22] =	dma.local [hbm:s4], s20  }
0x9e: {  	_ =	swait.ge [sflag:s22], s20  }
0x9f: {  	s3 =	ssub.s32 $0x0, s20;
	[sflag:s22] =	ssyncset.done $0x0  }
0xa0: {  	[sflag:s22] =	ssyncadd.s32 s3;
	_ =	sdelay $0x1  }
0xa1: {  	s23 =	simm.s32 $0x1B8B  }
0xa2: {  	_ =	swait.ge [sflag:s23], $0x1  }
0xa3: {  	[sflag:s23] =	ssyncset.done $0x0  }
0xa4: {  	s25 =	simm.s32 $0x1B8E;
	s24 =	sld [smem:$0x3FFE];
	[sflag:s23] =	ssyncadd.s32 $0xFFFFFFFF  }
0xa5: {  	s26 =	simm.s32 $execute0_lowered;
	[smem:$0x3FD2] =	sst s25  }
0xa6: {  	s4 =	sshll.u32 s26, $0x1;
	_ =	strace $0x8000004F;
	[dreg:$0x1] =	wrdreg $0xFFFFFFFF  }
0xa7: {  	s28 =	simm.s32 $_size_execute0_lowered;
	s2 =	sadd.s32 s2, s4;
	[dreg:$0x0] =	wrdreg $0x0  }
0xa8: {  	s4 =	sshll.u32 s28, $0x1;
	[dreg:$0x2] =	wrdreg s2  }
0xa9: {  	[dreg:$0x3] =	wrdreg s4  }
0xaa: {  	[dreg:$0x4] =	wrdreg $0xC0  }
0xab: {  	_ =	task [dreg:s6], $0x5FFFF  }
0xac: {  	[dreg:$0x1] =	wrdreg $0xFFFFFFFF  }
0xad: {  	[dreg:$0x0] =	wrdreg $0x60  }
0xae: {  	[dreg:$0x2] =	wrdreg s24  }
0xaf: {  	[dreg:$0x3] =	wrdreg $0x90000  }
0xb0: {  	[dreg:$0x4] =	wrdreg $0x12E000  }
0xb1: {  	[dreg:$0x5] =	wrdreg $0x9  }
0xb2: {  	_ =	task.clear_ibuf [dreg:s6], $0x6FFFF;
	_ =	strace $0x9000004F  }
0xb3: {  	s29 =	simm.s32 $0x9;
	_ =	strace $0x80000051  }
0xb4: {  	_ =	swait.ge [sflag:s29], $0x1  }
0xb5: {  	[sflag:s29] =	ssyncadd.s32 $0xFFFFFFFF  }
0xb6: {  	_ =	strace $0x90000051  }
0xb7: {  	_ =	sfence  }
0xb8: {  	s30 =	sld [smem:$0x0];
	_ =	sdelay $0x2  }
0xb9: {  	s31 =	sshll.u32 s1, $0xD;
	s1 =	sshrl.u32 s1, $0x2  }
0xba: {  	s3 =	sand.u32 $0x4000, s31;
	s1 =	sadd.s32 s1, s30  }
0xbb: {  	s0 =	sor.u32 s3, s0;
	s1 =	sshll.u32 s1, $0x11  }
0xbc: {  	s0 =	sor.u32 s1, s0  }
0xbd: {  	s0 =	sadd.s32 $0x8F2B, s0  }
0xbe: {  	[sflag:s0] =	ssyncadd.remote.s32 $0x1  }
0xbf: {  	_ =	sfence.sel $0xFFFF  }
0xc0: {  	[dreg:$0x0] =	wrdreg $0xFFFFFFFF;
	(pc) =	sbr.abs _section_cstart, $3  }
0xc1: {  	[dreg:$0x1] =	wrdreg $0xFFFFFFFF  }
0xc2: {  	_ =	task.clear_ibuf [dreg:s6], $0x2FFFF;
	_ =	strace $0x9FFFFFFF  }
0xc3: {  	(tm) =	ssettm $0x7FFFFFFF  }
tec
execute0_lowered:
.L_overlay_start_1:
0x0: {  	(tag) =	ssettag $0x1  }
0x1: {  	s6 =	rddreg [dreg:$0x0]  }
0x2: {  	s2 =	rddreg [dreg:$0x1]  }
0x3: {  	s0 =	srdreg.scid;
	s3 =	rddreg [dreg:$0x2]  }
0x4: {  	s4 =	simm.s32 $0x0;
	s12 =	simm.s32 $0x2800;
	s16 =	simm.s32 $0x80  }
0x5: {  	s17 =	simm.s32 $0x5000;
	s18 =	simm.s32 $0x7000;
	s19 =	simm.s32 $0x1  }
0x6: {  	s20 =	simm.s32 $0x2;
	s21 =	simm.s32 $0x4F00;
	s22 =	simm.s32 $0x4F80  }
0x7: {  	s23 =	simm.s32 $0x0;
	s5 =	sand.u32 $0x1, s0;
	s0 =	stileid.u32  }
0x8: {  	[smem:$0x7FF] =	sst s4;
	s1 =	sshll.u32 s5, $0x4;
	s8 =	smul.u32 $0x9E00, s0  }
0x9: {  	s9 =	smul.u32 $0x9E000, s5;
	s5 =	ssub.s32 $0x2, s5;
	s13 =	sshll.u32 s0, $0x6  }
0xa: {  	s1 =	sor.u32 s0, s1;
	s11 =	sshrl.u32 s5, $0x1;
	s13 =	sor.u32 $0x1C03, s13  }
0xb: {  	s7 =	smul.u32 $0x500, s1;
	s1 =	rddreg [dreg:$0x3];
	_ =	strace $0x80000050  }
0xc: {  	s10 =	sshrl.u32 s8, $0x3;
	s9 =	sadd.s32 s8, s9;
	s11 =	ssub.s32 s5, s11  }
0xd: {  	s14 =	sadd.s32 s8, s2;
	s15 =	sadd.s32 s8, s3;
	s10 =	sadd.s32 s10, s6  }
0xe: {  	s9 =	sshrl.u32 s9, $0x3;
	s14 =	sshrl.u32 s14, $0x3;
	s15 =	sshrl.u32 s15, $0x3  }
0xf: {  	s7 =	sadd.s32 s7, s6;
	s9 =	sadd.s32 s9, s6;
	s8 =	sadd.s32 $0x2BE00, s10  }
0x10: {  	s5 =	sadd.s32 $0x21E00, s7;
	s6 =	sadd.s32 $0x17E00, s7;
	s7 =	sadd.s32 $0x4200, s10  }
0x11: {  	s9 =	sadd.s32 $0x67200, s9;
	s10 =	smax.u32 s11, $0x1;
	s11 =	simm.s32 $0x3  }
.LBB2_1:
0x12: {  	[tilespmem:s4], [sflag:$0x3] =	stream.linear.gather [hbm4b:s5+s4], $0x2800, $0x38;
	[tilespmem:$0x1CC00] =	vst v63  }
0x13: {  	_ =	swait.ge [sflag:s11], $0x2800  }
0x14: {  	[sflag:s11] =	ssyncset.done $0x0  }
0x15: {  	[sflag:s11] =	ssyncadd.s32 $0xFFFFD800  }
0x16: {  	[tilespmem:s12], [sflag:$0x3] =	stream.linear.gather [hbm4b:s6+s4], $0x2800, $0x38;
	[tilespmem:$0x1CC00] =	vst v63  }
0x17: {  	_ =	swait.ge [sflag:s11], $0x2800  }
0x18: {  	[sflag:s11] =	ssyncset.done $0x0  }
0x19: {  	[sflag:s11] =	ssyncadd.s32 $0xFFFFD800  }
0x1a: {  	[spmem:s14], [sflag:s13] =	dma.local [hbm:s7], $0x13C0  }
0x1b: {  	_ =	swait.ge [sflag:s11], $0x13C0  }
0x1c: {  	[sflag:s11] =	ssyncset.done $0x0  }
0x1d: {  	[sflag:s11] =	ssyncadd.s32 $0xFFFFEC40  }
0x1e: {  	[spmem:s15], [sflag:s13] =	dma.local [hbm:s8], $0x13C0  }
0x1f: {  	_ =	swait.ge [sflag:s11], $0x13C0  }
0x20: {  	[sflag:s11] =	ssyncset.done $0x0  }
0x21: {  	[sflag:s11] =	ssyncadd.s32 $0xFFFFEC40  }
0x22: {  	[bflag:$0x0] =	sbarrier.arrive $0xFFFF  }
0x23: {  	[tilespmem:s17], [sflag:$0x1] =	stream.indirect.gather [spmem:s2], $0x40, s4, s16, $0xb8;
	[tilespmem:$0x1CC00] =	vst v63  }
0x24: {  	_ = 	snop  }
0x25: {  	[tilespmem:s18], [sflag:$0x2] =	stream.indirect.gather [spmem:s2], $0x40, s16, s16, $0xb8;
	[tilespmem:$0x1CC00] =	vst v63  }
0x26: {  	_ =	swait.ge [sflag:s19], $0x2000  }
0x27: {  	[sflag:s19] =	ssyncset.done $0x0  }
0x28: {  	s24 =	simm.s32 $0x2800;
	[sflag:s19] =	ssyncadd.s32 $0xFFFFE000  }
0x29: {  	[spmem:s3] =	stream.indirect.scatter.add.f32 [tilespmem:s17], [sflag:$0x3], $0x40, s24, s16, $0xb8;
	[tilespmem:$0x1CC00] =	vst v63  }
0x2a: {  	_ =	swait.ge [sflag:s11], $0x2000  }
0x2b: {  	[sflag:s11] =	ssyncset.done $0x0  }
0x2c: {  	s30 =	simm.s32 $0x100;
	[sflag:s11] =	ssyncadd.s32 $0xFFFFE000  }
0x2d: {  	[tilespmem:s17], [sflag:$0x1] =	stream.indirect.gather [spmem:s2], $0x40, s30, s16, $0xb8;
	[tilespmem:$0x1CC00] =	vst v63  }
0x2e: {  	_ =	swait.ge [sflag:s20], $0x2000  }
0x2f: {  	[sflag:s20] =	ssyncset.done $0x0  }
0x30: {  	s31 =	simm.s32 $0x2880;
	[sflag:s20] =	ssyncadd.s32 $0xFFFFE000  }
0x31: {  	[spmem:s3] =	stream.indirect.scatter.add.f32 [tilespmem:s18], [sflag:$0x3], $0x40, s31, s16, $0xb8;
	[tilespmem:$0x1CC00] =	vst v63  }
0x32: {  	_ =	swait.ge [sflag:s11], $0x2000  }
0x33: {  	[sflag:s11] =	ssyncset.done $0x0  }
0x34: {  	s25 =	simm.s32 $0x180;
	s24 =	simm.s32 $0x400;
	[sflag:s11] =	ssyncadd.s32 $0xFFFFE000  }
.LBB2_2:
0x35: {  	[tilespmem:s18], [sflag:$0x2] =	stream.indirect.gather [spmem:s2], $0x40, s25, s16, $0xb8;
	[tilespmem:$0x1CC00] =	vst v63  }
0x36: {  	s25 =	smov.u32 s24  }
0x37: {  	p0 =	sne.s32 s24, $0x9800;
	s24 =	sadd.s32 $0x400, s24;
	_ =	swait.ge [sflag:s19], $0x2000  }
0x38: {  	s25 =	sshra.s32 s25, $0x2;
	[sflag:s19] =	ssyncset.done $0x0  }
0x39: {  	s26 =	sadd.s32 $0x2800, s25;
	[sflag:s19] =	ssyncadd.s32 $0xFFFFE000  }
0x3a: {  	[spmem:s3] =	stream.indirect.scatter.add.f32 [tilespmem:s17], [sflag:$0x3], $0x40, s26, s16, $0xb8;
	[tilespmem:$0x1CC00] =	vst v63  }
0x3b: {  	_ =	swait.ge [sflag:s11], $0x2000  }
0x3c: {  	[sflag:s11] =	ssyncset.done $0x0  }
0x3d: {  	s26 =	sadd.s32 $0x100, s25;
	[sflag:s11] =	ssyncadd.s32 $0xFFFFE000  }
0x3e: {  	[tilespmem:s17], [sflag:$0x1] =	stream.indirect.gather [spmem:s2], $0x40, s26, s16, $0xb8;
	[tilespmem:$0x1CC00] =	vst v63  }
0x3f: {  	_ =	swait.ge [sflag:s20], $0x2000  }
0x40: {  	[sflag:s20] =	ssyncset.done $0x0  }
.Ltmp0:
0x41: {  	s26 =	sadd.s32 $0x2880, s25;
	[sflag:s20] =	ssyncadd.s32 $0xFFFFE000;
	(pc) =	sbr.rel @p0 .LBB2_2-.Ltmp0, $4  }
0x42: {  	[spmem:s3] =	stream.indirect.scatter.add.f32 [tilespmem:s18], [sflag:$0x3], $0x40, s26, s16, $0xb8;
	[tilespmem:$0x1CC00] =	vst v63  }
0x43: {  	_ =	swait.ge [sflag:s11], $0x2000  }
0x44: {  	[sflag:s11] =	ssyncset.done $0x0  }
0x45: {  	s25 =	sadd.s32 $0x180, s25;
	[sflag:s11] =	ssyncadd.s32 $0xFFFFE000  }
0x46: {  	[tilespmem:s18], [sflag:$0x2] =	stream.indirect.gather [spmem:s2], $0x40, s25, s16, $0xb8;
	[tilespmem:$0x1CC00] =	vst v63  }
0x47: {  	_ =	swait.ge [sflag:s19], $0x2000  }
0x48: {  	[sflag:s19] =	ssyncset.done $0x0  }
0x49: {  	[sflag:s19] =	ssyncadd.s32 $0xFFFFE000  }
0x4a: {  	[spmem:s3] =	stream.indirect.scatter.add.f32 [tilespmem:s17], [sflag:$0x3], $0x40, s21, s16, $0xb8;
	[tilespmem:$0x1CC00] =	vst v63  }
0x4b: {  	_ =	swait.ge [sflag:s11], $0x2000  }
0x4c: {  	[sflag:s11] =	ssyncset.done $0x0  }
0x4d: {  	[sflag:s11] =	ssyncadd.s32 $0xFFFFE000  }
0x4e: {  	_ =	swait.ge [sflag:s20], $0x2000  }
0x4f: {  	[sflag:s20] =	ssyncset.done $0x0  }
0x50: {  	[sflag:s20] =	ssyncadd.s32 $0xFFFFE000  }
0x51: {  	[spmem:s3] =	stream.indirect.scatter.add.f32 [tilespmem:s18], [sflag:$0x3], $0x40, s22, s16, $0xb8;
	[tilespmem:$0x1CC00] =	vst v63  }
0x52: {  	_ =	swait.ge [sflag:s11], $0x2000  }
0x53: {  	s23 =	sadd.s32 $0x1, s23;
	[sflag:s11] =	ssyncset.done $0x0  }
0x54: {  	p0 =	sne.s32 s23, s10;
	[sflag:s11] =	ssyncadd.s32 $0xFFFFE000  }
.Ltmp1:
0x55: {  	[bflag:$0x0] =	sbarrier.arrive $0xFFFF;
	(pc) =	sbr.rel @p0 .LBB2_1-.Ltmp1, $4  }
0x56: {  	[hbm:s9], [sflag:s13] =	dma.local [spmem:s15], $0x13C0  }
0x57: {  	_ =	swait.ge [sflag:s11], $0x13C0  }
0x58: {  	[sflag:s11] =	ssyncset.done $0x0  }
0x59: {  	[sflag:s11] =	ssyncadd.s32 $0xFFFFEC40  }
0x5a: {  	_ =	sfence.sel $0x180000  }
0x5b: {  	[bflag:$0x0] =	sbarrier.arrive $0xFFFF  }
0x5c: {  	p0 =	sne.s32 s0, $0x0;
	_ =	strace $0x90000050  }
0x5d: {  	s0 =	sadd.s32 @!p0 $0x100000, s1;
	[bflag:$0x2] =	sbarrier.arrive $0xFFFF  }
0x5e: {  	[sflag:s0] =	ssyncadd.tile.s32 @!p0 $0x1;
	_ =	shalt  }
.Lfunc_end2:
_tile_overlayer_lowered:
.L_overlay_start_2:
0x5f: {  	(tag) =	ssettag $0x2  }
0x60: {  	s0 =	rddreg [dreg:$0x0];
	s2 =	stileid.u32  }
0x61: {  	s1 =	rddreg [dreg:$0x1];
	p0 =	sne.s32 s2, $0x0  }
0x62: {  	s3 =	rddreg [dreg:$0x2];
	[bflag:$0x3] =	sbarrier.arrive $0xFFFF;
	s2 =	simm.s32 @!p0 $0x1C03  }
0x63: {  	[timem:s3], [sflag:s2] =	dma.local @!p0 [hbm:s0], s1  }
0x64: {  	s0 =	simm.s32 @!p0 $0x3  }
0x65: {  	_ =	swait.ge @!p0 [sflag:s0], s1  }
0x66: {  	s1 =	ssub.s32 @!p0 $0x0, s1;
	[sflag:s0] =	ssyncset.done @!p0 $0x0  }
0x67: {  	[sflag:s0] =	ssyncadd.s32 @!p0 s1  }
0x68: {  	[bflag:$0x3] =	sbarrier.arrive $0xFFFF  }
0x69: {  	_ =	shalt  }

</sc_bundles>
